<compile_context>
chip_gen: v7x
topology: tpu7x:2x2x1
jax: 0.10.2.dev20260603
libtpu: 0.0.44.dev20260713+nightly
codegen_flags: <defaults>
</compile_context>

<pallas_src>
import functools

import jax
import jax.numpy as jnp
from jax import lax
from jax.experimental import pallas as pl
from jax.experimental.pallas import tpu as pltpu
from jax.experimental.pallas import tpu_sc as plsc

N_ABS = 512
N_MAPS = 100
MAX_POS = 1024
BATCH = 16384

NUM_CORES = 2
NUM_WORKERS = 16 * NUM_CORES
PER_W = BATCH // NUM_WORKERS
ROWS = PER_W // 128
LANES = 16

_E_CHUNK = 64
_E_NCHUNK = PER_W // _E_CHUNK
_E_NB = 3


def _sc_onehot_body(tbl_hbm, m_hbm, p_hbm, out_hbm,
                    m_v, p_v, idx_v, c_v, buf0, buf1, buf2,
                    gsem, dsem0, dsem1, dsem2):
    wid = lax.axis_index("c") * 16 + lax.axis_index("s")
    base = wid * PER_W
    mcp = pltpu.async_copy(m_hbm.at[wid], m_v, gsem)
    pcp = pltpu.async_copy(p_hbm.at[wid], p_v, gsem)
    mcp.wait()
    pcp.wait()
    for j in range(ROWS):
        for i in range(128 // LANES):
            sl = pl.ds(i * LANES, LANES)
            idx_v[j, sl] = m_v[j, sl] * MAX_POS + p_v[j, sl]
    gcopies = [pltpu.async_copy(tbl_hbm.at[idx_v.at[j]], c_v.at[j], gsem)
               for j in range(ROWS)]
    zero16 = jnp.zeros((LANES,), jnp.float32)
    bufs = (buf0, buf1, buf2)
    sems = (dsem0, dsem1, dsem2)
    row_iota = lax.iota(jnp.int32, LANES)
    ones16 = jnp.full((LANES,), 1.0, jnp.float32)

    def _zero_rows(buf, start, nrows):
        def _zrow(r, _):
            for k in range(N_ABS // LANES):
                buf[r, pl.ds(k * LANES, LANES)] = zero16
            return 0
        lax.fori_loop(start, start + nrows, _zrow, 0)

    def _set(buf, buf_row, gi, val):
        cvals = c_v[gi // 128, pl.ds(gi % 128, LANES)]
        plsc.store_scatter(buf, [row_iota + buf_row, cvals], val)

    _zero_rows(buf0, 0, _E_CHUNK)
    for cp in gcopies:
        cp.wait()
    dcopies = [None] * _E_NCHUNK
    for ch in range(_E_NCHUNK):
        b = ch % _E_NB
        if ch >= _E_NB:
            dcopies[ch - _E_NB].wait()
            pch = ch - _E_NB
            for k in range(_E_CHUNK // LANES):
                _set(bufs[b], k * LANES, pch * _E_CHUNK + k * LANES, zero16)
        for k in range(_E_CHUNK // LANES):
            _set(bufs[b], k * LANES, ch * _E_CHUNK + k * LANES, ones16)
        dcopies[ch] = pltpu.async_copy(
            bufs[b], out_hbm.at[pl.ds(base + ch * _E_CHUNK, _E_CHUNK), :], sems[b])
        if ch + 1 < _E_NB:
            _zero_rows(bufs[ch + 1], 0, _E_CHUNK)
    for ch in range(_E_NCHUNK - _E_NB, _E_NCHUNK):
        dcopies[ch].wait()


@functools.cache
def _sc_onehot():
    return pl.kernel(
        _sc_onehot_body,
        out_type=jax.ShapeDtypeStruct((BATCH, N_ABS), jnp.float32),
        mesh=plsc.VectorSubcoreMesh(core_axis_name="c", subcore_axis_name="s",
                                    num_cores=NUM_CORES),
        compiler_params=pltpu.CompilerParams(needs_layout_passes=False),
        scratch_types=[
            pltpu.VMEM((ROWS, 128), jnp.int32),
            pltpu.VMEM((ROWS, 128), jnp.int32),
            pltpu.VMEM((ROWS, 128), jnp.int32),
            pltpu.VMEM((ROWS, 128), jnp.int32),
            pltpu.VMEM((_E_CHUNK, N_ABS), jnp.float32),
            pltpu.VMEM((_E_CHUNK, N_ABS), jnp.float32),
            pltpu.VMEM((_E_CHUNK, N_ABS), jnp.float32),
            pltpu.SemaphoreType.DMA,
            pltpu.SemaphoreType.DMA,
            pltpu.SemaphoreType.DMA,
            pltpu.SemaphoreType.DMA,
        ],
    )


def kernel(map_ids, pos, abs_table):
    m3 = map_ids.astype(jnp.int32).reshape(NUM_WORKERS, ROWS, 128)
    p3 = pos.astype(jnp.int32).reshape(NUM_WORKERS, ROWS, 128)
    tbl = abs_table.astype(jnp.int32).reshape(-1)
    return _sc_onehot()(tbl, m3, p3)

# --- scband reference (transcript-rebuilt; emitter-appended) ---
"""Pipeline reference for scband-pos-abstract-encoder-515396076054 (READ-ONLY COPY).

The authoritative reference and input builder live on the scoring server;
editing this copy changes nothing except your own understanding.
"""

import jax, jax.numpy as jnp
import numpy as np

N_ABS = 512
N_MAPS = 100
MAX_POS = 1024
BATCH = 16384


def setup_inputs(seed: int = 0) -> dict:
    key = jax.random.key(seed)
    k1, k2, k3 = jax.random.split(key, 3)
    map_ids = jax.random.randint(k1, (BATCH,), 0, N_MAPS, dtype=jnp.int64 if jax.config.jax_enable_x64 else jnp.int32)
    pos = jax.random.randint(k2, (BATCH,), 0, MAX_POS, dtype=jnp.int64 if jax.config.jax_enable_x64 else jnp.int32)
    # abs_dict materialized as a dense table: abs_table[map_id, pos] -> abstract-state index in [0, N_ABS)
    abs_table = jax.random.randint(k3, (N_MAPS, MAX_POS), 0, N_ABS, dtype=jnp.int64 if jax.config.jax_enable_x64 else jnp.int32)
    return {"map_ids": map_ids, "pos": pos, "abs_table": abs_table}


def reference(map_ids, pos, abs_table):
    # c_indices = [abs_dict[map_id][pos] for map_id, pos in zip(...)]  -> vectorized 2D gather
    c_indices = abs_table[map_ids, pos]
    # cs = one_hot.encode(tensor(c_indices), dim=n_abs)
    cs = jax.nn.one_hot(c_indices, N_ABS, dtype=jnp.float32)
    return cs

if __name__ == "__main__":
    import jax
    _d = setup_inputs()
    print(jax.jit(kernel)(*tuple(_d.values())))

</pallas_src>

<mosaic_0001>
#map = affine_map<(d0, d1) -> (0)>
#map1 = affine_map<(d0, d1) -> (0, 0, 0)>
#map2 = affine_map<(d0, d1) -> (0, 0)>
module attributes {stable_mosaic.version = 14 : i64} {
  func.func @_sc_onehot_body(%arg0: i32, %arg1: i32, %arg2: memref<102400xi32, #tpu.memory_space<hbm>>, %arg3: memref<32x4x128xi32, #tpu.memory_space<hbm>>, %arg4: memref<32x4x128xi32, #tpu.memory_space<hbm>>, %arg5: memref<16384x512xf32, #tpu.memory_space<hbm>>, %arg6: memref<4x128xi32, #tpu.memory_space<vmem>>, %arg7: memref<4x128xi32, #tpu.memory_space<vmem>>, %arg8: memref<4x128xi32, #tpu.memory_space<vmem>>, %arg9: memref<4x128xi32, #tpu.memory_space<vmem>>, %arg10: memref<64x512xf32, #tpu.memory_space<vmem>>, %arg11: memref<64x512xf32, #tpu.memory_space<vmem>>, %arg12: memref<64x512xf32, #tpu.memory_space<vmem>>, %arg13: memref<!tpu.dma_semaphore, #tpu.memory_space<semaphore_mem>>, %arg14: memref<!tpu.dma_semaphore, #tpu.memory_space<semaphore_mem>>, %arg15: memref<!tpu.dma_semaphore, #tpu.memory_space<semaphore_mem>>, %arg16: memref<!tpu.dma_semaphore, #tpu.memory_space<semaphore_mem>>) attributes {dimension_semantics = [#tpu.dimension_semantics<core_parallel>, #tpu.dimension_semantics<subcore_parallel>], iteration_bounds = array<i64: 2, 16>, scalar_prefetch = 0 : i64, scratch_operands = 11 : i64, tpu.core_type = #tpu.core_type<sc_vector_subcore>, window_params = [{transform_indices = #map}, {transform_indices = #map1}, {transform_indices = #map1}, {transform_indices = #map2}]} {
    %mul3A = arith.constant 16 : i32
    %mul3A_0 = arith.muli %arg0, %mul3A : i32
    %add3A = arith.addi %mul3A_0, %arg1 : i32
    %mul3A_1 = arith.constant 512 : i32
    %mul3A_2 = arith.muli %add3A, %mul3A_1 : i32
    %dma_start3A = arith.constant 0 : i32
    %dma_start3A_3 = arith.constant 0 : i32
    %dma_start3A_4 = tpu.memref_slice %arg3[%add3A, %dma_start3A, %dma_start3A_3] : memref<32x4x128xi32, #tpu.memory_space<hbm>> -> memref<1x4x128xi32, #tpu.memory_space<hbm>>
    %dma_start3A_5 = tpu.memref_squeeze %dma_start3A_4 : memref<1x4x128xi32, #tpu.memory_space<hbm>> -> memref<4x128xi32, #tpu.memory_space<hbm>>
    %dma_start3A_6 = arith.constant 0 : i32
    %dma_start3A_7 = arith.constant 0 : i32
    %dma_start3A_8 = tpu.memref_slice %arg3[%add3A, %dma_start3A_6, %dma_start3A_7] : memref<32x4x128xi32, #tpu.memory_space<hbm>> -> memref<1x4x128xi32, #tpu.memory_space<hbm>>
    %dma_start3A_9 = tpu.memref_squeeze %dma_start3A_8 : memref<1x4x128xi32, #tpu.memory_space<hbm>> -> memref<4x128xi32, #tpu.memory_space<hbm>>
    tpu.enqueue_dma source(%dma_start3A_9 : memref<4x128xi32, #tpu.memory_space<hbm>>) target(%arg6 : memref<4x128xi32, #tpu.memory_space<vmem>>) target_semaphore(%arg13 : memref<!tpu.dma_semaphore, #tpu.memory_space<semaphore_mem>>)
    %dma_start3A_10 = arith.constant 0 : i32
    %dma_start3A_11 = arith.constant 0 : i32
    %dma_start3A_12 = tpu.memref_slice %arg4[%add3A, %dma_start3A_10, %dma_start3A_11] : memref<32x4x128xi32, #tpu.memory_space<hbm>> -> memref<1x4x128xi32, #tpu.memory_space<hbm>>
    %dma_start3A_13 = tpu.memref_squeeze %dma_start3A_12 : memref<1x4x128xi32, #tpu.memory_space<hbm>> -> memref<4x128xi32, #tpu.memory_space<hbm>>
    %dma_start3A_14 = arith.constant 0 : i32
    %dma_start3A_15 = arith.constant 0 : i32
    %dma_start3A_16 = tpu.memref_slice %arg4[%add3A, %dma_start3A_14, %dma_start3A_15] : memref<32x4x128xi32, #tpu.memory_space<hbm>> -> memref<1x4x128xi32, #tpu.memory_space<hbm>>
    %dma_start3A_17 = tpu.memref_squeeze %dma_start3A_16 : memref<1x4x128xi32, #tpu.memory_space<hbm>> -> memref<4x128xi32, #tpu.memory_space<hbm>>
    tpu.enqueue_dma source(%dma_start3A_17 : memref<4x128xi32, #tpu.memory_space<hbm>>) target(%arg7 : memref<4x128xi32, #tpu.memory_space<vmem>>) target_semaphore(%arg13 : memref<!tpu.dma_semaphore, #tpu.memory_space<semaphore_mem>>)
    %dma_wait3A = arith.constant 0 : i32
    %dma_wait3A_18 = arith.constant 0 : i32
    %dma_wait3A_19 = tpu.memref_slice %arg3[%add3A, %dma_wait3A, %dma_wait3A_18] : memref<32x4x128xi32, #tpu.memory_space<hbm>> -> memref<1x4x128xi32, #tpu.memory_space<hbm>>
    %dma_wait3A_20 = tpu.memref_squeeze %dma_wait3A_19 : memref<1x4x128xi32, #tpu.memory_space<hbm>> -> memref<4x128xi32, #tpu.memory_space<hbm>>
    %dma_wait3A_21 = arith.constant 0 : i32
    %dma_wait3A_22 = arith.constant 0 : i32
    %dma_wait3A_23 = tpu.memref_slice %arg3[%add3A, %dma_wait3A_21, %dma_wait3A_22] : memref<32x4x128xi32, #tpu.memory_space<hbm>> -> memref<1x4x128xi32, #tpu.memory_space<hbm>>
    %dma_wait3A_24 = tpu.memref_squeeze %dma_wait3A_23 : memref<1x4x128xi32, #tpu.memory_space<hbm>> -> memref<4x128xi32, #tpu.memory_space<hbm>>
    tpu.wait_dma2 semaphore(%arg13 : memref<!tpu.dma_semaphore, #tpu.memory_space<semaphore_mem>>) src(%dma_wait3A_24 : memref<4x128xi32, #tpu.memory_space<hbm>>) dst(%arg6 : memref<4x128xi32, #tpu.memory_space<vmem>>)
    %dma_wait3A_25 = arith.constant 0 : i32
    %dma_wait3A_26 = arith.constant 0 : i32
    %dma_wait3A_27 = tpu.memref_slice %arg4[%add3A, %dma_wait3A_25, %dma_wait3A_26] : memref<32x4x128xi32, #tpu.memory_space<hbm>> -> memref<1x4x128xi32, #tpu.memory_space<hbm>>
    %dma_wait3A_28 = tpu.memref_squeeze %dma_wait3A_27 : memref<1x4x128xi32, #tpu.memory_space<hbm>> -> memref<4x128xi32, #tpu.memory_space<hbm>>
    %dma_wait3A_29 = arith.constant 0 : i32
    %dma_wait3A_30 = arith.constant 0 : i32
    %dma_wait3A_31 = tpu.memref_slice %arg4[%add3A, %dma_wait3A_29, %dma_wait3A_30] : memref<32x4x128xi32, #tpu.memory_space<hbm>> -> memref<1x4x128xi32, #tpu.memory_space<hbm>>
    %dma_wait3A_32 = tpu.memref_squeeze %dma_wait3A_31 : memref<1x4x128xi32, #tpu.memory_space<hbm>> -> memref<4x128xi32, #tpu.memory_space<hbm>>
    tpu.wait_dma2 semaphore(%arg13 : memref<!tpu.dma_semaphore, #tpu.memory_space<semaphore_mem>>) src(%dma_wait3A_32 : memref<4x128xi32, #tpu.memory_space<hbm>>) dst(%arg7 : memref<4x128xi32, #tpu.memory_space<vmem>>)
    %get3A = arith.constant 0 : i32
    %get3A_33 = arith.index_cast %get3A : i32 to index
    %get3A_34 = arith.constant 0 : index
    %get3A_35 = tpu.vector_load %arg6[%get3A_33, %get3A_34] {strides = array<i32>} : memref<4x128xi32, #tpu.memory_space<vmem>>, vector<16xi32>,
    %mul3A_36 = arith.constant 1024 : i32
    %mul3A_37 = vector.broadcast %mul3A_36 : i32 to vector<16xi32>
    %mul3A_38 = arith.muli %get3A_35, %mul3A_37 : vector<16xi32>
    %get3A_39 = arith.constant 0 : i32
    %get3A_40 = arith.index_cast %get3A_39 : i32 to index
    %get3A_41 = arith.constant 0 : index
    %get3A_42 = tpu.vector_load %arg7[%get3A_40, %get3A_41] {strides = array<i32>} : memref<4x128xi32, #tpu.memory_space<vmem>>, vector<16xi32>,
    %add3A_43 = arith.addi %mul3A_38, %get3A_42 : vector<16xi32>
    %swap3A = arith.constant 0 : i32
    %swap3A_44 = arith.index_cast %swap3A : i32 to index
    %swap3A_45 = arith.constant 0 : index
    %swap3A_46 = tpu.vector_load %arg8[%swap3A_44, %swap3A_45] {strides = array<i32>} : memref<4x128xi32, #tpu.memory_space<vmem>>, vector<16xi32>,
    tpu.vector_store %arg8[%swap3A_44, %swap3A_45], %add3A_43 {strides = array<i32>} : memref<4x128xi32, #tpu.memory_space<vmem>>, vector<16xi32>,
    %get3A_47 = arith.constant 0 : i32
    %get3A_48 = arith.index_cast %get3A_47 : i32 to index
    %get3A_49 = arith.constant 16 : index
    %get3A_50 = tpu.vector_load %arg6[%get3A_48, %get3A_49] {strides = array<i32>} : memref<4x128xi32, #tpu.memory_space<vmem>>, vector<16xi32>,
    %mul3A_51 = arith.constant 1024 : i32
    %mul3A_52 = vector.broadcast %mul3A_51 : i32 to vector<16xi32>
    %mul3A_53 = arith.muli %get3A_50, %mul3A_52 : vector<16xi32>
    %get3A_54 = arith.constant 0 : i32
    %get3A_55 = arith.index_cast %get3A_54 : i32 to index
    %get3A_56 = arith.constant 16 : index
    %get3A_57 = tpu.vector_load %arg7[%get3A_55, %get3A_56] {strides = array<i32>} : memref<4x128xi32, #tpu.memory_space<vmem>>, vector<16xi32>,
    %add3A_58 = arith.addi %mul3A_53, %get3A_57 : vector<16xi32>
    %swap3A_59 = arith.constant 0 : i32
    %swap3A_60 = arith.index_cast %swap3A_59 : i32 to index
    %swap3A_61 = arith.constant 16 : index
    %swap3A_62 = tpu.vector_load %arg8[%swap3A_60, %swap3A_61] {strides = array<i32>} : memref<4x128xi32, #tpu.memory_space<vmem>>, vector<16xi32>,
    tpu.vector_store %arg8[%swap3A_60, %swap3A_61], %add3A_58 {strides = array<i32>} : memref<4x128xi32, #tpu.memory_space<vmem>>, vector<16xi32>,
    %get3A_63 = arith.constant 0 : i32
    %get3A_64 = arith.index_cast %get3A_63 : i32 to index
    %get3A_65 = arith.constant 32 : index
    %get3A_66 = tpu.vector_load %arg6[%get3A_64, %get3A_65] {strides = array<i32>} : memref<4x128xi32, #tpu.memory_space<vmem>>, vector<16xi32>,
    %mul3A_67 = arith.constant 1024 : i32
    %mul3A_68 = vector.broadcast %mul3A_67 : i32 to vector<16xi32>
    %mul3A_69 = arith.muli %get3A_66, %mul3A_68 : vector<16xi32>
    %get3A_70 = arith.constant 0 : i32
    %get3A_71 = arith.index_cast %get3A_70 : i32 to index
    %get3A_72 = arith.constant 32 : index
    %get3A_73 = tpu.vector_load %arg7[%get3A_71, %get3A_72] {strides = array<i32>} : memref<4x128xi32, #tpu.memory_space<vmem>>, vector<16xi32>,
    %add3A_74 = arith.addi %mul3A_69, %get3A_73 : vector<16xi32>
    %swap3A_75 = arith.constant 0 : i32
    %swap3A_76 = arith.index_cast %swap3A_75 : i32 to index
    %swap3A_77 = arith.constant 32 : index
    %swap3A_78 = tpu.vector_load %arg8[%swap3A_76, %swap3A_77] {strides = array<i32>} : memref<4x128xi32, #tpu.memory_space<vmem>>, vector<16xi32>,
    tpu.vector_store %arg8[%swap3A_76, %swap3A_77], %add3A_74 {strides = array<i32>} : memref<4x128xi32, #tpu.memory_space<vmem>>, vector<16xi32>,
    %get3A_79 = arith.constant 0 : i32
    %get3A_80 = arith.index_cast %get3A_79 : i32 to index
    %get3A_81 = arith.constant 48 : index
    %get3A_82 = tpu.vector_load %arg6[%get3A_80, %get3A_81] {strides = array<i32>} : memref<4x128xi32, #tpu.memory_space<vmem>>, vector<16xi32>,
    %mul3A_83 = arith.constant 1024 : i32
    %mul3A_84 = vector.broadcast %mul3A_83 : i32 to vector<16xi32>
    %mul3A_85 = arith.muli %get3A_82, %mul3A_84 : vector<16xi32>
    %get3A_86 = arith.constant 0 : i32
    %get3A_87 = arith.index_cast %get3A_86 : i32 to index
    %get3A_88 = arith.constant 48 : index
    %get3A_89 = tpu.vector_load %arg7[%get3A_87, %get3A_88] {strides = array<i32>} : memref<4x128xi32, #tpu.memory_space<vmem>>, vector<16xi32>,
    %add3A_90 = arith.addi %mul3A_85, %get3A_89 : vector<16xi32>
    %swap3A_91 = arith.constant 0 : i32
    %swap3A_92 = arith.index_cast %swap3A_91 : i32 to index
    %swap3A_93 = arith.constant 48 : index
    %swap3A_94 = tpu.vector_load %arg8[%swap3A_92, %swap3A_93] {strides = array<i32>} : memref<4x128xi32, #tpu.memory_space<vmem>>, vector<16xi32>,
    tpu.vector_store %arg8[%swap3A_92, %swap3A_93], %add3A_90 {strides = array<i32>} : memref<4x128xi32, #tpu.memory_space<vmem>>, vector<16xi32>,
    %get3A_95 = arith.constant 0 : i32
    %get3A_96 = arith.index_cast %get3A_95 : i32 to index
    %get3A_97 = arith.constant 64 : index
    %get3A_98 = tpu.vector_load %arg6[%get3A_96, %get3A_97] {strides = array<i32>} : memref<4x128xi32, #tpu.memory_space<vmem>>, vector<16xi32>,
    %mul3A_99 = arith.constant 1024 : i32
    %mul3A_100 = vector.broadcast %mul3A_99 : i32 to vector<16xi32>
    %mul3A_101 = arith.muli %get3A_98, %mul3A_100 : vector<16xi32>
    %get3A_102 = arith.constant 0 : i32
    %get3A_103 = arith.index_cast %get3A_102 : i32 to index
    %get3A_104 = arith.constant 64 : index
    %get3A_105 = tpu.vector_load %arg7[%get3A_103, %get3A_104] {strides = array<i32>} : memref<4x128xi32, #tpu.memory_space<vmem>>, vector<16xi32>,
    %add3A_106 = arith.addi %mul3A_101, %get3A_105 : vector<16xi32>
    %swap3A_107 = arith.constant 0 : i32
    %swap3A_108 = arith.index_cast %swap3A_107 : i32 to index
    %swap3A_109 = arith.constant 64 : index
    %swap3A_110 = tpu.vector_load %arg8[%swap3A_108, %swap3A_109] {strides = array<i32>} : memref<4x128xi32, #tpu.memory_space<vmem>>, vector<16xi32>,
    tpu.vector_store %arg8[%swap3A_108, %swap3A_109], %add3A_106 {strides = array<i32>} : memref<4x128xi32, #tpu.memory_space<vmem>>, vector<16xi32>,
    %get3A_111 = arith.constant 0 : i32
    %get3A_112 = arith.index_cast %get3A_111 : i32 to index
    %get3A_113 = arith.constant 80 : index
    %get3A_114 = tpu.vector_load %arg6[%get3A_112, %get3A_113] {strides = array<i32>} : memref<4x128xi32, #tpu.memory_space<vmem>>, vector<16xi32>,
    %mul3A_115 = arith.constant 1024 : i32
    %mul3A_116 = vector.broadcast %mul3A_115 : i32 to vector<16xi32>
    %mul3A_117 = arith.muli %get3A_114, %mul3A_116 : vector<16xi32>
    %get3A_118 = arith.constant 0 : i32
    %get3A_119 = arith.index_cast %get3A_118 : i32 to index
    %get3A_120 = arith.constant 80 : index
    %get3A_121 = tpu.vector_load %arg7[%get3A_119, %get3A_120] {strides = array<i32>} : memref<4x128xi32, #tpu.memory_space<vmem>>, vector<16xi32>,
    %add3A_122 = arith.addi %mul3A_117, %get3A_121 : vector<16xi32>
    %swap3A_123 = arith.constant 0 : i32
    %swap3A_124 = arith.index_cast %swap3A_123 : i32 to index
    %swap3A_125 = arith.constant 80 : index
    %swap3A_126 = tpu.vector_load %arg8[%swap3A_124, %swap3A_125] {strides = array<i32>} : memref<4x128xi32, #tpu.memory_space<vmem>>, vector<16xi32>,
    tpu.vector_store %arg8[%swap3A_124, %swap3A_125], %add3A_122 {strides = array<i32>} : memref<4x128xi32, #tpu.memory_space<vmem>>, vector<16xi32>,
    %get3A_127 = arith.constant 0 : i32
    %get3A_128 = arith.index_cast %get3A_127 : i32 to index
    %get3A_129 = arith.constant 96 : index
    %get3A_130 = tpu.vector_load %arg6[%get3A_128, %get3A_129] {strides = array<i32>} : memref<4x128xi32, #tpu.memory_space<vmem>>, vector<16xi32>,
    %mul3A_131 = arith.constant 1024 : i32
    %mul3A_132 = vector.broadcast %mul3A_131 : i32 to vector<16xi32>
    %mul3A_133 = arith.muli %get3A_130, %mul3A_132 : vector<16xi32>
    %get3A_134 = arith.constant 0 : i32
    %get3A_135 = arith.index_cast %get3A_134 : i32 to index
    %get3A_136 = arith.constant 96 : index
    %get3A_137 = tpu.vector_load %arg7[%get3A_135, %get3A_136] {strides = array<i32>} : memref<4x128xi32, #tpu.memory_space<vmem>>, vector<16xi32>,
    %add3A_138 = arith.addi %mul3A_133, %get3A_137 : vector<16xi32>
    %swap3A_139 = arith.constant 0 : i32
    %swap3A_140 = arith.index_cast %swap3A_139 : i32 to index
    %swap3A_141 = arith.constant 96 : index
    %swap3A_142 = tpu.vector_load %arg8[%swap3A_140, %swap3A_141] {strides = array<i32>} : memref<4x128xi32, #tpu.memory_space<vmem>>, vector<16xi32>,
    tpu.vector_store %arg8[%swap3A_140, %swap3A_141], %add3A_138 {strides = array<i32>} : memref<4x128xi32, #tpu.memory_space<vmem>>, vector<16xi32>,
    %get3A_143 = arith.constant 0 : i32
    %get3A_144 = arith.index_cast %get3A_143 : i32 to index
    %get3A_145 = arith.constant 112 : index
    %get3A_146 = tpu.vector_load %arg6[%get3A_144, %get3A_145] {strides = array<i32>} : memref<4x128xi32, #tpu.memory_space<vmem>>, vector<16xi32>,
    %mul3A_147 = arith.constant 1024 : i32
    %mul3A_148 = vector.broadcast %mul3A_147 : i32 to vector<16xi32>
    %mul3A_149 = arith.muli %get3A_146, %mul3A_148 : vector<16xi32>
    %get3A_150 = arith.constant 0 : i32
    %get3A_151 = arith.index_cast %get3A_150 : i32 to index
    %get3A_152 = arith.constant 112 : index
    %get3A_153 = tpu.vector_load %arg7[%get3A_151, %get3A_152] {strides = array<i32>} : memref<4x128xi32, #tpu.memory_space<vmem>>, vector<16xi32>,
    %add3A_154 = arith.addi %mul3A_149, %get3A_153 : vector<16xi32>
    %swap3A_155 = arith.constant 0 : i32
    %swap3A_156 = arith.index_cast %swap3A_155 : i32 to index
    %swap3A_157 = arith.constant 112 : index
    %swap3A_158 = tpu.vector_load %arg8[%swap3A_156, %swap3A_157] {strides = array<i32>} : memref<4x128xi32, #tpu.memory_space<vmem>>, vector<16xi32>,
    tpu.vector_store %arg8[%swap3A_156, %swap3A_157], %add3A_154 {strides = array<i32>} : memref<4x128xi32, #tpu.memory_space<vmem>>, vector<16xi32>,
    %get3A_159 = arith.constant 1 : i32
    %get3A_160 = arith.index_cast %get3A_159 : i32 to index
    %get3A_161 = arith.constant 0 : index
    %get3A_162 = tpu.vector_load %arg6[%get3A_160, %get3A_161] {strides = array<i32>} : memref<4x128xi32, #tpu.memory_space<vmem>>, vector<16xi32>,
    %mul3A_163 = arith.constant 1024 : i32
    %mul3A_164 = vector.broadcast %mul3A_163 : i32 to vector<16xi32>
    %mul3A_165 = arith.muli %get3A_162, %mul3A_164 : vector<16xi32>
    %get3A_166 = arith.constant 1 : i32
    %get3A_167 = arith.index_cast %get3A_166 : i32 to index
    %get3A_168 = arith.constant 0 : index
    %get3A_169 = tpu.vector_load %arg7[%get3A_167, %get3A_168] {strides = array<i32>} : memref<4x128xi32, #tpu.memory_space<vmem>>, vector<16xi32>,
    %add3A_170 = arith.addi %mul3A_165, %get3A_169 : vector<16xi32>
    %swap3A_171 = arith.constant 1 : i32
    %swap3A_172 = arith.index_cast %swap3A_171 : i32 to index
    %swap3A_173 = arith.constant 0 : index
    %swap3A_174 = tpu.vector_load %arg8[%swap3A_172, %swap3A_173] {strides = array<i32>} : memref<4x128xi32, #tpu.memory_space<vmem>>, vector<16xi32>,
    tpu.vector_store %arg8[%swap3A_172, %swap3A_173], %add3A_170 {strides = array<i32>} : memref<4x128xi32, #tpu.memory_space<vmem>>, vector<16xi32>,
    %get3A_175 = arith.constant 1 : i32
    %get3A_176 = arith.index_cast %get3A_175 : i32 to index
    %get3A_177 = arith.constant 16 : index
    %get3A_178 = tpu.vector_load %arg6[%get3A_176, %get3A_177] {strides = array<i32>} : memref<4x128xi32, #tpu.memory_space<vmem>>, vector<16xi32>,
    %mul3A_179 = arith.constant 1024 : i32
    %mul3A_180 = vector.broadcast %mul3A_179 : i32 to vector<16xi32>
    %mul3A_181 = arith.muli %get3A_178, %mul3A_180 : vector<16xi32>
    %get3A_182 = arith.constant 1 : i32
    %get3A_183 = arith.index_cast %get3A_182 : i32 to index
    %get3A_184 = arith.constant 16 : index
    %get3A_185 = tpu.vector_load %arg7[%get3A_183, %get3A_184] {strides = array<i32>} : memref<4x128xi32, #tpu.memory_space<vmem>>, vector<16xi32>,
    %add3A_186 = arith.addi %mul3A_181, %get3A_185 : vector<16xi32>
    %swap3A_187 = arith.constant 1 : i32
    %swap3A_188 = arith.index_cast %swap3A_187 : i32 to index
    %swap3A_189 = arith.constant 16 : index
    %swap3A_190 = tpu.vector_load %arg8[%swap3A_188, %swap3A_189] {strides = array<i32>} : memref<4x128xi32, #tpu.memory_space<vmem>>, vector<16xi32>,
    tpu.vector_store %arg8[%swap3A_188, %swap3A_189], %add3A_186 {strides = array<i32>} : memref<4x128xi32, #tpu.memory_space<vmem>>, vector<16xi32>,
    %get3A_191 = arith.constant 1 : i32
    %get3A_192 = arith.index_cast %get3A_191 : i32 to index
    %get3A_193 = arith.constant 32 : index
    %get3A_194 = tpu.vector_load %arg6[%get3A_192, %get3A_193] {strides = array<i32>} : memref<4x128xi32, #tpu.memory_space<vmem>>, vector<16xi32>,
    %mul3A_195 = arith.constant 1024 : i32
    %mul3A_196 = vector.broadcast %mul3A_195 : i32 to vector<16xi32>
    %mul3A_197 = arith.muli %get3A_194, %mul3A_196 : vector<16xi32>
    %get3A_198 = arith.constant 1 : i32
    %get3A_199 = arith.index_cast %get3A_198 : i32 to index
    %get3A_200 = arith.constant 32 : index
    %get3A_201 = tpu.vector_load %arg7[%get3A_199, %get3A_200] {strides = array<i32>} : memref<4x128xi32, #tpu.memory_space<vmem>>, vector<16xi32>,
    %add3A_202 = arith.addi %mul3A_197, %get3A_201 : vector<16xi32>
    %swap3A_203 = arith.constant 1 : i32
    %swap3A_204 = arith.index_cast %swap3A_203 : i32 to index
    %swap3A_205 = arith.constant 32 : index
    %swap3A_206 = tpu.vector_load %arg8[%swap3A_204, %swap3A_205] {strides = array<i32>} : memref<4x128xi32, #tpu.memory_space<vmem>>, vector<16xi32>,
    tpu.vector_store %arg8[%swap3A_204, %swap3A_205], %add3A_202 {strides = array<i32>} : memref<4x128xi32, #tpu.memory_space<vmem>>, vector<16xi32>,
    %get3A_207 = arith.constant 1 : i32
    %get3A_208 = arith.index_cast %get3A_207 : i32 to index
    %get3A_209 = arith.constant 48 : index
    %get3A_210 = tpu.vector_load %arg6[%get3A_208, %get3A_209] {strides = array<i32>} : memref<4x128xi32, #tpu.memory_space<vmem>>, vector<16xi32>,
    %mul3A_211 = arith.constant 1024 : i32
    %mul3A_212 = vector.broadcast %mul3A_211 : i32 to vector<16xi32>
    %mul3A_213 = arith.muli %get3A_210, %mul3A_212 : vector<16xi32>
    %get3A_214 = arith.constant 1 : i32
    %get3A_215 = arith.index_cast %get3A_214 : i32 to index
    %get3A_216 = arith.constant 48 : index
    %get3A_217 = tpu.vector_load %arg7[%get3A_215, %get3A_216] {strides = array<i32>} : memref<4x128xi32, #tpu.memory_space<vmem>>, vector<16xi32>,
    %add3A_218 = arith.addi %mul3A_213, %get3A_217 : vector<16xi32>
    %swap3A_219 = arith.constant 1 : i32
    %swap3A_220 = arith.index_cast %swap3A_219 : i32 to index
    %swap3A_221 = arith.constant 48 : index
    %swap3A_222 = tpu.vector_load %arg8[%swap3A_220, %swap3A_221] {strides = array<i32>} : memref<4x128xi32, #tpu.memory_space<vmem>>, vector<16xi32>,
    tpu.vector_store %arg8[%swap3A_220, %swap3A_221], %add3A_218 {strides = array<i32>} : memref<4x128xi32, #tpu.memory_space<vmem>>, vector<16xi32>,
    %get3A_223 = arith.constant 1 : i32
    %get3A_224 = arith.index_cast %get3A_223 : i32 to index
    %get3A_225 = arith.constant 64 : index
    %get3A_226 = tpu.vector_load %arg6[%get3A_224, %get3A_225] {strides = array<i32>} : memref<4x128xi32, #tpu.memory_space<vmem>>, vector<16xi32>,
    %mul3A_227 = arith.constant 1024 : i32
    %mul3A_228 = vector.broadcast %mul3A_227 : i32 to vector<16xi32>
    %mul3A_229 = arith.muli %get3A_226, %mul3A_228 : vector<16xi32>
    %get3A_230 = arith.constant 1 : i32
    %get3A_231 = arith.index_cast %get3A_230 : i32 to index
    %get3A_232 = arith.constant 64 : index
    %get3A_233 = tpu.vector_load %arg7[%get3A_231, %get3A_232] {strides = array<i32>} : memref<4x128xi32, #tpu.memory_space<vmem>>, vector<16xi32>,
    %add3A_234 = arith.addi %mul3A_229, %get3A_233 : vector<16xi32>
    %swap3A_235 = arith.constant 1 : i32
    %swap3A_236 = arith.index_cast %swap3A_235 : i32 to index
    %swap3A_237 = arith.constant 64 : index
    %swap3A_238 = tpu.vector_load %arg8[%swap3A_236, %swap3A_237] {strides = array<i32>} : memref<4x128xi32, #tpu.memory_space<vmem>>, vector<16xi32>,
    tpu.vector_store %arg8[%swap3A_236, %swap3A_237], %add3A_234 {strides = array<i32>} : memref<4x128xi32, #tpu.memory_space<vmem>>, vector<16xi32>,
    %get3A_239 = arith.constant 1 : i32
    %get3A_240 = arith.index_cast %get3A_239 : i32 to index
    %get3A_241 = arith.constant 80 : index
    %get3A_242 = tpu.vector_load %arg6[%get3A_240, %get3A_241] {strides = array<i32>} : memref<4x128xi32, #tpu.memory_space<vmem>>, vector<16xi32>,
    %mul3A_243 = arith.constant 1024 : i32
    %mul3A_244 = vector.broadcast %mul3A_243 : i32 to vector<16xi32>
    %mul3A_245 = arith.muli %get3A_242, %mul3A_244 : vector<16xi32>
    %get3A_246 = arith.constant 1 : i32
    %get3A_247 = arith.index_cast %get3A_246 : i32 to index
    %get3A_248 = arith.constant 80 : index
    %get3A_249 = tpu.vector_load %arg7[%get3A_247, %get3A_248] {strides = array<i32>} : memref<4x128xi32, #tpu.memory_space<vmem>>, vector<16xi32>,
    %add3A_250 = arith.addi %mul3A_245, %get3A_249 : vector<16xi32>
    %swap3A_251 = arith.constant 1 : i32
    %swap3A_252 = arith.index_cast %swap3A_251 : i32 to index
    %swap3A_253 = arith.constant 80 : index
    %swap3A_254 = tpu.vector_load %arg8[%swap3A_252, %swap3A_253] {strides = array<i32>} : memref<4x128xi32, #tpu.memory_space<vmem>>, vector<16xi32>,
    tpu.vector_store %arg8[%swap3A_252, %swap3A_253], %add3A_250 {strides = array<i32>} : memref<4x128xi32, #tpu.memory_space<vmem>>, vector<16xi32>,
    %get3A_255 = arith.constant 1 : i32
    %get3A_256 = arith.index_cast %get3A_255 : i32 to index
    %get3A_257 = arith.constant 96 : index
    %get3A_258 = tpu.vector_load %arg6[%get3A_256, %get3A_257] {strides = array<i32>} : memref<4x128xi32, #tpu.memory_space<vmem>>, vector<16xi32>,
    %mul3A_259 = arith.constant 1024 : i32
    %mul3A_260 = vector.broadcast %mul3A_259 : i32 to vector<16xi32>
    %mul3A_261 = arith.muli %get3A_258, %mul3A_260 : vector<16xi32>
    %get3A_262 = arith.constant 1 : i32
    %get3A_263 = arith.index_cast %get3A_262 : i32 to index
    %get3A_264 = arith.constant 96 : index
    %get3A_265 = tpu.vector_load %arg7[%get3A_263, %get3A_264] {strides = array<i32>} : memref<4x128xi32, #tpu.memory_space<vmem>>, vector<16xi32>,
    %add3A_266 = arith.addi %mul3A_261, %get3A_265 : vector<16xi32>
    %swap3A_267 = arith.constant 1 : i32
    %swap3A_268 = arith.index_cast %swap3A_267 : i32 to index
    %swap3A_269 = arith.constant 96 : index
    %swap3A_270 = tpu.vector_load %arg8[%swap3A_268, %swap3A_269] {strides = array<i32>} : memref<4x128xi32, #tpu.memory_space<vmem>>, vector<16xi32>,
    tpu.vector_store %arg8[%swap3A_268, %swap3A_269], %add3A_266 {strides = array<i32>} : memref<4x128xi32, #tpu.memory_space<vmem>>, vector<16xi32>,
    %get3A_271 = arith.constant 1 : i32
    %get3A_272 = arith.index_cast %get3A_271 : i32 to index
    %get3A_273 = arith.constant 112 : index
    %get3A_274 = tpu.vector_load %arg6[%get3A_272, %get3A_273] {strides = array<i32>} : memref<4x128xi32, #tpu.memory_space<vmem>>, vector<16xi32>,
    %mul3A_275 = arith.constant 1024 : i32
    %mul3A_276 = vector.broadcast %mul3A_275 : i32 to vector<16xi32>
    %mul3A_277 = arith.muli %get3A_274, %mul3A_276 : vector<16xi32>
    %get3A_278 = arith.constant 1 : i32
    %get3A_279 = arith.index_cast %get3A_278 : i32 to index
    %get3A_280 = arith.constant 112 : index
    %get3A_281 = tpu.vector_load %arg7[%get3A_279, %get3A_280] {strides = array<i32>} : memref<4x128xi32, #tpu.memory_space<vmem>>, vector<16xi32>,
    %add3A_282 = arith.addi %mul3A_277, %get3A_281 : vector<16xi32>
    %swap3A_283 = arith.constant 1 : i32
    %swap3A_284 = arith.index_cast %swap3A_283 : i32 to index
    %swap3A_285 = arith.constant 112 : index
    %swap3A_286 = tpu.vector_load %arg8[%swap3A_284, %swap3A_285] {strides = array<i32>} : memref<4x128xi32, #tpu.memory_space<vmem>>, vector<16xi32>,
    tpu.vector_store %arg8[%swap3A_284, %swap3A_285], %add3A_282 {strides = array<i32>} : memref<4x128xi32, #tpu.memory_space<vmem>>, vector<16xi32>,
    %get3A_287 = arith.constant 2 : i32
    %get3A_288 = arith.index_cast %get3A_287 : i32 to index
    %get3A_289 = arith.constant 0 : index
    %get3A_290 = tpu.vector_load %arg6[%get3A_288, %get3A_289] {strides = array<i32>} : memref<4x128xi32, #tpu.memory_space<vmem>>, vector<16xi32>,
    %mul3A_291 = arith.constant 1024 : i32
    %mul3A_292 = vector.broadcast %mul3A_291 : i32 to vector<16xi32>
    %mul3A_293 = arith.muli %get3A_290, %mul3A_292 : vector<16xi32>
    %get3A_294 = arith.constant 2 : i32
    %get3A_295 = arith.index_cast %get3A_294 : i32 to index
    %get3A_296 = arith.constant 0 : index
    %get3A_297 = tpu.vector_load %arg7[%get3A_295, %get3A_296] {strides = array<i32>} : memref<4x128xi32, #tpu.memory_space<vmem>>, vector<16xi32>,
    %add3A_298 = arith.addi %mul3A_293, %get3A_297 : vector<16xi32>
    %swap3A_299 = arith.constant 2 : i32
    %swap3A_300 = arith.index_cast %swap3A_299 : i32 to index
    %swap3A_301 = arith.constant 0 : index
    %swap3A_302 = tpu.vector_load %arg8[%swap3A_300, %swap3A_301] {strides = array<i32>} : memref<4x128xi32, #tpu.memory_space<vmem>>, vector<16xi32>,
    tpu.vector_store %arg8[%swap3A_300, %swap3A_301], %add3A_298 {strides = array<i32>} : memref<4x128xi32, #tpu.memory_space<vmem>>, vector<16xi32>,
    %get3A_303 = arith.constant 2 : i32
    %get3A_304 = arith.index_cast %get3A_303 : i32 to index
    %get3A_305 = arith.constant 16 : index
    %get3A_306 = tpu.vector_load %arg6[%get3A_304, %get3A_305] {strides = array<i32>} : memref<4x128xi32, #tpu.memory_space<vmem>>, vector<16xi32>,
    %mul3A_307 = arith.constant 1024 : i32
    %mul3A_308 = vector.broadcast %mul3A_307 : i32 to vector<16xi32>
    %mul3A_309 = arith.muli %get3A_306, %mul3A_308 : vector<16xi32>
    %get3A_310 = arith.constant 2 : i32
    %get3A_311 = arith.index_cast %get3A_310 : i32 to index
    %get3A_312 = arith.constant 16 : index
    %get3A_313 = tpu.vector_load %arg7[%get3A_311, %get3A_312] {strides = array<i32>} : memref<4x128xi32, #tpu.memory_space<vmem>>, vector<16xi32>,
    %add3A_314 = arith.addi %mul3A_309, %get3A_313 : vector<16xi32>
    %swap3A_315 = arith.constant 2 : i32
    %swap3A_316 = arith.index_cast %swap3A_315 : i32 to index
    %swap3A_317 = arith.constant 16 : index
    %swap3A_318 = tpu.vector_load %arg8[%swap3A_316, %swap3A_317] {strides = array<i32>} : memref<4x128xi32, #tpu.memory_space<vmem>>, vector<16xi32>,
    tpu.vector_store %arg8[%swap3A_316, %swap3A_317], %add3A_314 {strides = array<i32>} : memref<4x128xi32, #tpu.memory_space<vmem>>, vector<16xi32>,
    %get3A_319 = arith.constant 2 : i32
    %get3A_320 = arith.index_cast %get3A_319 : i32 to index
    %get3A_321 = arith.constant 32 : index
    %get3A_322 = tpu.vector_load %arg6[%get3A_320, %get3A_321] {strides = array<i32>} : memref<4x128xi32, #tpu.memory_space<vmem>>, vector<16xi32>,
    %mul3A_323 = arith.constant 1024 : i32
    %mul3A_324 = vector.broadcast %mul3A_323 : i32 to vector<16xi32>
    %mul3A_325 = arith.muli %get3A_322, %mul3A_324 : vector<16xi32>
    %get3A_326 = arith.constant 2 : i32
    %get3A_327 = arith.index_cast %get3A_326 : i32 to index
    %get3A_328 = arith.constant 32 : index
    %get3A_329 = tpu.vector_load %arg7[%get3A_327, %get3A_328] {strides = array<i32>} : memref<4x128xi32, #tpu.memory_space<vmem>>, vector<16xi32>,
    %add3A_330 = arith.addi %mul3A_325, %get3A_329 : vector<16xi32>
    %swap3A_331 = arith.constant 2 : i32
    %swap3A_332 = arith.index_cast %swap3A_331 : i32 to index
    %swap3A_333 = arith.constant 32 : index
    %swap3A_334 = tpu.vector_load %arg8[%swap3A_332, %swap3A_333] {strides = array<i32>} : memref<4x128xi32, #tpu.memory_space<vmem>>, vector<16xi32>,
    tpu.vector_store %arg8[%swap3A_332, %swap3A_333], %add3A_330 {strides = array<i32>} : memref<4x128xi32, #tpu.memory_space<vmem>>, vector<16xi32>,
    %get3A_335 = arith.constant 2 : i32
    %get3A_336 = arith.index_cast %get3A_335 : i32 to index
    %get3A_337 = arith.constant 48 : index
    %get3A_338 = tpu.vector_load %arg6[%get3A_336, %get3A_337] {strides = array<i32>} : memref<4x128xi32, #tpu.memory_space<vmem>>, vector<16xi32>,
    %mul3A_339 = arith.constant 1024 : i32
    %mul3A_340 = vector.broadcast %mul3A_339 : i32 to vector<16xi32>
    %mul3A_341 = arith.muli %get3A_338, %mul3A_340 : vector<16xi32>
    %get3A_342 = arith.constant 2 : i32
    %get3A_343 = arith.index_cast %get3A_342 : i32 to index
    %get3A_344 = arith.constant 48 : index
    %get3A_345 = tpu.vector_load %arg7[%get3A_343, %get3A_344] {strides = array<i32>} : memref<4x128xi32, #tpu.memory_space<vmem>>, vector<16xi32>,
    %add3A_346 = arith.addi %mul3A_341, %get3A_345 : vector<16xi32>
    %swap3A_347 = arith.constant 2 : i32
    %swap3A_348 = arith.index_cast %swap3A_347 : i32 to index
    %swap3A_349 = arith.constant 48 : index
    %swap3A_350 = tpu.vector_load %arg8[%swap3A_348, %swap3A_349] {strides = array<i32>} : memref<4x128xi32, #tpu.memory_space<vmem>>, vector<16xi32>,
    tpu.vector_store %arg8[%swap3A_348, %swap3A_349], %add3A_346 {strides = array<i32>} : memref<4x128xi32, #tpu.memory_space<vmem>>, vector<16xi32>,
    %get3A_351 = arith.constant 2 : i32
    %get3A_352 = arith.index_cast %get3A_351 : i32 to index
    %get3A_353 = arith.constant 64 : index
    %get3A_354 = tpu.vector_load %arg6[%get3A_352, %get3A_353] {strides = array<i32>} : memref<4x128xi32, #tpu.memory_space<vmem>>, vector<16xi32>,
    %mul3A_355 = arith.constant 1024 : i32
    %mul3A_356 = vector.broadcast %mul3A_355 : i32 to vector<16xi32>
    %mul3A_357 = arith.muli %get3A_354, %mul3A_356 : vector<16xi32>
    %get3A_358 = arith.constant 2 : i32
    %get3A_359 = arith.index_cast %get3A_358 : i32 to index
    %get3A_360 = arith.constant 64 : index
    %get3A_361 = tpu.vector_load %arg7[%get3A_359, %get3A_360] {strides = array<i32>} : memref<4x128xi32, #tpu.memory_space<vmem>>, vector<16xi32>,
    %add3A_362 = arith.addi %mul3A_357, %get3A_361 : vector<16xi32>
    %swap3A_363 = arith.constant 2 : i32
    %swap3A_364 = arith.index_cast %swap3A_363 : i32 to index
    %swap3A_365 = arith.constant 64 : index
    %swap3A_366 = tpu.vector_load %arg8[%swap3A_364, %swap3A_365] {strides = array<i32>} : memref<4x128xi32, #tpu.memory_space<vmem>>, vector<16xi32>,
    tpu.vector_store %arg8[%swap3A_364, %swap3A_365], %add3A_362 {strides = array<i32>} : memref<4x128xi32, #tpu.memory_space<vmem>>, vector<16xi32>,
    %get3A_367 = arith.constant 2 : i32
    %get3A_368 = arith.index_cast %get3A_367 : i32 to index
    %get3A_369 = arith.constant 80 : index
    %get3A_370 = tpu.vector_load %arg6[%get3A_368, %get3A_369] {strides = array<i32>} : memref<4x128xi32, #tpu.memory_space<vmem>>, vector<16xi32>,
    %mul3A_371 = arith.constant 1024 : i32
    %mul3A_372 = vector.broadcast %mul3A_371 : i32 to vector<16xi32>
    %mul3A_373 = arith.muli %get3A_370, %mul3A_372 : vector<16xi32>
    %get3A_374 = arith.constant 2 : i32
    %get3A_375 = arith.index_cast %get3A_374 : i32 to index
    %get3A_376 = arith.constant 80 : index
    %get3A_377 = tpu.vector_load %arg7[%get3A_375, %get3A_376] {strides = array<i32>} : memref<4x128xi32, #tpu.memory_space<vmem>>, vector<16xi32>,
    %add3A_378 = arith.addi %mul3A_373, %get3A_377 : vector<16xi32>
    %swap3A_379 = arith.constant 2 : i32
    %swap3A_380 = arith.index_cast %swap3A_379 : i32 to index
    %swap3A_381 = arith.constant 80 : index
    %swap3A_382 = tpu.vector_load %arg8[%swap3A_380, %swap3A_381] {strides = array<i32>} : memref<4x128xi32, #tpu.memory_space<vmem>>, vector<16xi32>,
    tpu.vector_store %arg8[%swap3A_380, %swap3A_381], %add3A_378 {strides = array<i32>} : memref<4x128xi32, #tpu.memory_space<vmem>>, vector<16xi32>,
    %get3A_383 = arith.constant 2 : i32
    %get3A_384 = arith.index_cast %get3A_383 : i32 to index
    %get3A_385 = arith.constant 96 : index
    %get3A_386 = tpu.vector_load %arg6[%get3A_384, %get3A_385] {strides = array<i32>} : memref<4x128xi32, #tpu.memory_space<vmem>>, vector<16xi32>,
    %mul3A_387 = arith.constant 1024 : i32
    %mul3A_388 = vector.broadcast %mul3A_387 : i32 to vector<16xi32>
    %mul3A_389 = arith.muli %get3A_386, %mul3A_388 : vector<16xi32>
    %get3A_390 = arith.constant 2 : i32
    %get3A_391 = arith.index_cast %get3A_390 : i32 to index
    %get3A_392 = arith.constant 96 : index
    %get3A_393 = tpu.vector_load %arg7[%get3A_391, %get3A_392] {strides = array<i32>} : memref<4x128xi32, #tpu.memory_space<vmem>>, vector<16xi32>,
    %add3A_394 = arith.addi %mul3A_389, %get3A_393 : vector<16xi32>
    %swap3A_395 = arith.constant 2 : i32
    %swap3A_396 = arith.index_cast %swap3A_395 : i32 to index
    %swap3A_397 = arith.constant 96 : index
    %swap3A_398 = tpu.vector_load %arg8[%swap3A_396, %swap3A_397] {strides = array<i32>} : memref<4x128xi32, #tpu.memory_space<vmem>>, vector<16xi32>,
    tpu.vector_store %arg8[%swap3A_396, %swap3A_397], %add3A_394 {strides = array<i32>} : memref<4x128xi32, #tpu.memory_space<vmem>>, vector<16xi32>,
    %get3A_399 = arith.constant 2 : i32
    %get3A_400 = arith.index_cast %get3A_399 : i32 to index
    %get3A_401 = arith.constant 112 : index
    %get3A_402 = tpu.vector_load %arg6[%get3A_400, %get3A_401] {strides = array<i32>} : memref<4x128xi32, #tpu.memory_space<vmem>>, vector<16xi32>,
    %mul3A_403 = arith.constant 1024 : i32
    %mul3A_404 = vector.broadcast %mul3A_403 : i32 to vector<16xi32>
    %mul3A_405 = arith.muli %get3A_402, %mul3A_404 : vector<16xi32>
    %get3A_406 = arith.constant 2 : i32
    %get3A_407 = arith.index_cast %get3A_406 : i32 to index
    %get3A_408 = arith.constant 112 : index
    %get3A_409 = tpu.vector_load %arg7[%get3A_407, %get3A_408] {strides = array<i32>} : memref<4x128xi32, #tpu.memory_space<vmem>>, vector<16xi32>,
    %add3A_410 = arith.addi %mul3A_405, %get3A_409 : vector<16xi32>
    %swap3A_411 = arith.constant 2 : i32
    %swap3A_412 = arith.index_cast %swap3A_411 : i32 to index
    %swap3A_413 = arith.constant 112 : index
    %swap3A_414 = tpu.vector_load %arg8[%swap3A_412, %swap3A_413] {strides = array<i32>} : memref<4x128xi32, #tpu.memory_space<vmem>>, vector<16xi32>,
    tpu.vector_store %arg8[%swap3A_412, %swap3A_413], %add3A_410 {strides = array<i32>} : memref<4x128xi32, #tpu.memory_space<vmem>>, vector<16xi32>,
    %get3A_415 = arith.constant 3 : i32
    %get3A_416 = arith.index_cast %get3A_415 : i32 to index
    %get3A_417 = arith.constant 0 : index
    %get3A_418 = tpu.vector_load %arg6[%get3A_416, %get3A_417] {strides = array<i32>} : memref<4x128xi32, #tpu.memory_space<vmem>>, vector<16xi32>,
    %mul3A_419 = arith.constant 1024 : i32
    %mul3A_420 = vector.broadcast %mul3A_419 : i32 to vector<16xi32>
    %mul3A_421 = arith.muli %get3A_418, %mul3A_420 : vector<16xi32>
    %get3A_422 = arith.constant 3 : i32
    %get3A_423 = arith.index_cast %get3A_422 : i32 to index
    %get3A_424 = arith.constant 0 : index
    %get3A_425 = tpu.vector_load %arg7[%get3A_423, %get3A_424] {strides = array<i32>} : memref<4x128xi32, #tpu.memory_space<vmem>>, vector<16xi32>,
    %add3A_426 = arith.addi %mul3A_421, %get3A_425 : vector<16xi32>
    %swap3A_427 = arith.constant 3 : i32
    %swap3A_428 = arith.index_cast %swap3A_427 : i32 to index
    %swap3A_429 = arith.constant 0 : index
    %swap3A_430 = tpu.vector_load %arg8[%swap3A_428, %swap3A_429] {strides = array<i32>} : memref<4x128xi32, #tpu.memory_space<vmem>>, vector<16xi32>,
    tpu.vector_store %arg8[%swap3A_428, %swap3A_429], %add3A_426 {strides = array<i32>} : memref<4x128xi32, #tpu.memory_space<vmem>>, vector<16xi32>,
    %get3A_431 = arith.constant 3 : i32
    %get3A_432 = arith.index_cast %get3A_431 : i32 to index
    %get3A_433 = arith.constant 16 : index
    %get3A_434 = tpu.vector_load %arg6[%get3A_432, %get3A_433] {strides = array<i32>} : memref<4x128xi32, #tpu.memory_space<vmem>>, vector<16xi32>,
    %mul3A_435 = arith.constant 1024 : i32
    %mul3A_436 = vector.broadcast %mul3A_435 : i32 to vector<16xi32>
    %mul3A_437 = arith.muli %get3A_434, %mul3A_436 : vector<16xi32>
    %get3A_438 = arith.constant 3 : i32
    %get3A_439 = arith.index_cast %get3A_438 : i32 to index
    %get3A_440 = arith.constant 16 : index
    %get3A_441 = tpu.vector_load %arg7[%get3A_439, %get3A_440] {strides = array<i32>} : memref<4x128xi32, #tpu.memory_space<vmem>>, vector<16xi32>,
    %add3A_442 = arith.addi %mul3A_437, %get3A_441 : vector<16xi32>
    %swap3A_443 = arith.constant 3 : i32
    %swap3A_444 = arith.index_cast %swap3A_443 : i32 to index
    %swap3A_445 = arith.constant 16 : index
    %swap3A_446 = tpu.vector_load %arg8[%swap3A_444, %swap3A_445] {strides = array<i32>} : memref<4x128xi32, #tpu.memory_space<vmem>>, vector<16xi32>,
    tpu.vector_store %arg8[%swap3A_444, %swap3A_445], %add3A_442 {strides = array<i32>} : memref<4x128xi32, #tpu.memory_space<vmem>>, vector<16xi32>,
    %get3A_447 = arith.constant 3 : i32
    %get3A_448 = arith.index_cast %get3A_447 : i32 to index
    %get3A_449 = arith.constant 32 : index
    %get3A_450 = tpu.vector_load %arg6[%get3A_448, %get3A_449] {strides = array<i32>} : memref<4x128xi32, #tpu.memory_space<vmem>>, vector<16xi32>,
    %mul3A_451 = arith.constant 1024 : i32
    %mul3A_452 = vector.broadcast %mul3A_451 : i32 to vector<16xi32>
    %mul3A_453 = arith.muli %get3A_450, %mul3A_452 : vector<16xi32>
    %get3A_454 = arith.constant 3 : i32
    %get3A_455 = arith.index_cast %get3A_454 : i32 to index
    %get3A_456 = arith.constant 32 : index
    %get3A_457 = tpu.vector_load %arg7[%get3A_455, %get3A_456] {strides = array<i32>} : memref<4x128xi32, #tpu.memory_space<vmem>>, vector<16xi32>,
    %add3A_458 = arith.addi %mul3A_453, %get3A_457 : vector<16xi32>
    %swap3A_459 = arith.constant 3 : i32
    %swap3A_460 = arith.index_cast %swap3A_459 : i32 to index
    %swap3A_461 = arith.constant 32 : index
    %swap3A_462 = tpu.vector_load %arg8[%swap3A_460, %swap3A_461] {strides = array<i32>} : memref<4x128xi32, #tpu.memory_space<vmem>>, vector<16xi32>,
    tpu.vector_store %arg8[%swap3A_460, %swap3A_461], %add3A_458 {strides = array<i32>} : memref<4x128xi32, #tpu.memory_space<vmem>>, vector<16xi32>,
    %get3A_463 = arith.constant 3 : i32
    %get3A_464 = arith.index_cast %get3A_463 : i32 to index
    %get3A_465 = arith.constant 48 : index
    %get3A_466 = tpu.vector_load %arg6[%get3A_464, %get3A_465] {strides = array<i32>} : memref<4x128xi32, #tpu.memory_space<vmem>>, vector<16xi32>,
    %mul3A_467 = arith.constant 1024 : i32
    %mul3A_468 = vector.broadcast %mul3A_467 : i32 to vector<16xi32>
    %mul3A_469 = arith.muli %get3A_466, %mul3A_468 : vector<16xi32>
    %get3A_470 = arith.constant 3 : i32
    %get3A_471 = arith.index_cast %get3A_470 : i32 to index
    %get3A_472 = arith.constant 48 : index
    %get3A_473 = tpu.vector_load %arg7[%get3A_471, %get3A_472] {strides = array<i32>} : memref<4x128xi32, #tpu.memory_space<vmem>>, vector<16xi32>,
    %add3A_474 = arith.addi %mul3A_469, %get3A_473 : vector<16xi32>
    %swap3A_475 = arith.constant 3 : i32
    %swap3A_476 = arith.index_cast %swap3A_475 : i32 to index
    %swap3A_477 = arith.constant 48 : index
    %swap3A_478 = tpu.vector_load %arg8[%swap3A_476, %swap3A_477] {strides = array<i32>} : memref<4x128xi32, #tpu.memory_space<vmem>>, vector<16xi32>,
    tpu.vector_store %arg8[%swap3A_476, %swap3A_477], %add3A_474 {strides = array<i32>} : memref<4x128xi32, #tpu.memory_space<vmem>>, vector<16xi32>,
    %get3A_479 = arith.constant 3 : i32
    %get3A_480 = arith.index_cast %get3A_479 : i32 to index
    %get3A_481 = arith.constant 64 : index
    %get3A_482 = tpu.vector_load %arg6[%get3A_480, %get3A_481] {strides = array<i32>} : memref<4x128xi32, #tpu.memory_space<vmem>>, vector<16xi32>,
    %mul3A_483 = arith.constant 1024 : i32
    %mul3A_484 = vector.broadcast %mul3A_483 : i32 to vector<16xi32>
    %mul3A_485 = arith.muli %get3A_482, %mul3A_484 : vector<16xi32>
    %get3A_486 = arith.constant 3 : i32
    %get3A_487 = arith.index_cast %get3A_486 : i32 to index
    %get3A_488 = arith.constant 64 : index
    %get3A_489 = tpu.vector_load %arg7[%get3A_487, %get3A_488] {strides = array<i32>} : memref<4x128xi32, #tpu.memory_space<vmem>>, vector<16xi32>,
    %add3A_490 = arith.addi %mul3A_485, %get3A_489 : vector<16xi32>
    %swap3A_491 = arith.constant 3 : i32
    %swap3A_492 = arith.index_cast %swap3A_491 : i32 to index
    %swap3A_493 = arith.constant 64 : index
    %swap3A_494 = tpu.vector_load %arg8[%swap3A_492, %swap3A_493] {strides = array<i32>} : memref<4x128xi32, #tpu.memory_space<vmem>>, vector<16xi32>,
    tpu.vector_store %arg8[%swap3A_492, %swap3A_493], %add3A_490 {strides = array<i32>} : memref<4x128xi32, #tpu.memory_space<vmem>>, vector<16xi32>,
    %get3A_495 = arith.constant 3 : i32
    %get3A_496 = arith.index_cast %get3A_495 : i32 to index
    %get3A_497 = arith.constant 80 : index
    %get3A_498 = tpu.vector_load %arg6[%get3A_496, %get3A_497] {strides = array<i32>} : memref<4x128xi32, #tpu.memory_space<vmem>>, vector<16xi32>,
    %mul3A_499 = arith.constant 1024 : i32
    %mul3A_500 = vector.broadcast %mul3A_499 : i32 to vector<16xi32>
    %mul3A_501 = arith.muli %get3A_498, %mul3A_500 : vector<16xi32>
    %get3A_502 = arith.constant 3 : i32
    %get3A_503 = arith.index_cast %get3A_502 : i32 to index
    %get3A_504 = arith.constant 80 : index
    %get3A_505 = tpu.vector_load %arg7[%get3A_503, %get3A_504] {strides = array<i32>} : memref<4x128xi32, #tpu.memory_space<vmem>>, vector<16xi32>,
    %add3A_506 = arith.addi %mul3A_501, %get3A_505 : vector<16xi32>
    %swap3A_507 = arith.constant 3 : i32
    %swap3A_508 = arith.index_cast %swap3A_507 : i32 to index
    %swap3A_509 = arith.constant 80 : index
    %swap3A_510 = tpu.vector_load %arg8[%swap3A_508, %swap3A_509] {strides = array<i32>} : memref<4x128xi32, #tpu.memory_space<vmem>>, vector<16xi32>,
    tpu.vector_store %arg8[%swap3A_508, %swap3A_509], %add3A_506 {strides = array<i32>} : memref<4x128xi32, #tpu.memory_space<vmem>>, vector<16xi32>,
    %get3A_511 = arith.constant 3 : i32
    %get3A_512 = arith.index_cast %get3A_511 : i32 to index
    %get3A_513 = arith.constant 96 : index
    %get3A_514 = tpu.vector_load %arg6[%get3A_512, %get3A_513] {strides = array<i32>} : memref<4x128xi32, #tpu.memory_space<vmem>>, vector<16xi32>,
    %mul3A_515 = arith.constant 1024 : i32
    %mul3A_516 = vector.broadcast %mul3A_515 : i32 to vector<16xi32>
    %mul3A_517 = arith.muli %get3A_514, %mul3A_516 : vector<16xi32>
    %get3A_518 = arith.constant 3 : i32
    %get3A_519 = arith.index_cast %get3A_518 : i32 to index
    %get3A_520 = arith.constant 96 : index
    %get3A_521 = tpu.vector_load %arg7[%get3A_519, %get3A_520] {strides = array<i32>} : memref<4x128xi32, #tpu.memory_space<vmem>>, vector<16xi32>,
    %add3A_522 = arith.addi %mul3A_517, %get3A_521 : vector<16xi32>
    %swap3A_523 = arith.constant 3 : i32
    %swap3A_524 = arith.index_cast %swap3A_523 : i32 to index
    %swap3A_525 = arith.constant 96 : index
    %swap3A_526 = tpu.vector_load %arg8[%swap3A_524, %swap3A_525] {strides = array<i32>} : memref<4x128xi32, #tpu.memory_space<vmem>>, vector<16xi32>,
    tpu.vector_store %arg8[%swap3A_524, %swap3A_525], %add3A_522 {strides = array<i32>} : memref<4x128xi32, #tpu.memory_space<vmem>>, vector<16xi32>,
    %get3A_527 = arith.constant 3 : i32
    %get3A_528 = arith.index_cast %get3A_527 : i32 to index
    %get3A_529 = arith.constant 112 : index
    %get3A_530 = tpu.vector_load %arg6[%get3A_528, %get3A_529] {strides = array<i32>} : memref<4x128xi32, #tpu.memory_space<vmem>>, vector<16xi32>,
    %mul3A_531 = arith.constant 1024 : i32
    %mul3A_532 = vector.broadcast %mul3A_531 : i32 to vector<16xi32>
    %mul3A_533 = arith.muli %get3A_530, %mul3A_532 : vector<16xi32>
    %get3A_534 = arith.constant 3 : i32
    %get3A_535 = arith.index_cast %get3A_534 : i32 to index
    %get3A_536 = arith.constant 112 : index
    %get3A_537 = tpu.vector_load %arg7[%get3A_535, %get3A_536] {strides = array<i32>} : memref<4x128xi32, #tpu.memory_space<vmem>>, vector<16xi32>,
    %add3A_538 = arith.addi %mul3A_533, %get3A_537 : vector<16xi32>
    %swap3A_539 = arith.constant 3 : i32
    %swap3A_540 = arith.index_cast %swap3A_539 : i32 to index
    %swap3A_541 = arith.constant 112 : index
    %swap3A_542 = tpu.vector_load %arg8[%swap3A_540, %swap3A_541] {strides = array<i32>} : memref<4x128xi32, #tpu.memory_space<vmem>>, vector<16xi32>,
    tpu.vector_store %arg8[%swap3A_540, %swap3A_541], %add3A_538 {strides = array<i32>} : memref<4x128xi32, #tpu.memory_space<vmem>>, vector<16xi32>,
    %dma_start3A_543 = arith.constant 0 : i32
    %dma_start3A_544 = arith.constant 0 : i32
    %dma_start3A_545 = arith.constant 0 : i32
    %dma_start3A_546 = tpu.memref_slice %arg9[%dma_start3A_544, %dma_start3A_545] : memref<4x128xi32, #tpu.memory_space<vmem>> -> memref<1x128xi32, #tpu.memory_space<vmem>>
    %dma_start3A_547 = tpu.memref_squeeze %dma_start3A_546 : memref<1x128xi32, #tpu.memory_space<vmem>> -> memref<128xi32, #tpu.memory_space<vmem>>
    %dma_start3A_548 = arith.constant 0 : i32
    %dma_start3A_549 = tpu.memref_slice %arg8[%dma_start3A_543, %dma_start3A_548] : memref<4x128xi32, #tpu.memory_space<vmem>> -> memref<1x128xi32, #tpu.memory_space<vmem>>
    %dma_start3A_550 = tpu.memref_squeeze %dma_start3A_549 : memref<1x128xi32, #tpu.memory_space<vmem>> -> memref<128xi32, #tpu.memory_space<vmem>>
    %dma_start3A_551 = arith.constant 0 : i32
    %dma_start3A_552 = tpu.memref_slice %arg2[%dma_start3A_551] : memref<102400xi32, #tpu.memory_space<hbm>> -> memref<102400xi32, #tpu.memory_space<hbm>>
    tpu.enqueue_indirect_dma source(%dma_start3A_552 : memref<102400xi32, #tpu.memory_space<hbm>>) target(%dma_start3A_547 : memref<128xi32, #tpu.memory_space<vmem>>) offsets(%dma_start3A_550 : memref<128xi32, #tpu.memory_space<vmem>>) semaphore(%arg13 : memref<!tpu.dma_semaphore, #tpu.memory_space<semaphore_mem>>)
    %dma_start3A_553 = arith.constant 1 : i32
    %dma_start3A_554 = arith.constant 1 : i32
    %dma_start3A_555 = arith.constant 0 : i32
    %dma_start3A_556 = tpu.memref_slice %arg9[%dma_start3A_554, %dma_start3A_555] : memref<4x128xi32, #tpu.memory_space<vmem>> -> memref<1x128xi32, #tpu.memory_space<vmem>>
    %dma_start3A_557 = tpu.memref_squeeze %dma_start3A_556 : memref<1x128xi32, #tpu.memory_space<vmem>> -> memref<128xi32, #tpu.memory_space<vmem>>
    %dma_start3A_558 = arith.constant 0 : i32
    %dma_start3A_559 = tpu.memref_slice %arg8[%dma_start3A_553, %dma_start3A_558] : memref<4x128xi32, #tpu.memory_space<vmem>> -> memref<1x128xi32, #tpu.memory_space<vmem>>
    %dma_start3A_560 = tpu.memref_squeeze %dma_start3A_559 : memref<1x128xi32, #tpu.memory_space<vmem>> -> memref<128xi32, #tpu.memory_space<vmem>>
    %dma_start3A_561 = arith.constant 0 : i32
    %dma_start3A_562 = tpu.memref_slice %arg2[%dma_start3A_561] : memref<102400xi32, #tpu.memory_space<hbm>> -> memref<102400xi32, #tpu.memory_space<hbm>>
    tpu.enqueue_indirect_dma source(%dma_start3A_562 : memref<102400xi32, #tpu.memory_space<hbm>>) target(%dma_start3A_557 : memref<128xi32, #tpu.memory_space<vmem>>) offsets(%dma_start3A_560 : memref<128xi32, #tpu.memory_space<vmem>>) semaphore(%arg13 : memref<!tpu.dma_semaphore, #tpu.memory_space<semaphore_mem>>)
    %dma_start3A_563 = arith.constant 2 : i32
    %dma_start3A_564 = arith.constant 2 : i32
    %dma_start3A_565 = arith.constant 0 : i32
    %dma_start3A_566 = tpu.memref_slice %arg9[%dma_start3A_564, %dma_start3A_565] : memref<4x128xi32, #tpu.memory_space<vmem>> -> memref<1x128xi32, #tpu.memory_space<vmem>>
    %dma_start3A_567 = tpu.memref_squeeze %dma_start3A_566 : memref<1x128xi32, #tpu.memory_space<vmem>> -> memref<128xi32, #tpu.memory_space<vmem>>
    %dma_start3A_568 = arith.constant 0 : i32
    %dma_start3A_569 = tpu.memref_slice %arg8[%dma_start3A_563, %dma_start3A_568] : memref<4x128xi32, #tpu.memory_space<vmem>> -> memref<1x128xi32, #tpu.memory_space<vmem>>
    %dma_start3A_570 = tpu.memref_squeeze %dma_start3A_569 : memref<1x128xi32, #tpu.memory_space<vmem>> -> memref<128xi32, #tpu.memory_space<vmem>>
    %dma_start3A_571 = arith.constant 0 : i32
    %dma_start3A_572 = tpu.memref_slice %arg2[%dma_start3A_571] : memref<102400xi32, #tpu.memory_space<hbm>> -> memref<102400xi32, #tpu.memory_space<hbm>>
    tpu.enqueue_indirect_dma source(%dma_start3A_572 : memref<102400xi32, #tpu.memory_space<hbm>>) target(%dma_start3A_567 : memref<128xi32, #tpu.memory_space<vmem>>) offsets(%dma_start3A_570 : memref<128xi32, #tpu.memory_space<vmem>>) semaphore(%arg13 : memref<!tpu.dma_semaphore, #tpu.memory_space<semaphore_mem>>)
    %dma_start3A_573 = arith.constant 3 : i32
    %dma_start3A_574 = arith.constant 3 : i32
    %dma_start3A_575 = arith.constant 0 : i32
    %dma_start3A_576 = tpu.memref_slice %arg9[%dma_start3A_574, %dma_start3A_575] : memref<4x128xi32, #tpu.memory_space<vmem>> -> memref<1x128xi32, #tpu.memory_space<vmem>>
    %dma_start3A_577 = tpu.memref_squeeze %dma_start3A_576 : memref<1x128xi32, #tpu.memory_space<vmem>> -> memref<128xi32, #tpu.memory_space<vmem>>
    %dma_start3A_578 = arith.constant 0 : i32
    %dma_start3A_579 = tpu.memref_slice %arg8[%dma_start3A_573, %dma_start3A_578] : memref<4x128xi32, #tpu.memory_space<vmem>> -> memref<1x128xi32, #tpu.memory_space<vmem>>
    %dma_start3A_580 = tpu.memref_squeeze %dma_start3A_579 : memref<1x128xi32, #tpu.memory_space<vmem>> -> memref<128xi32, #tpu.memory_space<vmem>>
    %dma_start3A_581 = arith.constant 0 : i32
    %dma_start3A_582 = tpu.memref_slice %arg2[%dma_start3A_581] : memref<102400xi32, #tpu.memory_space<hbm>> -> memref<102400xi32, #tpu.memory_space<hbm>>
    tpu.enqueue_indirect_dma source(%dma_start3A_582 : memref<102400xi32, #tpu.memory_space<hbm>>) target(%dma_start3A_577 : memref<128xi32, #tpu.memory_space<vmem>>) offsets(%dma_start3A_580 : memref<128xi32, #tpu.memory_space<vmem>>) semaphore(%arg13 : memref<!tpu.dma_semaphore, #tpu.memory_space<semaphore_mem>>)
    %broadcast_in_dim3A = arith.constant 0.000000e+00 : f32
    %broadcast_in_dim3A_583 = vector.broadcast %broadcast_in_dim3A : f32 to vector<16xf32>
    %iota3A = tpu.iota {dimensions = array<i32: 0>} : vector<16xi32>
    %broadcast_in_dim3A_584 = arith.constant 1.000000e+00 : f32
    %broadcast_in_dim3A_585 = vector.broadcast %broadcast_in_dim3A_584 : f32 to vector<16xf32>
    %scan3A = arith.constant 0 : i32
    %scan3A_586 = arith.constant 0 : i32
    %scan3A_587 = arith.constant 64 : i32
    %scan3A_588 = arith.addi %scan3A_586, %scan3A_587 : i32
    %scan3A_589 = arith.constant 1 : i32
    %scan3A_590 = scf.for %scan3A_1090 = %scan3A_586 to %scan3A_588 step %scan3A_589 iter_args(%scan3A_1091 = %scan3A) -> (i32)  : i32 {
      %swap3A_1092 = arith.index_cast %scan3A_1090 : i32 to index
      %swap3A_1093 = arith.constant 0 : index
      %swap3A_1094 = tpu.vector_load %arg10[%swap3A_1092, %swap3A_1093] {strides = array<i32>} : memref<64x512xf32, #tpu.memory_space<vmem>>, vector<16xf32>,
      tpu.vector_store %arg10[%swap3A_1092, %swap3A_1093], %broadcast_in_dim3A_583 {strides = array<i32>} : memref<64x512xf32, #tpu.memory_space<vmem>>, vector<16xf32>,
      %swap3A_1095 = arith.index_cast %scan3A_1090 : i32 to index
      %swap3A_1096 = arith.constant 16 : index
      %swap3A_1097 = tpu.vector_load %arg10[%swap3A_1095, %swap3A_1096] {strides = array<i32>} : memref<64x512xf32, #tpu.memory_space<vmem>>, vector<16xf32>,
      tpu.vector_store %arg10[%swap3A_1095, %swap3A_1096], %broadcast_in_dim3A_583 {strides = array<i32>} : memref<64x512xf32, #tpu.memory_space<vmem>>, vector<16xf32>,
      %swap3A_1098 = arith.index_cast %scan3A_1090 : i32 to index
      %swap3A_1099 = arith.constant 32 : index
      %swap3A_1100 = tpu.vector_load %arg10[%swap3A_1098, %swap3A_1099] {strides = array<i32>} : memref<64x512xf32, #tpu.memory_space<vmem>>, vector<16xf32>,
      tpu.vector_store %arg10[%swap3A_1098, %swap3A_1099], %broadcast_in_dim3A_583 {strides = array<i32>} : memref<64x512xf32, #tpu.memory_space<vmem>>, vector<16xf32>,
      %swap3A_1101 = arith.index_cast %scan3A_1090 : i32 to index
      %swap3A_1102 = arith.constant 48 : index
      %swap3A_1103 = tpu.vector_load %arg10[%swap3A_1101, %swap3A_1102] {strides = array<i32>} : memref<64x512xf32, #tpu.memory_space<vmem>>, vector<16xf32>,
      tpu.vector_store %arg10[%swap3A_1101, %swap3A_1102], %broadcast_in_dim3A_583 {strides = array<i32>} : memref<64x512xf32, #tpu.memory_space<vmem>>, vector<16xf32>,
      %swap3A_1104 = arith.index_cast %scan3A_1090 : i32 to index
      %swap3A_1105 = arith.constant 64 : index
      %swap3A_1106 = tpu.vector_load %arg10[%swap3A_1104, %swap3A_1105] {strides = array<i32>} : memref<64x512xf32, #tpu.memory_space<vmem>>, vector<16xf32>,
      tpu.vector_store %arg10[%swap3A_1104, %swap3A_1105], %broadcast_in_dim3A_583 {strides = array<i32>} : memref<64x512xf32, #tpu.memory_space<vmem>>, vector<16xf32>,
      %swap3A_1107 = arith.index_cast %scan3A_1090 : i32 to index
      %swap3A_1108 = arith.constant 80 : index
      %swap3A_1109 = tpu.vector_load %arg10[%swap3A_1107, %swap3A_1108] {strides = array<i32>} : memref<64x512xf32, #tpu.memory_space<vmem>>, vector<16xf32>,
      tpu.vector_store %arg10[%swap3A_1107, %swap3A_1108], %broadcast_in_dim3A_583 {strides = array<i32>} : memref<64x512xf32, #tpu.memory_space<vmem>>, vector<16xf32>,
      %swap3A_1110 = arith.index_cast %scan3A_1090 : i32 to index
      %swap3A_1111 = arith.constant 96 : index
      %swap3A_1112 = tpu.vector_load %arg10[%swap3A_1110, %swap3A_1111] {strides = array<i32>} : memref<64x512xf32, #tpu.memory_space<vmem>>, vector<16xf32>,
      tpu.vector_store %arg10[%swap3A_1110, %swap3A_1111], %broadcast_in_dim3A_583 {strides = array<i32>} : memref<64x512xf32, #tpu.memory_space<vmem>>, vector<16xf32>,
      %swap3A_1113 = arith.index_cast %scan3A_1090 : i32 to index
      %swap3A_1114 = arith.constant 112 : index
      %swap3A_1115 = tpu.vector_load %arg10[%swap3A_1113, %swap3A_1114] {strides = array<i32>} : memref<64x512xf32, #tpu.memory_space<vmem>>, vector<16xf32>,
      tpu.vector_store %arg10[%swap3A_1113, %swap3A_1114], %broadcast_in_dim3A_583 {strides = array<i32>} : memref<64x512xf32, #tpu.memory_space<vmem>>, vector<16xf32>,
      %swap3A_1116 = arith.index_cast %scan3A_1090 : i32 to index
      %swap3A_1117 = arith.constant 128 : index
      %swap3A_1118 = tpu.vector_load %arg10[%swap3A_1116, %swap3A_1117] {strides = array<i32>} : memref<64x512xf32, #tpu.memory_space<vmem>>, vector<16xf32>,
      tpu.vector_store %arg10[%swap3A_1116, %swap3A_1117], %broadcast_in_dim3A_583 {strides = array<i32>} : memref<64x512xf32, #tpu.memory_space<vmem>>, vector<16xf32>,
      %swap3A_1119 = arith.index_cast %scan3A_1090 : i32 to index
      %swap3A_1120 = arith.constant 144 : index
      %swap3A_1121 = tpu.vector_load %arg10[%swap3A_1119, %swap3A_1120] {strides = array<i32>} : memref<64x512xf32, #tpu.memory_space<vmem>>, vector<16xf32>,
      tpu.vector_store %arg10[%swap3A_1119, %swap3A_1120], %broadcast_in_dim3A_583 {strides = array<i32>} : memref<64x512xf32, #tpu.memory_space<vmem>>, vector<16xf32>,
      %swap3A_1122 = arith.index_cast %scan3A_1090 : i32 to index
      %swap3A_1123 = arith.constant 160 : index
      %swap3A_1124 = tpu.vector_load %arg10[%swap3A_1122, %swap3A_1123] {strides = array<i32>} : memref<64x512xf32, #tpu.memory_space<vmem>>, vector<16xf32>,
      tpu.vector_store %arg10[%swap3A_1122, %swap3A_1123], %broadcast_in_dim3A_583 {strides = array<i32>} : memref<64x512xf32, #tpu.memory_space<vmem>>, vector<16xf32>,
      %swap3A_1125 = arith.index_cast %scan3A_1090 : i32 to index
      %swap3A_1126 = arith.constant 176 : index
      %swap3A_1127 = tpu.vector_load %arg10[%swap3A_1125, %swap3A_1126] {strides = array<i32>} : memref<64x512xf32, #tpu.memory_space<vmem>>, vector<16xf32>,
      tpu.vector_store %arg10[%swap3A_1125, %swap3A_1126], %broadcast_in_dim3A_583 {strides = array<i32>} : memref<64x512xf32, #tpu.memory_space<vmem>>, vector<16xf32>,
      %swap3A_1128 = arith.index_cast %scan3A_1090 : i32 to index
      %swap3A_1129 = arith.constant 192 : index
      %swap3A_1130 = tpu.vector_load %arg10[%swap3A_1128, %swap3A_1129] {strides = array<i32>} : memref<64x512xf32, #tpu.memory_space<vmem>>, vector<16xf32>,
      tpu.vector_store %arg10[%swap3A_1128, %swap3A_1129], %broadcast_in_dim3A_583 {strides = array<i32>} : memref<64x512xf32, #tpu.memory_space<vmem>>, vector<16xf32>,
      %swap3A_1131 = arith.index_cast %scan3A_1090 : i32 to index
      %swap3A_1132 = arith.constant 208 : index
      %swap3A_1133 = tpu.vector_load %arg10[%swap3A_1131, %swap3A_1132] {strides = array<i32>} : memref<64x512xf32, #tpu.memory_space<vmem>>, vector<16xf32>,
      tpu.vector_store %arg10[%swap3A_1131, %swap3A_1132], %broadcast_in_dim3A_583 {strides = array<i32>} : memref<64x512xf32, #tpu.memory_space<vmem>>, vector<16xf32>,
      %swap3A_1134 = arith.index_cast %scan3A_1090 : i32 to index
      %swap3A_1135 = arith.constant 224 : index
      %swap3A_1136 = tpu.vector_load %arg10[%swap3A_1134, %swap3A_1135] {strides = array<i32>} : memref<64x512xf32, #tpu.memory_space<vmem>>, vector<16xf32>,
      tpu.vector_store %arg10[%swap3A_1134, %swap3A_1135], %broadcast_in_dim3A_583 {strides = array<i32>} : memref<64x512xf32, #tpu.memory_space<vmem>>, vector<16xf32>,
      %swap3A_1137 = arith.index_cast %scan3A_1090 : i32 to index
      %swap3A_1138 = arith.constant 240 : index
      %swap3A_1139 = tpu.vector_load %arg10[%swap3A_1137, %swap3A_1138] {strides = array<i32>} : memref<64x512xf32, #tpu.memory_space<vmem>>, vector<16xf32>,
      tpu.vector_store %arg10[%swap3A_1137, %swap3A_1138], %broadcast_in_dim3A_583 {strides = array<i32>} : memref<64x512xf32, #tpu.memory_space<vmem>>, vector<16xf32>,
      %swap3A_1140 = arith.index_cast %scan3A_1090 : i32 to index
      %swap3A_1141 = arith.constant 256 : index
      %swap3A_1142 = tpu.vector_load %arg10[%swap3A_1140, %swap3A_1141] {strides = array<i32>} : memref<64x512xf32, #tpu.memory_space<vmem>>, vector<16xf32>,
      tpu.vector_store %arg10[%swap3A_1140, %swap3A_1141], %broadcast_in_dim3A_583 {strides = array<i32>} : memref<64x512xf32, #tpu.memory_space<vmem>>, vector<16xf32>,
      %swap3A_1143 = arith.index_cast %scan3A_1090 : i32 to index
      %swap3A_1144 = arith.constant 272 : index
      %swap3A_1145 = tpu.vector_load %arg10[%swap3A_1143, %swap3A_1144] {strides = array<i32>} : memref<64x512xf32, #tpu.memory_space<vmem>>, vector<16xf32>,
      tpu.vector_store %arg10[%swap3A_1143, %swap3A_1144], %broadcast_in_dim3A_583 {strides = array<i32>} : memref<64x512xf32, #tpu.memory_space<vmem>>, vector<16xf32>,
      %swap3A_1146 = arith.index_cast %scan3A_1090 : i32 to index
      %swap3A_1147 = arith.constant 288 : index
      %swap3A_1148 = tpu.vector_load %arg10[%swap3A_1146, %swap3A_1147] {strides = array<i32>} : memref<64x512xf32, #tpu.memory_space<vmem>>, vector<16xf32>,
      tpu.vector_store %arg10[%swap3A_1146, %swap3A_1147], %broadcast_in_dim3A_583 {strides = array<i32>} : memref<64x512xf32, #tpu.memory_space<vmem>>, vector<16xf32>,
      %swap3A_1149 = arith.index_cast %scan3A_1090 : i32 to index
      %swap3A_1150 = arith.constant 304 : index
      %swap3A_1151 = tpu.vector_load %arg10[%swap3A_1149, %swap3A_1150] {strides = array<i32>} : memref<64x512xf32, #tpu.memory_space<vmem>>, vector<16xf32>,
      tpu.vector_store %arg10[%swap3A_1149, %swap3A_1150], %broadcast_in_dim3A_583 {strides = array<i32>} : memref<64x512xf32, #tpu.memory_space<vmem>>, vector<16xf32>,
      %swap3A_1152 = arith.index_cast %scan3A_1090 : i32 to index
      %swap3A_1153 = arith.constant 320 : index
      %swap3A_1154 = tpu.vector_load %arg10[%swap3A_1152, %swap3A_1153] {strides = array<i32>} : memref<64x512xf32, #tpu.memory_space<vmem>>, vector<16xf32>,
      tpu.vector_store %arg10[%swap3A_1152, %swap3A_1153], %broadcast_in_dim3A_583 {strides = array<i32>} : memref<64x512xf32, #tpu.memory_space<vmem>>, vector<16xf32>,
      %swap3A_1155 = arith.index_cast %scan3A_1090 : i32 to index
      %swap3A_1156 = arith.constant 336 : index
      %swap3A_1157 = tpu.vector_load %arg10[%swap3A_1155, %swap3A_1156] {strides = array<i32>} : memref<64x512xf32, #tpu.memory_space<vmem>>, vector<16xf32>,
      tpu.vector_store %arg10[%swap3A_1155, %swap3A_1156], %broadcast_in_dim3A_583 {strides = array<i32>} : memref<64x512xf32, #tpu.memory_space<vmem>>, vector<16xf32>,
      %swap3A_1158 = arith.index_cast %scan3A_1090 : i32 to index
      %swap3A_1159 = arith.constant 352 : index
      %swap3A_1160 = tpu.vector_load %arg10[%swap3A_1158, %swap3A_1159] {strides = array<i32>} : memref<64x512xf32, #tpu.memory_space<vmem>>, vector<16xf32>,
      tpu.vector_store %arg10[%swap3A_1158, %swap3A_1159], %broadcast_in_dim3A_583 {strides = array<i32>} : memref<64x512xf32, #tpu.memory_space<vmem>>, vector<16xf32>,
      %swap3A_1161 = arith.index_cast %scan3A_1090 : i32 to index
      %swap3A_1162 = arith.constant 368 : index
      %swap3A_1163 = tpu.vector_load %arg10[%swap3A_1161, %swap3A_1162] {strides = array<i32>} : memref<64x512xf32, #tpu.memory_space<vmem>>, vector<16xf32>,
      tpu.vector_store %arg10[%swap3A_1161, %swap3A_1162], %broadcast_in_dim3A_583 {strides = array<i32>} : memref<64x512xf32, #tpu.memory_space<vmem>>, vector<16xf32>,
      %swap3A_1164 = arith.index_cast %scan3A_1090 : i32 to index
      %swap3A_1165 = arith.constant 384 : index
      %swap3A_1166 = tpu.vector_load %arg10[%swap3A_1164, %swap3A_1165] {strides = array<i32>} : memref<64x512xf32, #tpu.memory_space<vmem>>, vector<16xf32>,
      tpu.vector_store %arg10[%swap3A_1164, %swap3A_1165], %broadcast_in_dim3A_583 {strides = array<i32>} : memref<64x512xf32, #tpu.memory_space<vmem>>, vector<16xf32>,
      %swap3A_1167 = arith.index_cast %scan3A_1090 : i32 to index
      %swap3A_1168 = arith.constant 400 : index
      %swap3A_1169 = tpu.vector_load %arg10[%swap3A_1167, %swap3A_1168] {strides = array<i32>} : memref<64x512xf32, #tpu.memory_space<vmem>>, vector<16xf32>,
      tpu.vector_store %arg10[%swap3A_1167, %swap3A_1168], %broadcast_in_dim3A_583 {strides = array<i32>} : memref<64x512xf32, #tpu.memory_space<vmem>>, vector<16xf32>,
      %swap3A_1170 = arith.index_cast %scan3A_1090 : i32 to index
      %swap3A_1171 = arith.constant 416 : index
      %swap3A_1172 = tpu.vector_load %arg10[%swap3A_1170, %swap3A_1171] {strides = array<i32>} : memref<64x512xf32, #tpu.memory_space<vmem>>, vector<16xf32>,
      tpu.vector_store %arg10[%swap3A_1170, %swap3A_1171], %broadcast_in_dim3A_583 {strides = array<i32>} : memref<64x512xf32, #tpu.memory_space<vmem>>, vector<16xf32>,
      %swap3A_1173 = arith.index_cast %scan3A_1090 : i32 to index
      %swap3A_1174 = arith.constant 432 : index
      %swap3A_1175 = tpu.vector_load %arg10[%swap3A_1173, %swap3A_1174] {strides = array<i32>} : memref<64x512xf32, #tpu.memory_space<vmem>>, vector<16xf32>,
      tpu.vector_store %arg10[%swap3A_1173, %swap3A_1174], %broadcast_in_dim3A_583 {strides = array<i32>} : memref<64x512xf32, #tpu.memory_space<vmem>>, vector<16xf32>,
      %swap3A_1176 = arith.index_cast %scan3A_1090 : i32 to index
      %swap3A_1177 = arith.constant 448 : index
      %swap3A_1178 = tpu.vector_load %arg10[%swap3A_1176, %swap3A_1177] {strides = array<i32>} : memref<64x512xf32, #tpu.memory_space<vmem>>, vector<16xf32>,
      tpu.vector_store %arg10[%swap3A_1176, %swap3A_1177], %broadcast_in_dim3A_583 {strides = array<i32>} : memref<64x512xf32, #tpu.memory_space<vmem>>, vector<16xf32>,
      %swap3A_1179 = arith.index_cast %scan3A_1090 : i32 to index
      %swap3A_1180 = arith.constant 464 : index
      %swap3A_1181 = tpu.vector_load %arg10[%swap3A_1179, %swap3A_1180] {strides = array<i32>} : memref<64x512xf32, #tpu.memory_space<vmem>>, vector<16xf32>,
      tpu.vector_store %arg10[%swap3A_1179, %swap3A_1180], %broadcast_in_dim3A_583 {strides = array<i32>} : memref<64x512xf32, #tpu.memory_space<vmem>>, vector<16xf32>,
      %swap3A_1182 = arith.index_cast %scan3A_1090 : i32 to index
      %swap3A_1183 = arith.constant 480 : index
      %swap3A_1184 = tpu.vector_load %arg10[%swap3A_1182, %swap3A_1183] {strides = array<i32>} : memref<64x512xf32, #tpu.memory_space<vmem>>, vector<16xf32>,
      tpu.vector_store %arg10[%swap3A_1182, %swap3A_1183], %broadcast_in_dim3A_583 {strides = array<i32>} : memref<64x512xf32, #tpu.memory_space<vmem>>, vector<16xf32>,
      %swap3A_1185 = arith.index_cast %scan3A_1090 : i32 to index
      %swap3A_1186 = arith.constant 496 : index
      %swap3A_1187 = tpu.vector_load %arg10[%swap3A_1185, %swap3A_1186] {strides = array<i32>} : memref<64x512xf32, #tpu.memory_space<vmem>>, vector<16xf32>,
      tpu.vector_store %arg10[%swap3A_1185, %swap3A_1186], %broadcast_in_dim3A_583 {strides = array<i32>} : memref<64x512xf32, #tpu.memory_space<vmem>>, vector<16xf32>,
      %scan3A_1188 = arith.constant 0 : i32
      scf.yield %scan3A_1188 : i32
    }
    %scan3A_591 = arith.constant 64 : i32
    %dma_wait3A_592 = arith.constant 0 : i32
    %dma_wait3A_593 = arith.constant 0 : i32
    %dma_wait3A_594 = arith.constant 0 : i32
    %dma_wait3A_595 = tpu.memref_slice %arg9[%dma_wait3A_593, %dma_wait3A_594] : memref<4x128xi32, #tpu.memory_space<vmem>> -> memref<1x128xi32, #tpu.memory_space<vmem>>
    %dma_wait3A_596 = tpu.memref_squeeze %dma_wait3A_595 : memref<1x128xi32, #tpu.memory_space<vmem>> -> memref<128xi32, #tpu.memory_space<vmem>>
    %dma_wait3A_597 = arith.constant 0 : i32
    %dma_wait3A_598 = tpu.memref_slice %arg8[%dma_wait3A_592, %dma_wait3A_597] : memref<4x128xi32, #tpu.memory_space<vmem>> -> memref<1x128xi32, #tpu.memory_space<vmem>>
    %dma_wait3A_599 = tpu.memref_squeeze %dma_wait3A_598 : memref<1x128xi32, #tpu.memory_space<vmem>> -> memref<128xi32, #tpu.memory_space<vmem>>
    %dma_wait3A_600 = arith.constant 0 : i32
    %dma_wait3A_601 = tpu.memref_slice %arg2[%dma_wait3A_600] : memref<102400xi32, #tpu.memory_space<hbm>> -> memref<102400xi32, #tpu.memory_space<hbm>>
    tpu.wait_indirect_dma semaphore(%arg13 : memref<!tpu.dma_semaphore, #tpu.memory_space<semaphore_mem>>) src(%dma_wait3A_601 : memref<102400xi32, #tpu.memory_space<hbm>>) dst(%dma_wait3A_596 : memref<128xi32, #tpu.memory_space<vmem>>)
    %dma_wait3A_602 = arith.constant 1 : i32
    %dma_wait3A_603 = arith.constant 1 : i32
    %dma_wait3A_604 = arith.constant 0 : i32
    %dma_wait3A_605 = tpu.memref_slice %arg9[%dma_wait3A_603, %dma_wait3A_604] : memref<4x128xi32, #tpu.memory_space<vmem>> -> memref<1x128xi32, #tpu.memory_space<vmem>>
    %dma_wait3A_606 = tpu.memref_squeeze %dma_wait3A_605 : memref<1x128xi32, #tpu.memory_space<vmem>> -> memref<128xi32, #tpu.memory_space<vmem>>
    %dma_wait3A_607 = arith.constant 0 : i32
    %dma_wait3A_608 = tpu.memref_slice %arg8[%dma_wait3A_602, %dma_wait3A_607] : memref<4x128xi32, #tpu.memory_space<vmem>> -> memref<1x128xi32, #tpu.memory_space<vmem>>
    %dma_wait3A_609 = tpu.memref_squeeze %dma_wait3A_608 : memref<1x128xi32, #tpu.memory_space<vmem>> -> memref<128xi32, #tpu.memory_space<vmem>>
    %dma_wait3A_610 = arith.constant 0 : i32
    %dma_wait3A_611 = tpu.memref_slice %arg2[%dma_wait3A_610] : memref<102400xi32, #tpu.memory_space<hbm>> -> memref<102400xi32, #tpu.memory_space<hbm>>
    tpu.wait_indirect_dma semaphore(%arg13 : memref<!tpu.dma_semaphore, #tpu.memory_space<semaphore_mem>>) src(%dma_wait3A_611 : memref<102400xi32, #tpu.memory_space<hbm>>) dst(%dma_wait3A_606 : memref<128xi32, #tpu.memory_space<vmem>>)
    %dma_wait3A_612 = arith.constant 2 : i32
    %dma_wait3A_613 = arith.constant 2 : i32
    %dma_wait3A_614 = arith.constant 0 : i32
    %dma_wait3A_615 = tpu.memref_slice %arg9[%dma_wait3A_613, %dma_wait3A_614] : memref<4x128xi32, #tpu.memory_space<vmem>> -> memref<1x128xi32, #tpu.memory_space<vmem>>
    %dma_wait3A_616 = tpu.memref_squeeze %dma_wait3A_615 : memref<1x128xi32, #tpu.memory_space<vmem>> -> memref<128xi32, #tpu.memory_space<vmem>>
    %dma_wait3A_617 = arith.constant 0 : i32
    %dma_wait3A_618 = tpu.memref_slice %arg8[%dma_wait3A_612, %dma_wait3A_617] : memref<4x128xi32, #tpu.memory_space<vmem>> -> memref<1x128xi32, #tpu.memory_space<vmem>>
    %dma_wait3A_619 = tpu.memref_squeeze %dma_wait3A_618 : memref<1x128xi32, #tpu.memory_space<vmem>> -> memref<128xi32, #tpu.memory_space<vmem>>
    %dma_wait3A_620 = arith.constant 0 : i32
    %dma_wait3A_621 = tpu.memref_slice %arg2[%dma_wait3A_620] : memref<102400xi32, #tpu.memory_space<hbm>> -> memref<102400xi32, #tpu.memory_space<hbm>>
    tpu.wait_indirect_dma semaphore(%arg13 : memref<!tpu.dma_semaphore, #tpu.memory_space<semaphore_mem>>) src(%dma_wait3A_621 : memref<102400xi32, #tpu.memory_space<hbm>>) dst(%dma_wait3A_616 : memref<128xi32, #tpu.memory_space<vmem>>)
    %dma_wait3A_622 = arith.constant 3 : i32
    %dma_wait3A_623 = arith.constant 3 : i32
    %dma_wait3A_624 = arith.constant 0 : i32
    %dma_wait3A_625 = tpu.memref_slice %arg9[%dma_wait3A_623, %dma_wait3A_624] : memref<4x128xi32, #tpu.memory_space<vmem>> -> memref<1x128xi32, #tpu.memory_space<vmem>>
    %dma_wait3A_626 = tpu.memref_squeeze %dma_wait3A_625 : memref<1x128xi32, #tpu.memory_space<vmem>> -> memref<128xi32, #tpu.memory_space<vmem>>
    %dma_wait3A_627 = arith.constant 0 : i32
    %dma_wait3A_628 = tpu.memref_slice %arg8[%dma_wait3A_622, %dma_wait3A_627] : memref<4x128xi32, #tpu.memory_space<vmem>> -> memref<1x128xi32, #tpu.memory_space<vmem>>
    %dma_wait3A_629 = tpu.memref_squeeze %dma_wait3A_628 : memref<1x128xi32, #tpu.memory_space<vmem>> -> memref<128xi32, #tpu.memory_space<vmem>>
    %dma_wait3A_630 = arith.constant 0 : i32
    %dma_wait3A_631 = tpu.memref_slice %arg2[%dma_wait3A_630] : memref<102400xi32, #tpu.memory_space<hbm>> -> memref<102400xi32, #tpu.memory_space<hbm>>
    tpu.wait_indirect_dma semaphore(%arg13 : memref<!tpu.dma_semaphore, #tpu.memory_space<semaphore_mem>>) src(%dma_wait3A_631 : memref<102400xi32, #tpu.memory_space<hbm>>) dst(%dma_wait3A_626 : memref<128xi32, #tpu.memory_space<vmem>>)
    %get3A_632 = arith.constant 0 : i32
    %get3A_633 = arith.index_cast %get3A_632 : i32 to index
    %get3A_634 = arith.constant 0 : index
    %get3A_635 = tpu.vector_load %arg9[%get3A_633, %get3A_634] {strides = array<i32>} : memref<4x128xi32, #tpu.memory_space<vmem>>, vector<16xi32>,
    %add3A_636 = arith.constant 0 : i32
    %add3A_637 = vector.broadcast %add3A_636 : i32 to vector<16xi32>
    %add3A_638 = arith.addi %iota3A, %add3A_637 : vector<16xi32>
    tpu.vector_store_idx %arg10[%add3A_638, %get3A_635], %broadcast_in_dim3A_585 : memref<64x512xf32, #tpu.memory_space<vmem>>[vector<16xi32>, vector<16xi32>], vector<16xf32>,
    %get3A_639 = arith.constant 0 : i32
    %get3A_640 = arith.index_cast %get3A_639 : i32 to index
    %get3A_641 = arith.constant 16 : index
    %get3A_642 = tpu.vector_load %arg9[%get3A_640, %get3A_641] {strides = array<i32>} : memref<4x128xi32, #tpu.memory_space<vmem>>, vector<16xi32>,
    %add3A_643 = arith.constant 16 : i32
    %add3A_644 = vector.broadcast %add3A_643 : i32 to vector<16xi32>
    %add3A_645 = arith.addi %iota3A, %add3A_644 : vector<16xi32>
    tpu.vector_store_idx %arg10[%add3A_645, %get3A_642], %broadcast_in_dim3A_585 : memref<64x512xf32, #tpu.memory_space<vmem>>[vector<16xi32>, vector<16xi32>], vector<16xf32>,
    %get3A_646 = arith.constant 0 : i32
    %get3A_647 = arith.index_cast %get3A_646 : i32 to index
    %get3A_648 = arith.constant 32 : index
    %get3A_649 = tpu.vector_load %arg9[%get3A_647, %get3A_648] {strides = array<i32>} : memref<4x128xi32, #tpu.memory_space<vmem>>, vector<16xi32>,
    %add3A_650 = arith.constant 32 : i32
    %add3A_651 = vector.broadcast %add3A_650 : i32 to vector<16xi32>
    %add3A_652 = arith.addi %iota3A, %add3A_651 : vector<16xi32>
    tpu.vector_store_idx %arg10[%add3A_652, %get3A_649], %broadcast_in_dim3A_585 : memref<64x512xf32, #tpu.memory_space<vmem>>[vector<16xi32>, vector<16xi32>], vector<16xf32>,
    %get3A_653 = arith.constant 0 : i32
    %get3A_654 = arith.index_cast %get3A_653 : i32 to index
    %get3A_655 = arith.constant 48 : index
    %get3A_656 = tpu.vector_load %arg9[%get3A_654, %get3A_655] {strides = array<i32>} : memref<4x128xi32, #tpu.memory_space<vmem>>, vector<16xi32>,
    %add3A_657 = arith.constant 48 : i32
    %add3A_658 = vector.broadcast %add3A_657 : i32 to vector<16xi32>
    %add3A_659 = arith.addi %iota3A, %add3A_658 : vector<16xi32>
    tpu.vector_store_idx %arg10[%add3A_659, %get3A_656], %broadcast_in_dim3A_585 : memref<64x512xf32, #tpu.memory_space<vmem>>[vector<16xi32>, vector<16xi32>], vector<16xf32>,
    %add3A_660 = arith.constant 0 : i32
    %add3A_661 = arith.addi %mul3A_2, %add3A_660 : i32
    %dma_start3A_662 = arith.constant 0 : i32
    %dma_start3A_663 = tpu.memref_slice %arg5[%add3A_661, %dma_start3A_662] : memref<16384x512xf32, #tpu.memory_space<hbm>> -> memref<64x512xf32, #tpu.memory_space<hbm>>
    %dma_start3A_664 = arith.constant 0 : i32
    %dma_start3A_665 = tpu.memref_slice %arg5[%add3A_661, %dma_start3A_664] : memref<16384x512xf32, #tpu.memory_space<hbm>> -> memref<64x512xf32, #tpu.memory_space<hbm>>
    tpu.enqueue_dma source(%arg10 : memref<64x512xf32, #tpu.memory_space<vmem>>) target(%dma_start3A_665 : memref<64x512xf32, #tpu.memory_space<hbm>>) target_semaphore(%arg14 : memref<!tpu.dma_semaphore, #tpu.memory_space<semaphore_mem>>)
    %scan3A_666 = arith.constant 0 : i32
    %scan3A_667 = arith.constant 0 : i32
    %scan3A_668 = arith.constant 64 : i32
    %scan3A_669 = arith.addi %scan3A_667, %scan3A_668 : i32
    %scan3A_670 = arith.constant 1 : i32
    %scan3A_671 = scf.for %scan3A_1090 = %scan3A_667 to %scan3A_669 step %scan3A_670 iter_args(%scan3A_1091 = %scan3A_666) -> (i32)  : i32 {
      %swap3A_1092 = arith.index_cast %scan3A_1090 : i32 to index
      %swap3A_1093 = arith.constant 0 : index
      %swap3A_1094 = tpu.vector_load %arg11[%swap3A_1092, %swap3A_1093] {strides = array<i32>} : memref<64x512xf32, #tpu.memory_space<vmem>>, vector<16xf32>,
      tpu.vector_store %arg11[%swap3A_1092, %swap3A_1093], %broadcast_in_dim3A_583 {strides = array<i32>} : memref<64x512xf32, #tpu.memory_space<vmem>>, vector<16xf32>,
      %swap3A_1095 = arith.index_cast %scan3A_1090 : i32 to index
      %swap3A_1096 = arith.constant 16 : index
      %swap3A_1097 = tpu.vector_load %arg11[%swap3A_1095, %swap3A_1096] {strides = array<i32>} : memref<64x512xf32, #tpu.memory_space<vmem>>, vector<16xf32>,
      tpu.vector_store %arg11[%swap3A_1095, %swap3A_1096], %broadcast_in_dim3A_583 {strides = array<i32>} : memref<64x512xf32, #tpu.memory_space<vmem>>, vector<16xf32>,
      %swap3A_1098 = arith.index_cast %scan3A_1090 : i32 to index
      %swap3A_1099 = arith.constant 32 : index
      %swap3A_1100 = tpu.vector_load %arg11[%swap3A_1098, %swap3A_1099] {strides = array<i32>} : memref<64x512xf32, #tpu.memory_space<vmem>>, vector<16xf32>,
      tpu.vector_store %arg11[%swap3A_1098, %swap3A_1099], %broadcast_in_dim3A_583 {strides = array<i32>} : memref<64x512xf32, #tpu.memory_space<vmem>>, vector<16xf32>,
      %swap3A_1101 = arith.index_cast %scan3A_1090 : i32 to index
      %swap3A_1102 = arith.constant 48 : index
      %swap3A_1103 = tpu.vector_load %arg11[%swap3A_1101, %swap3A_1102] {strides = array<i32>} : memref<64x512xf32, #tpu.memory_space<vmem>>, vector<16xf32>,
      tpu.vector_store %arg11[%swap3A_1101, %swap3A_1102], %broadcast_in_dim3A_583 {strides = array<i32>} : memref<64x512xf32, #tpu.memory_space<vmem>>, vector<16xf32>,
      %swap3A_1104 = arith.index_cast %scan3A_1090 : i32 to index
      %swap3A_1105 = arith.constant 64 : index
      %swap3A_1106 = tpu.vector_load %arg11[%swap3A_1104, %swap3A_1105] {strides = array<i32>} : memref<64x512xf32, #tpu.memory_space<vmem>>, vector<16xf32>,
      tpu.vector_store %arg11[%swap3A_1104, %swap3A_1105], %broadcast_in_dim3A_583 {strides = array<i32>} : memref<64x512xf32, #tpu.memory_space<vmem>>, vector<16xf32>,
      %swap3A_1107 = arith.index_cast %scan3A_1090 : i32 to index
      %swap3A_1108 = arith.constant 80 : index
      %swap3A_1109 = tpu.vector_load %arg11[%swap3A_1107, %swap3A_1108] {strides = array<i32>} : memref<64x512xf32, #tpu.memory_space<vmem>>, vector<16xf32>,
      tpu.vector_store %arg11[%swap3A_1107, %swap3A_1108], %broadcast_in_dim3A_583 {strides = array<i32>} : memref<64x512xf32, #tpu.memory_space<vmem>>, vector<16xf32>,
      %swap3A_1110 = arith.index_cast %scan3A_1090 : i32 to index
      %swap3A_1111 = arith.constant 96 : index
      %swap3A_1112 = tpu.vector_load %arg11[%swap3A_1110, %swap3A_1111] {strides = array<i32>} : memref<64x512xf32, #tpu.memory_space<vmem>>, vector<16xf32>,
      tpu.vector_store %arg11[%swap3A_1110, %swap3A_1111], %broadcast_in_dim3A_583 {strides = array<i32>} : memref<64x512xf32, #tpu.memory_space<vmem>>, vector<16xf32>,
      %swap3A_1113 = arith.index_cast %scan3A_1090 : i32 to index
      %swap3A_1114 = arith.constant 112 : index
      %swap3A_1115 = tpu.vector_load %arg11[%swap3A_1113, %swap3A_1114] {strides = array<i32>} : memref<64x512xf32, #tpu.memory_space<vmem>>, vector<16xf32>,
      tpu.vector_store %arg11[%swap3A_1113, %swap3A_1114], %broadcast_in_dim3A_583 {strides = array<i32>} : memref<64x512xf32, #tpu.memory_space<vmem>>, vector<16xf32>,
      %swap3A_1116 = arith.index_cast %scan3A_1090 : i32 to index
      %swap3A_1117 = arith.constant 128 : index
      %swap3A_1118 = tpu.vector_load %arg11[%swap3A_1116, %swap3A_1117] {strides = array<i32>} : memref<64x512xf32, #tpu.memory_space<vmem>>, vector<16xf32>,
      tpu.vector_store %arg11[%swap3A_1116, %swap3A_1117], %broadcast_in_dim3A_583 {strides = array<i32>} : memref<64x512xf32, #tpu.memory_space<vmem>>, vector<16xf32>,
      %swap3A_1119 = arith.index_cast %scan3A_1090 : i32 to index
      %swap3A_1120 = arith.constant 144 : index
      %swap3A_1121 = tpu.vector_load %arg11[%swap3A_1119, %swap3A_1120] {strides = array<i32>} : memref<64x512xf32, #tpu.memory_space<vmem>>, vector<16xf32>,
      tpu.vector_store %arg11[%swap3A_1119, %swap3A_1120], %broadcast_in_dim3A_583 {strides = array<i32>} : memref<64x512xf32, #tpu.memory_space<vmem>>, vector<16xf32>,
      %swap3A_1122 = arith.index_cast %scan3A_1090 : i32 to index
      %swap3A_1123 = arith.constant 160 : index
      %swap3A_1124 = tpu.vector_load %arg11[%swap3A_1122, %swap3A_1123] {strides = array<i32>} : memref<64x512xf32, #tpu.memory_space<vmem>>, vector<16xf32>,
      tpu.vector_store %arg11[%swap3A_1122, %swap3A_1123], %broadcast_in_dim3A_583 {strides = array<i32>} : memref<64x512xf32, #tpu.memory_space<vmem>>, vector<16xf32>,
      %swap3A_1125 = arith.index_cast %scan3A_1090 : i32 to index
      %swap3A_1126 = arith.constant 176 : index
      %swap3A_1127 = tpu.vector_load %arg11[%swap3A_1125, %swap3A_1126] {strides = array<i32>} : memref<64x512xf32, #tpu.memory_space<vmem>>, vector<16xf32>,
      tpu.vector_store %arg11[%swap3A_1125, %swap3A_1126], %broadcast_in_dim3A_583 {strides = array<i32>} : memref<64x512xf32, #tpu.memory_space<vmem>>, vector<16xf32>,
      %swap3A_1128 = arith.index_cast %scan3A_1090 : i32 to index
      %swap3A_1129 = arith.constant 192 : index
      %swap3A_1130 = tpu.vector_load %arg11[%swap3A_1128, %swap3A_1129] {strides = array<i32>} : memref<64x512xf32, #tpu.memory_space<vmem>>, vector<16xf32>,
      tpu.vector_store %arg11[%swap3A_1128, %swap3A_1129], %broadcast_in_dim3A_583 {strides = array<i32>} : memref<64x512xf32, #tpu.memory_space<vmem>>, vector<16xf32>,
      %swap3A_1131 = arith.index_cast %scan3A_1090 : i32 to index
      %swap3A_1132 = arith.constant 208 : index
      %swap3A_1133 = tpu.vector_load %arg11[%swap3A_1131, %swap3A_1132] {strides = array<i32>} : memref<64x512xf32, #tpu.memory_space<vmem>>, vector<16xf32>,
      tpu.vector_store %arg11[%swap3A_1131, %swap3A_1132], %broadcast_in_dim3A_583 {strides = array<i32>} : memref<64x512xf32, #tpu.memory_space<vmem>>, vector<16xf32>,
      %swap3A_1134 = arith.index_cast %scan3A_1090 : i32 to index
      %swap3A_1135 = arith.constant 224 : index
      %swap3A_1136 = tpu.vector_load %arg11[%swap3A_1134, %swap3A_1135] {strides = array<i32>} : memref<64x512xf32, #tpu.memory_space<vmem>>, vector<16xf32>,
      tpu.vector_store %arg11[%swap3A_1134, %swap3A_1135], %broadcast_in_dim3A_583 {strides = array<i32>} : memref<64x512xf32, #tpu.memory_space<vmem>>, vector<16xf32>,
      %swap3A_1137 = arith.index_cast %scan3A_1090 : i32 to index
      %swap3A_1138 = arith.constant 240 : index
      %swap3A_1139 = tpu.vector_load %arg11[%swap3A_1137, %swap3A_1138] {strides = array<i32>} : memref<64x512xf32, #tpu.memory_space<vmem>>, vector<16xf32>,
      tpu.vector_store %arg11[%swap3A_1137, %swap3A_1138], %broadcast_in_dim3A_583 {strides = array<i32>} : memref<64x512xf32, #tpu.memory_space<vmem>>, vector<16xf32>,
      %swap3A_1140 = arith.index_cast %scan3A_1090 : i32 to index
      %swap3A_1141 = arith.constant 256 : index
      %swap3A_1142 = tpu.vector_load %arg11[%swap3A_1140, %swap3A_1141] {strides = array<i32>} : memref<64x512xf32, #tpu.memory_space<vmem>>, vector<16xf32>,
      tpu.vector_store %arg11[%swap3A_1140, %swap3A_1141], %broadcast_in_dim3A_583 {strides = array<i32>} : memref<64x512xf32, #tpu.memory_space<vmem>>, vector<16xf32>,
      %swap3A_1143 = arith.index_cast %scan3A_1090 : i32 to index
      %swap3A_1144 = arith.constant 272 : index
      %swap3A_1145 = tpu.vector_load %arg11[%swap3A_1143, %swap3A_1144] {strides = array<i32>} : memref<64x512xf32, #tpu.memory_space<vmem>>, vector<16xf32>,
      tpu.vector_store %arg11[%swap3A_1143, %swap3A_1144], %broadcast_in_dim3A_583 {strides = array<i32>} : memref<64x512xf32, #tpu.memory_space<vmem>>, vector<16xf32>,
      %swap3A_1146 = arith.index_cast %scan3A_1090 : i32 to index
      %swap3A_1147 = arith.constant 288 : index
      %swap3A_1148 = tpu.vector_load %arg11[%swap3A_1146, %swap3A_1147] {strides = array<i32>} : memref<64x512xf32, #tpu.memory_space<vmem>>, vector<16xf32>,
      tpu.vector_store %arg11[%swap3A_1146, %swap3A_1147], %broadcast_in_dim3A_583 {strides = array<i32>} : memref<64x512xf32, #tpu.memory_space<vmem>>, vector<16xf32>,
      %swap3A_1149 = arith.index_cast %scan3A_1090 : i32 to index
      %swap3A_1150 = arith.constant 304 : index
      %swap3A_1151 = tpu.vector_load %arg11[%swap3A_1149, %swap3A_1150] {strides = array<i32>} : memref<64x512xf32, #tpu.memory_space<vmem>>, vector<16xf32>,
      tpu.vector_store %arg11[%swap3A_1149, %swap3A_1150], %broadcast_in_dim3A_583 {strides = array<i32>} : memref<64x512xf32, #tpu.memory_space<vmem>>, vector<16xf32>,
      %swap3A_1152 = arith.index_cast %scan3A_1090 : i32 to index
      %swap3A_1153 = arith.constant 320 : index
      %swap3A_1154 = tpu.vector_load %arg11[%swap3A_1152, %swap3A_1153] {strides = array<i32>} : memref<64x512xf32, #tpu.memory_space<vmem>>, vector<16xf32>,
      tpu.vector_store %arg11[%swap3A_1152, %swap3A_1153], %broadcast_in_dim3A_583 {strides = array<i32>} : memref<64x512xf32, #tpu.memory_space<vmem>>, vector<16xf32>,
      %swap3A_1155 = arith.index_cast %scan3A_1090 : i32 to index
      %swap3A_1156 = arith.constant 336 : index
      %swap3A_1157 = tpu.vector_load %arg11[%swap3A_1155, %swap3A_1156] {strides = array<i32>} : memref<64x512xf32, #tpu.memory_space<vmem>>, vector<16xf32>,
      tpu.vector_store %arg11[%swap3A_1155, %swap3A_1156], %broadcast_in_dim3A_583 {strides = array<i32>} : memref<64x512xf32, #tpu.memory_space<vmem>>, vector<16xf32>,
      %swap3A_1158 = arith.index_cast %scan3A_1090 : i32 to index
      %swap3A_1159 = arith.constant 352 : index
      %swap3A_1160 = tpu.vector_load %arg11[%swap3A_1158, %swap3A_1159] {strides = array<i32>} : memref<64x512xf32, #tpu.memory_space<vmem>>, vector<16xf32>,
      tpu.vector_store %arg11[%swap3A_1158, %swap3A_1159], %broadcast_in_dim3A_583 {strides = array<i32>} : memref<64x512xf32, #tpu.memory_space<vmem>>, vector<16xf32>,
      %swap3A_1161 = arith.index_cast %scan3A_1090 : i32 to index
      %swap3A_1162 = arith.constant 368 : index
      %swap3A_1163 = tpu.vector_load %arg11[%swap3A_1161, %swap3A_1162] {strides = array<i32>} : memref<64x512xf32, #tpu.memory_space<vmem>>, vector<16xf32>,
      tpu.vector_store %arg11[%swap3A_1161, %swap3A_1162], %broadcast_in_dim3A_583 {strides = array<i32>} : memref<64x512xf32, #tpu.memory_space<vmem>>, vector<16xf32>,
      %swap3A_1164 = arith.index_cast %scan3A_1090 : i32 to index
      %swap3A_1165 = arith.constant 384 : index
      %swap3A_1166 = tpu.vector_load %arg11[%swap3A_1164, %swap3A_1165] {strides = array<i32>} : memref<64x512xf32, #tpu.memory_space<vmem>>, vector<16xf32>,
      tpu.vector_store %arg11[%swap3A_1164, %swap3A_1165], %broadcast_in_dim3A_583 {strides = array<i32>} : memref<64x512xf32, #tpu.memory_space<vmem>>, vector<16xf32>,
      %swap3A_1167 = arith.index_cast %scan3A_1090 : i32 to index
      %swap3A_1168 = arith.constant 400 : index
      %swap3A_1169 = tpu.vector_load %arg11[%swap3A_1167, %swap3A_1168] {strides = array<i32>} : memref<64x512xf32, #tpu.memory_space<vmem>>, vector<16xf32>,
      tpu.vector_store %arg11[%swap3A_1167, %swap3A_1168], %broadcast_in_dim3A_583 {strides = array<i32>} : memref<64x512xf32, #tpu.memory_space<vmem>>, vector<16xf32>,
      %swap3A_1170 = arith.index_cast %scan3A_1090 : i32 to index
      %swap3A_1171 = arith.constant 416 : index
      %swap3A_1172 = tpu.vector_load %arg11[%swap3A_1170, %swap3A_1171] {strides = array<i32>} : memref<64x512xf32, #tpu.memory_space<vmem>>, vector<16xf32>,
      tpu.vector_store %arg11[%swap3A_1170, %swap3A_1171], %broadcast_in_dim3A_583 {strides = array<i32>} : memref<64x512xf32, #tpu.memory_space<vmem>>, vector<16xf32>,
      %swap3A_1173 = arith.index_cast %scan3A_1090 : i32 to index
      %swap3A_1174 = arith.constant 432 : index
      %swap3A_1175 = tpu.vector_load %arg11[%swap3A_1173, %swap3A_1174] {strides = array<i32>} : memref<64x512xf32, #tpu.memory_space<vmem>>, vector<16xf32>,
      tpu.vector_store %arg11[%swap3A_1173, %swap3A_1174], %broadcast_in_dim3A_583 {strides = array<i32>} : memref<64x512xf32, #tpu.memory_space<vmem>>, vector<16xf32>,
      %swap3A_1176 = arith.index_cast %scan3A_1090 : i32 to index
      %swap3A_1177 = arith.constant 448 : index
      %swap3A_1178 = tpu.vector_load %arg11[%swap3A_1176, %swap3A_1177] {strides = array<i32>} : memref<64x512xf32, #tpu.memory_space<vmem>>, vector<16xf32>,
      tpu.vector_store %arg11[%swap3A_1176, %swap3A_1177], %broadcast_in_dim3A_583 {strides = array<i32>} : memref<64x512xf32, #tpu.memory_space<vmem>>, vector<16xf32>,
      %swap3A_1179 = arith.index_cast %scan3A_1090 : i32 to index
      %swap3A_1180 = arith.constant 464 : index
      %swap3A_1181 = tpu.vector_load %arg11[%swap3A_1179, %swap3A_1180] {strides = array<i32>} : memref<64x512xf32, #tpu.memory_space<vmem>>, vector<16xf32>,
      tpu.vector_store %arg11[%swap3A_1179, %swap3A_1180], %broadcast_in_dim3A_583 {strides = array<i32>} : memref<64x512xf32, #tpu.memory_space<vmem>>, vector<16xf32>,
      %swap3A_1182 = arith.index_cast %scan3A_1090 : i32 to index
      %swap3A_1183 = arith.constant 480 : index
      %swap3A_1184 = tpu.vector_load %arg11[%swap3A_1182, %swap3A_1183] {strides = array<i32>} : memref<64x512xf32, #tpu.memory_space<vmem>>, vector<16xf32>,
      tpu.vector_store %arg11[%swap3A_1182, %swap3A_1183], %broadcast_in_dim3A_583 {strides = array<i32>} : memref<64x512xf32, #tpu.memory_space<vmem>>, vector<16xf32>,
      %swap3A_1185 = arith.index_cast %scan3A_1090 : i32 to index
      %swap3A_1186 = arith.constant 496 : index
      %swap3A_1187 = tpu.vector_load %arg11[%swap3A_1185, %swap3A_1186] {strides = array<i32>} : memref<64x512xf32, #tpu.memory_space<vmem>>, vector<16xf32>,
      tpu.vector_store %arg11[%swap3A_1185, %swap3A_1186], %broadcast_in_dim3A_583 {strides = array<i32>} : memref<64x512xf32, #tpu.memory_space<vmem>>, vector<16xf32>,
      %scan3A_1188 = arith.constant 0 : i32
      scf.yield %scan3A_1188 : i32
    }
    %scan3A_672 = arith.constant 64 : i32
    %get3A_673 = arith.constant 0 : i32
    %get3A_674 = arith.index_cast %get3A_673 : i32 to index
    %get3A_675 = arith.constant 64 : index
    %get3A_676 = tpu.vector_load %arg9[%get3A_674, %get3A_675] {strides = array<i32>} : memref<4x128xi32, #tpu.memory_space<vmem>>, vector<16xi32>,
    %add3A_677 = arith.constant 0 : i32
    %add3A_678 = vector.broadcast %add3A_677 : i32 to vector<16xi32>
    %add3A_679 = arith.addi %iota3A, %add3A_678 : vector<16xi32>
    tpu.vector_store_idx %arg11[%add3A_679, %get3A_676], %broadcast_in_dim3A_585 : memref<64x512xf32, #tpu.memory_space<vmem>>[vector<16xi32>, vector<16xi32>], vector<16xf32>,
    %get3A_680 = arith.constant 0 : i32
    %get3A_681 = arith.index_cast %get3A_680 : i32 to index
    %get3A_682 = arith.constant 80 : index
    %get3A_683 = tpu.vector_load %arg9[%get3A_681, %get3A_682] {strides = array<i32>} : memref<4x128xi32, #tpu.memory_space<vmem>>, vector<16xi32>,
    %add3A_684 = arith.constant 16 : i32
    %add3A_685 = vector.broadcast %add3A_684 : i32 to vector<16xi32>
    %add3A_686 = arith.addi %iota3A, %add3A_685 : vector<16xi32>
    tpu.vector_store_idx %arg11[%add3A_686, %get3A_683], %broadcast_in_dim3A_585 : memref<64x512xf32, #tpu.memory_space<vmem>>[vector<16xi32>, vector<16xi32>], vector<16xf32>,
    %get3A_687 = arith.constant 0 : i32
    %get3A_688 = arith.index_cast %get3A_687 : i32 to index
    %get3A_689 = arith.constant 96 : index
    %get3A_690 = tpu.vector_load %arg9[%get3A_688, %get3A_689] {strides = array<i32>} : memref<4x128xi32, #tpu.memory_space<vmem>>, vector<16xi32>,
    %add3A_691 = arith.constant 32 : i32
    %add3A_692 = vector.broadcast %add3A_691 : i32 to vector<16xi32>
    %add3A_693 = arith.addi %iota3A, %add3A_692 : vector<16xi32>
    tpu.vector_store_idx %arg11[%add3A_693, %get3A_690], %broadcast_in_dim3A_585 : memref<64x512xf32, #tpu.memory_space<vmem>>[vector<16xi32>, vector<16xi32>], vector<16xf32>,
    %get3A_694 = arith.constant 0 : i32
    %get3A_695 = arith.index_cast %get3A_694 : i32 to index
    %get3A_696 = arith.constant 112 : index
    %get3A_697 = tpu.vector_load %arg9[%get3A_695, %get3A_696] {strides = array<i32>} : memref<4x128xi32, #tpu.memory_space<vmem>>, vector<16xi32>,
    %add3A_698 = arith.constant 48 : i32
    %add3A_699 = vector.broadcast %add3A_698 : i32 to vector<16xi32>
    %add3A_700 = arith.addi %iota3A, %add3A_699 : vector<16xi32>
    tpu.vector_store_idx %arg11[%add3A_700, %get3A_697], %broadcast_in_dim3A_585 : memref<64x512xf32, #tpu.memory_space<vmem>>[vector<16xi32>, vector<16xi32>], vector<16xf32>,
    %add3A_701 = arith.constant 64 : i32
    %add3A_702 = arith.addi %mul3A_2, %add3A_701 : i32
    %dma_start3A_703 = arith.constant 0 : i32
    %dma_start3A_704 = tpu.memref_slice %arg5[%add3A_702, %dma_start3A_703] : memref<16384x512xf32, #tpu.memory_space<hbm>> -> memref<64x512xf32, #tpu.memory_space<hbm>>
    %dma_start3A_705 = arith.constant 0 : i32
    %dma_start3A_706 = tpu.memref_slice %arg5[%add3A_702, %dma_start3A_705] : memref<16384x512xf32, #tpu.memory_space<hbm>> -> memref<64x512xf32, #tpu.memory_space<hbm>>
    tpu.enqueue_dma source(%arg11 : memref<64x512xf32, #tpu.memory_space<vmem>>) target(%dma_start3A_706 : memref<64x512xf32, #tpu.memory_space<hbm>>) target_semaphore(%arg15 : memref<!tpu.dma_semaphore, #tpu.memory_space<semaphore_mem>>)
    %scan3A_707 = arith.constant 0 : i32
    %scan3A_708 = arith.constant 0 : i32
    %scan3A_709 = arith.constant 64 : i32
    %scan3A_710 = arith.addi %scan3A_708, %scan3A_709 : i32
    %scan3A_711 = arith.constant 1 : i32
    %scan3A_712 = scf.for %scan3A_1090 = %scan3A_708 to %scan3A_710 step %scan3A_711 iter_args(%scan3A_1091 = %scan3A_707) -> (i32)  : i32 {
      %swap3A_1092 = arith.index_cast %scan3A_1090 : i32 to index
      %swap3A_1093 = arith.constant 0 : index
      %swap3A_1094 = tpu.vector_load %arg12[%swap3A_1092, %swap3A_1093] {strides = array<i32>} : memref<64x512xf32, #tpu.memory_space<vmem>>, vector<16xf32>,
      tpu.vector_store %arg12[%swap3A_1092, %swap3A_1093], %broadcast_in_dim3A_583 {strides = array<i32>} : memref<64x512xf32, #tpu.memory_space<vmem>>, vector<16xf32>,
      %swap3A_1095 = arith.index_cast %scan3A_1090 : i32 to index
      %swap3A_1096 = arith.constant 16 : index
      %swap3A_1097 = tpu.vector_load %arg12[%swap3A_1095, %swap3A_1096] {strides = array<i32>} : memref<64x512xf32, #tpu.memory_space<vmem>>, vector<16xf32>,
      tpu.vector_store %arg12[%swap3A_1095, %swap3A_1096], %broadcast_in_dim3A_583 {strides = array<i32>} : memref<64x512xf32, #tpu.memory_space<vmem>>, vector<16xf32>,
      %swap3A_1098 = arith.index_cast %scan3A_1090 : i32 to index
      %swap3A_1099 = arith.constant 32 : index
      %swap3A_1100 = tpu.vector_load %arg12[%swap3A_1098, %swap3A_1099] {strides = array<i32>} : memref<64x512xf32, #tpu.memory_space<vmem>>, vector<16xf32>,
      tpu.vector_store %arg12[%swap3A_1098, %swap3A_1099], %broadcast_in_dim3A_583 {strides = array<i32>} : memref<64x512xf32, #tpu.memory_space<vmem>>, vector<16xf32>,
      %swap3A_1101 = arith.index_cast %scan3A_1090 : i32 to index
      %swap3A_1102 = arith.constant 48 : index
      %swap3A_1103 = tpu.vector_load %arg12[%swap3A_1101, %swap3A_1102] {strides = array<i32>} : memref<64x512xf32, #tpu.memory_space<vmem>>, vector<16xf32>,
      tpu.vector_store %arg12[%swap3A_1101, %swap3A_1102], %broadcast_in_dim3A_583 {strides = array<i32>} : memref<64x512xf32, #tpu.memory_space<vmem>>, vector<16xf32>,
      %swap3A_1104 = arith.index_cast %scan3A_1090 : i32 to index
      %swap3A_1105 = arith.constant 64 : index
      %swap3A_1106 = tpu.vector_load %arg12[%swap3A_1104, %swap3A_1105] {strides = array<i32>} : memref<64x512xf32, #tpu.memory_space<vmem>>, vector<16xf32>,
      tpu.vector_store %arg12[%swap3A_1104, %swap3A_1105], %broadcast_in_dim3A_583 {strides = array<i32>} : memref<64x512xf32, #tpu.memory_space<vmem>>, vector<16xf32>,
      %swap3A_1107 = arith.index_cast %scan3A_1090 : i32 to index
      %swap3A_1108 = arith.constant 80 : index
      %swap3A_1109 = tpu.vector_load %arg12[%swap3A_1107, %swap3A_1108] {strides = array<i32>} : memref<64x512xf32, #tpu.memory_space<vmem>>, vector<16xf32>,
      tpu.vector_store %arg12[%swap3A_1107, %swap3A_1108], %broadcast_in_dim3A_583 {strides = array<i32>} : memref<64x512xf32, #tpu.memory_space<vmem>>, vector<16xf32>,
      %swap3A_1110 = arith.index_cast %scan3A_1090 : i32 to index
      %swap3A_1111 = arith.constant 96 : index
      %swap3A_1112 = tpu.vector_load %arg12[%swap3A_1110, %swap3A_1111] {strides = array<i32>} : memref<64x512xf32, #tpu.memory_space<vmem>>, vector<16xf32>,
      tpu.vector_store %arg12[%swap3A_1110, %swap3A_1111], %broadcast_in_dim3A_583 {strides = array<i32>} : memref<64x512xf32, #tpu.memory_space<vmem>>, vector<16xf32>,
      %swap3A_1113 = arith.index_cast %scan3A_1090 : i32 to index
      %swap3A_1114 = arith.constant 112 : index
      %swap3A_1115 = tpu.vector_load %arg12[%swap3A_1113, %swap3A_1114] {strides = array<i32>} : memref<64x512xf32, #tpu.memory_space<vmem>>, vector<16xf32>,
      tpu.vector_store %arg12[%swap3A_1113, %swap3A_1114], %broadcast_in_dim3A_583 {strides = array<i32>} : memref<64x512xf32, #tpu.memory_space<vmem>>, vector<16xf32>,
      %swap3A_1116 = arith.index_cast %scan3A_1090 : i32 to index
      %swap3A_1117 = arith.constant 128 : index
      %swap3A_1118 = tpu.vector_load %arg12[%swap3A_1116, %swap3A_1117] {strides = array<i32>} : memref<64x512xf32, #tpu.memory_space<vmem>>, vector<16xf32>,
      tpu.vector_store %arg12[%swap3A_1116, %swap3A_1117], %broadcast_in_dim3A_583 {strides = array<i32>} : memref<64x512xf32, #tpu.memory_space<vmem>>, vector<16xf32>,
      %swap3A_1119 = arith.index_cast %scan3A_1090 : i32 to index
      %swap3A_1120 = arith.constant 144 : index
      %swap3A_1121 = tpu.vector_load %arg12[%swap3A_1119, %swap3A_1120] {strides = array<i32>} : memref<64x512xf32, #tpu.memory_space<vmem>>, vector<16xf32>,
      tpu.vector_store %arg12[%swap3A_1119, %swap3A_1120], %broadcast_in_dim3A_583 {strides = array<i32>} : memref<64x512xf32, #tpu.memory_space<vmem>>, vector<16xf32>,
      %swap3A_1122 = arith.index_cast %scan3A_1090 : i32 to index
      %swap3A_1123 = arith.constant 160 : index
      %swap3A_1124 = tpu.vector_load %arg12[%swap3A_1122, %swap3A_1123] {strides = array<i32>} : memref<64x512xf32, #tpu.memory_space<vmem>>, vector<16xf32>,
      tpu.vector_store %arg12[%swap3A_1122, %swap3A_1123], %broadcast_in_dim3A_583 {strides = array<i32>} : memref<64x512xf32, #tpu.memory_space<vmem>>, vector<16xf32>,
      %swap3A_1125 = arith.index_cast %scan3A_1090 : i32 to index
      %swap3A_1126 = arith.constant 176 : index
      %swap3A_1127 = tpu.vector_load %arg12[%swap3A_1125, %swap3A_1126] {strides = array<i32>} : memref<64x512xf32, #tpu.memory_space<vmem>>, vector<16xf32>,
      tpu.vector_store %arg12[%swap3A_1125, %swap3A_1126], %broadcast_in_dim3A_583 {strides = array<i32>} : memref<64x512xf32, #tpu.memory_space<vmem>>, vector<16xf32>,
      %swap3A_1128 = arith.index_cast %scan3A_1090 : i32 to index
      %swap3A_1129 = arith.constant 192 : index
      %swap3A_1130 = tpu.vector_load %arg12[%swap3A_1128, %swap3A_1129] {strides = array<i32>} : memref<64x512xf32, #tpu.memory_space<vmem>>, vector<16xf32>,
      tpu.vector_store %arg12[%swap3A_1128, %swap3A_1129], %broadcast_in_dim3A_583 {strides = array<i32>} : memref<64x512xf32, #tpu.memory_space<vmem>>, vector<16xf32>,
      %swap3A_1131 = arith.index_cast %scan3A_1090 : i32 to index
      %swap3A_1132 = arith.constant 208 : index
      %swap3A_1133 = tpu.vector_load %arg12[%swap3A_1131, %swap3A_1132] {strides = array<i32>} : memref<64x512xf32, #tpu.memory_space<vmem>>, vector<16xf32>,
      tpu.vector_store %arg12[%swap3A_1131, %swap3A_1132], %broadcast_in_dim3A_583 {strides = array<i32>} : memref<64x512xf32, #tpu.memory_space<vmem>>, vector<16xf32>,
      %swap3A_1134 = arith.index_cast %scan3A_1090 : i32 to index
      %swap3A_1135 = arith.constant 224 : index
      %swap3A_1136 = tpu.vector_load %arg12[%swap3A_1134, %swap3A_1135] {strides = array<i32>} : memref<64x512xf32, #tpu.memory_space<vmem>>, vector<16xf32>,
      tpu.vector_store %arg12[%swap3A_1134, %swap3A_1135], %broadcast_in_dim3A_583 {strides = array<i32>} : memref<64x512xf32, #tpu.memory_space<vmem>>, vector<16xf32>,
      %swap3A_1137 = arith.index_cast %scan3A_1090 : i32 to index
      %swap3A_1138 = arith.constant 240 : index
      %swap3A_1139 = tpu.vector_load %arg12[%swap3A_1137, %swap3A_1138] {strides = array<i32>} : memref<64x512xf32, #tpu.memory_space<vmem>>, vector<16xf32>,
      tpu.vector_store %arg12[%swap3A_1137, %swap3A_1138], %broadcast_in_dim3A_583 {strides = array<i32>} : memref<64x512xf32, #tpu.memory_space<vmem>>, vector<16xf32>,
      %swap3A_1140 = arith.index_cast %scan3A_1090 : i32 to index
      %swap3A_1141 = arith.constant 256 : index
      %swap3A_1142 = tpu.vector_load %arg12[%swap3A_1140, %swap3A_1141] {strides = array<i32>} : memref<64x512xf32, #tpu.memory_space<vmem>>, vector<16xf32>,
      tpu.vector_store %arg12[%swap3A_1140, %swap3A_1141], %broadcast_in_dim3A_583 {strides = array<i32>} : memref<64x512xf32, #tpu.memory_space<vmem>>, vector<16xf32>,
      %swap3A_1143 = arith.index_cast %scan3A_1090 : i32 to index
      %swap3A_1144 = arith.constant 272 : index
      %swap3A_1145 = tpu.vector_load %arg12[%swap3A_1143, %swap3A_1144] {strides = array<i32>} : memref<64x512xf32, #tpu.memory_space<vmem>>, vector<16xf32>,
      tpu.vector_store %arg12[%swap3A_1143, %swap3A_1144], %broadcast_in_dim3A_583 {strides = array<i32>} : memref<64x512xf32, #tpu.memory_space<vmem>>, vector<16xf32>,
      %swap3A_1146 = arith.index_cast %scan3A_1090 : i32 to index
      %swap3A_1147 = arith.constant 288 : index
      %swap3A_1148 = tpu.vector_load %arg12[%swap3A_1146, %swap3A_1147] {strides = array<i32>} : memref<64x512xf32, #tpu.memory_space<vmem>>, vector<16xf32>,
      tpu.vector_store %arg12[%swap3A_1146, %swap3A_1147], %broadcast_in_dim3A_583 {strides = array<i32>} : memref<64x512xf32, #tpu.memory_space<vmem>>, vector<16xf32>,
      %swap3A_1149 = arith.index_cast %scan3A_1090 : i32 to index
      %swap3A_1150 = arith.constant 304 : index
      %swap3A_1151 = tpu.vector_load %arg12[%swap3A_1149, %swap3A_1150] {strides = array<i32>} : memref<64x512xf32, #tpu.memory_space<vmem>>, vector<16xf32>,
      tpu.vector_store %arg12[%swap3A_1149, %swap3A_1150], %broadcast_in_dim3A_583 {strides = array<i32>} : memref<64x512xf32, #tpu.memory_space<vmem>>, vector<16xf32>,
      %swap3A_1152 = arith.index_cast %scan3A_1090 : i32 to index
      %swap3A_1153 = arith.constant 320 : index
      %swap3A_1154 = tpu.vector_load %arg12[%swap3A_1152, %swap3A_1153] {strides = array<i32>} : memref<64x512xf32, #tpu.memory_space<vmem>>, vector<16xf32>,
      tpu.vector_store %arg12[%swap3A_1152, %swap3A_1153], %broadcast_in_dim3A_583 {strides = array<i32>} : memref<64x512xf32, #tpu.memory_space<vmem>>, vector<16xf32>,
      %swap3A_1155 = arith.index_cast %scan3A_1090 : i32 to index
      %swap3A_1156 = arith.constant 336 : index
      %swap3A_1157 = tpu.vector_load %arg12[%swap3A_1155, %swap3A_1156] {strides = array<i32>} : memref<64x512xf32, #tpu.memory_space<vmem>>, vector<16xf32>,
      tpu.vector_store %arg12[%swap3A_1155, %swap3A_1156], %broadcast_in_dim3A_583 {strides = array<i32>} : memref<64x512xf32, #tpu.memory_space<vmem>>, vector<16xf32>,
      %swap3A_1158 = arith.index_cast %scan3A_1090 : i32 to index
      %swap3A_1159 = arith.constant 352 : index
      %swap3A_1160 = tpu.vector_load %arg12[%swap3A_1158, %swap3A_1159] {strides = array<i32>} : memref<64x512xf32, #tpu.memory_space<vmem>>, vector<16xf32>,
      tpu.vector_store %arg12[%swap3A_1158, %swap3A_1159], %broadcast_in_dim3A_583 {strides = array<i32>} : memref<64x512xf32, #tpu.memory_space<vmem>>, vector<16xf32>,
      %swap3A_1161 = arith.index_cast %scan3A_1090 : i32 to index
      %swap3A_1162 = arith.constant 368 : index
      %swap3A_1163 = tpu.vector_load %arg12[%swap3A_1161, %swap3A_1162] {strides = array<i32>} : memref<64x512xf32, #tpu.memory_space<vmem>>, vector<16xf32>,
      tpu.vector_store %arg12[%swap3A_1161, %swap3A_1162], %broadcast_in_dim3A_583 {strides = array<i32>} : memref<64x512xf32, #tpu.memory_space<vmem>>, vector<16xf32>,
      %swap3A_1164 = arith.index_cast %scan3A_1090 : i32 to index
      %swap3A_1165 = arith.constant 384 : index
      %swap3A_1166 = tpu.vector_load %arg12[%swap3A_1164, %swap3A_1165] {strides = array<i32>} : memref<64x512xf32, #tpu.memory_space<vmem>>, vector<16xf32>,
      tpu.vector_store %arg12[%swap3A_1164, %swap3A_1165], %broadcast_in_dim3A_583 {strides = array<i32>} : memref<64x512xf32, #tpu.memory_space<vmem>>, vector<16xf32>,
      %swap3A_1167 = arith.index_cast %scan3A_1090 : i32 to index
      %swap3A_1168 = arith.constant 400 : index
      %swap3A_1169 = tpu.vector_load %arg12[%swap3A_1167, %swap3A_1168] {strides = array<i32>} : memref<64x512xf32, #tpu.memory_space<vmem>>, vector<16xf32>,
      tpu.vector_store %arg12[%swap3A_1167, %swap3A_1168], %broadcast_in_dim3A_583 {strides = array<i32>} : memref<64x512xf32, #tpu.memory_space<vmem>>, vector<16xf32>,
      %swap3A_1170 = arith.index_cast %scan3A_1090 : i32 to index
      %swap3A_1171 = arith.constant 416 : index
      %swap3A_1172 = tpu.vector_load %arg12[%swap3A_1170, %swap3A_1171] {strides = array<i32>} : memref<64x512xf32, #tpu.memory_space<vmem>>, vector<16xf32>,
      tpu.vector_store %arg12[%swap3A_1170, %swap3A_1171], %broadcast_in_dim3A_583 {strides = array<i32>} : memref<64x512xf32, #tpu.memory_space<vmem>>, vector<16xf32>,
      %swap3A_1173 = arith.index_cast %scan3A_1090 : i32 to index
      %swap3A_1174 = arith.constant 432 : index
      %swap3A_1175 = tpu.vector_load %arg12[%swap3A_1173, %swap3A_1174] {strides = array<i32>} : memref<64x512xf32, #tpu.memory_space<vmem>>, vector<16xf32>,
      tpu.vector_store %arg12[%swap3A_1173, %swap3A_1174], %broadcast_in_dim3A_583 {strides = array<i32>} : memref<64x512xf32, #tpu.memory_space<vmem>>, vector<16xf32>,
      %swap3A_1176 = arith.index_cast %scan3A_1090 : i32 to index
      %swap3A_1177 = arith.constant 448 : index
      %swap3A_1178 = tpu.vector_load %arg12[%swap3A_1176, %swap3A_1177] {strides = array<i32>} : memref<64x512xf32, #tpu.memory_space<vmem>>, vector<16xf32>,
      tpu.vector_store %arg12[%swap3A_1176, %swap3A_1177], %broadcast_in_dim3A_583 {strides = array<i32>} : memref<64x512xf32, #tpu.memory_space<vmem>>, vector<16xf32>,
      %swap3A_1179 = arith.index_cast %scan3A_1090 : i32 to index
      %swap3A_1180 = arith.constant 464 : index
      %swap3A_1181 = tpu.vector_load %arg12[%swap3A_1179, %swap3A_1180] {strides = array<i32>} : memref<64x512xf32, #tpu.memory_space<vmem>>, vector<16xf32>,
      tpu.vector_store %arg12[%swap3A_1179, %swap3A_1180], %broadcast_in_dim3A_583 {strides = array<i32>} : memref<64x512xf32, #tpu.memory_space<vmem>>, vector<16xf32>,
      %swap3A_1182 = arith.index_cast %scan3A_1090 : i32 to index
      %swap3A_1183 = arith.constant 480 : index
      %swap3A_1184 = tpu.vector_load %arg12[%swap3A_1182, %swap3A_1183] {strides = array<i32>} : memref<64x512xf32, #tpu.memory_space<vmem>>, vector<16xf32>,
      tpu.vector_store %arg12[%swap3A_1182, %swap3A_1183], %broadcast_in_dim3A_583 {strides = array<i32>} : memref<64x512xf32, #tpu.memory_space<vmem>>, vector<16xf32>,
      %swap3A_1185 = arith.index_cast %scan3A_1090 : i32 to index
      %swap3A_1186 = arith.constant 496 : index
      %swap3A_1187 = tpu.vector_load %arg12[%swap3A_1185, %swap3A_1186] {strides = array<i32>} : memref<64x512xf32, #tpu.memory_space<vmem>>, vector<16xf32>,
      tpu.vector_store %arg12[%swap3A_1185, %swap3A_1186], %broadcast_in_dim3A_583 {strides = array<i32>} : memref<64x512xf32, #tpu.memory_space<vmem>>, vector<16xf32>,
      %scan3A_1188 = arith.constant 0 : i32
      scf.yield %scan3A_1188 : i32
    }
    %scan3A_713 = arith.constant 64 : i32
    %get3A_714 = arith.constant 1 : i32
    %get3A_715 = arith.index_cast %get3A_714 : i32 to index
    %get3A_716 = arith.constant 0 : index
    %get3A_717 = tpu.vector_load %arg9[%get3A_715, %get3A_716] {strides = array<i32>} : memref<4x128xi32, #tpu.memory_space<vmem>>, vector<16xi32>,
    %add3A_718 = arith.constant 0 : i32
    %add3A_719 = vector.broadcast %add3A_718 : i32 to vector<16xi32>
    %add3A_720 = arith.addi %iota3A, %add3A_719 : vector<16xi32>
    tpu.vector_store_idx %arg12[%add3A_720, %get3A_717], %broadcast_in_dim3A_585 : memref<64x512xf32, #tpu.memory_space<vmem>>[vector<16xi32>, vector<16xi32>], vector<16xf32>,
    %get3A_721 = arith.constant 1 : i32
    %get3A_722 = arith.index_cast %get3A_721 : i32 to index
    %get3A_723 = arith.constant 16 : index
    %get3A_724 = tpu.vector_load %arg9[%get3A_722, %get3A_723] {strides = array<i32>} : memref<4x128xi32, #tpu.memory_space<vmem>>, vector<16xi32>,
    %add3A_725 = arith.constant 16 : i32
    %add3A_726 = vector.broadcast %add3A_725 : i32 to vector<16xi32>
    %add3A_727 = arith.addi %iota3A, %add3A_726 : vector<16xi32>
    tpu.vector_store_idx %arg12[%add3A_727, %get3A_724], %broadcast_in_dim3A_585 : memref<64x512xf32, #tpu.memory_space<vmem>>[vector<16xi32>, vector<16xi32>], vector<16xf32>,
    %get3A_728 = arith.constant 1 : i32
    %get3A_729 = arith.index_cast %get3A_728 : i32 to index
    %get3A_730 = arith.constant 32 : index
    %get3A_731 = tpu.vector_load %arg9[%get3A_729, %get3A_730] {strides = array<i32>} : memref<4x128xi32, #tpu.memory_space<vmem>>, vector<16xi32>,
    %add3A_732 = arith.constant 32 : i32
    %add3A_733 = vector.broadcast %add3A_732 : i32 to vector<16xi32>
    %add3A_734 = arith.addi %iota3A, %add3A_733 : vector<16xi32>
    tpu.vector_store_idx %arg12[%add3A_734, %get3A_731], %broadcast_in_dim3A_585 : memref<64x512xf32, #tpu.memory_space<vmem>>[vector<16xi32>, vector<16xi32>], vector<16xf32>,
    %get3A_735 = arith.constant 1 : i32
    %get3A_736 = arith.index_cast %get3A_735 : i32 to index
    %get3A_737 = arith.constant 48 : index
    %get3A_738 = tpu.vector_load %arg9[%get3A_736, %get3A_737] {strides = array<i32>} : memref<4x128xi32, #tpu.memory_space<vmem>>, vector<16xi32>,
    %add3A_739 = arith.constant 48 : i32
    %add3A_740 = vector.broadcast %add3A_739 : i32 to vector<16xi32>
    %add3A_741 = arith.addi %iota3A, %add3A_740 : vector<16xi32>
    tpu.vector_store_idx %arg12[%add3A_741, %get3A_738], %broadcast_in_dim3A_585 : memref<64x512xf32, #tpu.memory_space<vmem>>[vector<16xi32>, vector<16xi32>], vector<16xf32>,
    %add3A_742 = arith.constant 128 : i32
    %add3A_743 = arith.addi %mul3A_2, %add3A_742 : i32
    %dma_start3A_744 = arith.constant 0 : i32
    %dma_start3A_745 = tpu.memref_slice %arg5[%add3A_743, %dma_start3A_744] : memref<16384x512xf32, #tpu.memory_space<hbm>> -> memref<64x512xf32, #tpu.memory_space<hbm>>
    %dma_start3A_746 = arith.constant 0 : i32
    %dma_start3A_747 = tpu.memref_slice %arg5[%add3A_743, %dma_start3A_746] : memref<16384x512xf32, #tpu.memory_space<hbm>> -> memref<64x512xf32, #tpu.memory_space<hbm>>
    tpu.enqueue_dma source(%arg12 : memref<64x512xf32, #tpu.memory_space<vmem>>) target(%dma_start3A_747 : memref<64x512xf32, #tpu.memory_space<hbm>>) target_semaphore(%arg16 : memref<!tpu.dma_semaphore, #tpu.memory_space<semaphore_mem>>)
    %dma_wait3A_748 = arith.constant 0 : i32
    %dma_wait3A_749 = tpu.memref_slice %arg5[%add3A_661, %dma_wait3A_748] : memref<16384x512xf32, #tpu.memory_space<hbm>> -> memref<64x512xf32, #tpu.memory_space<hbm>>
    %dma_wait3A_750 = arith.constant 0 : i32
    %dma_wait3A_751 = tpu.memref_slice %arg5[%add3A_661, %dma_wait3A_750] : memref<16384x512xf32, #tpu.memory_space<hbm>> -> memref<64x512xf32, #tpu.memory_space<hbm>>
    tpu.wait_dma2 semaphore(%arg14 : memref<!tpu.dma_semaphore, #tpu.memory_space<semaphore_mem>>) src(%arg10 : memref<64x512xf32, #tpu.memory_space<vmem>>) dst(%dma_wait3A_751 : memref<64x512xf32, #tpu.memory_space<hbm>>)
    %get3A_752 = arith.constant 0 : i32
    %get3A_753 = arith.index_cast %get3A_752 : i32 to index
    %get3A_754 = arith.constant 0 : index
    %get3A_755 = tpu.vector_load %arg9[%get3A_753, %get3A_754] {strides = array<i32>} : memref<4x128xi32, #tpu.memory_space<vmem>>, vector<16xi32>,
    %add3A_756 = arith.constant 0 : i32
    %add3A_757 = vector.broadcast %add3A_756 : i32 to vector<16xi32>
    %add3A_758 = arith.addi %iota3A, %add3A_757 : vector<16xi32>
    tpu.vector_store_idx %arg10[%add3A_758, %get3A_755], %broadcast_in_dim3A_583 : memref<64x512xf32, #tpu.memory_space<vmem>>[vector<16xi32>, vector<16xi32>], vector<16xf32>,
    %get3A_759 = arith.constant 0 : i32
    %get3A_760 = arith.index_cast %get3A_759 : i32 to index
    %get3A_761 = arith.constant 16 : index
    %get3A_762 = tpu.vector_load %arg9[%get3A_760, %get3A_761] {strides = array<i32>} : memref<4x128xi32, #tpu.memory_space<vmem>>, vector<16xi32>,
    %add3A_763 = arith.constant 16 : i32
    %add3A_764 = vector.broadcast %add3A_763 : i32 to vector<16xi32>
    %add3A_765 = arith.addi %iota3A, %add3A_764 : vector<16xi32>
    tpu.vector_store_idx %arg10[%add3A_765, %get3A_762], %broadcast_in_dim3A_583 : memref<64x512xf32, #tpu.memory_space<vmem>>[vector<16xi32>, vector<16xi32>], vector<16xf32>,
    %get3A_766 = arith.constant 0 : i32
    %get3A_767 = arith.index_cast %get3A_766 : i32 to index
    %get3A_768 = arith.constant 32 : index
    %get3A_769 = tpu.vector_load %arg9[%get3A_767, %get3A_768] {strides = array<i32>} : memref<4x128xi32, #tpu.memory_space<vmem>>, vector<16xi32>,
    %add3A_770 = arith.constant 32 : i32
    %add3A_771 = vector.broadcast %add3A_770 : i32 to vector<16xi32>
    %add3A_772 = arith.addi %iota3A, %add3A_771 : vector<16xi32>
    tpu.vector_store_idx %arg10[%add3A_772, %get3A_769], %broadcast_in_dim3A_583 : memref<64x512xf32, #tpu.memory_space<vmem>>[vector<16xi32>, vector<16xi32>], vector<16xf32>,
    %get3A_773 = arith.constant 0 : i32
    %get3A_774 = arith.index_cast %get3A_773 : i32 to index
    %get3A_775 = arith.constant 48 : index
    %get3A_776 = tpu.vector_load %arg9[%get3A_774, %get3A_775] {strides = array<i32>} : memref<4x128xi32, #tpu.memory_space<vmem>>, vector<16xi32>,
    %add3A_777 = arith.constant 48 : i32
    %add3A_778 = vector.broadcast %add3A_777 : i32 to vector<16xi32>
    %add3A_779 = arith.addi %iota3A, %add3A_778 : vector<16xi32>
    tpu.vector_store_idx %arg10[%add3A_779, %get3A_776], %broadcast_in_dim3A_583 : memref<64x512xf32, #tpu.memory_space<vmem>>[vector<16xi32>, vector<16xi32>], vector<16xf32>,
    %get3A_780 = arith.constant 1 : i32
    %get3A_781 = arith.index_cast %get3A_780 : i32 to index
    %get3A_782 = arith.constant 64 : index
    %get3A_783 = tpu.vector_load %arg9[%get3A_781, %get3A_782] {strides = array<i32>} : memref<4x128xi32, #tpu.memory_space<vmem>>, vector<16xi32>,
    %add3A_784 = arith.constant 0 : i32
    %add3A_785 = vector.broadcast %add3A_784 : i32 to vector<16xi32>
    %add3A_786 = arith.addi %iota3A, %add3A_785 : vector<16xi32>
    tpu.vector_store_idx %arg10[%add3A_786, %get3A_783], %broadcast_in_dim3A_585 : memref<64x512xf32, #tpu.memory_space<vmem>>[vector<16xi32>, vector<16xi32>], vector<16xf32>,
    %get3A_787 = arith.constant 1 : i32
    %get3A_788 = arith.index_cast %get3A_787 : i32 to index
    %get3A_789 = arith.constant 80 : index
    %get3A_790 = tpu.vector_load %arg9[%get3A_788, %get3A_789] {strides = array<i32>} : memref<4x128xi32, #tpu.memory_space<vmem>>, vector<16xi32>,
    %add3A_791 = arith.constant 16 : i32
    %add3A_792 = vector.broadcast %add3A_791 : i32 to vector<16xi32>
    %add3A_793 = arith.addi %iota3A, %add3A_792 : vector<16xi32>
    tpu.vector_store_idx %arg10[%add3A_793, %get3A_790], %broadcast_in_dim3A_585 : memref<64x512xf32, #tpu.memory_space<vmem>>[vector<16xi32>, vector<16xi32>], vector<16xf32>,
    %get3A_794 = arith.constant 1 : i32
    %get3A_795 = arith.index_cast %get3A_794 : i32 to index
    %get3A_796 = arith.constant 96 : index
    %get3A_797 = tpu.vector_load %arg9[%get3A_795, %get3A_796] {strides = array<i32>} : memref<4x128xi32, #tpu.memory_space<vmem>>, vector<16xi32>,
    %add3A_798 = arith.constant 32 : i32
    %add3A_799 = vector.broadcast %add3A_798 : i32 to vector<16xi32>
    %add3A_800 = arith.addi %iota3A, %add3A_799 : vector<16xi32>
    tpu.vector_store_idx %arg10[%add3A_800, %get3A_797], %broadcast_in_dim3A_585 : memref<64x512xf32, #tpu.memory_space<vmem>>[vector<16xi32>, vector<16xi32>], vector<16xf32>,
    %get3A_801 = arith.constant 1 : i32
    %get3A_802 = arith.index_cast %get3A_801 : i32 to index
    %get3A_803 = arith.constant 112 : index
    %get3A_804 = tpu.vector_load %arg9[%get3A_802, %get3A_803] {strides = array<i32>} : memref<4x128xi32, #tpu.memory_space<vmem>>, vector<16xi32>,
    %add3A_805 = arith.constant 48 : i32
    %add3A_806 = vector.broadcast %add3A_805 : i32 to vector<16xi32>
    %add3A_807 = arith.addi %iota3A, %add3A_806 : vector<16xi32>
    tpu.vector_store_idx %arg10[%add3A_807, %get3A_804], %broadcast_in_dim3A_585 : memref<64x512xf32, #tpu.memory_space<vmem>>[vector<16xi32>, vector<16xi32>], vector<16xf32>,
    %add3A_808 = arith.constant 192 : i32
    %add3A_809 = arith.addi %mul3A_2, %add3A_808 : i32
    %dma_start3A_810 = arith.constant 0 : i32
    %dma_start3A_811 = tpu.memref_slice %arg5[%add3A_809, %dma_start3A_810] : memref<16384x512xf32, #tpu.memory_space<hbm>> -> memref<64x512xf32, #tpu.memory_space<hbm>>
    %dma_start3A_812 = arith.constant 0 : i32
    %dma_start3A_813 = tpu.memref_slice %arg5[%add3A_809, %dma_start3A_812] : memref<16384x512xf32, #tpu.memory_space<hbm>> -> memref<64x512xf32, #tpu.memory_space<hbm>>
    tpu.enqueue_dma source(%arg10 : memref<64x512xf32, #tpu.memory_space<vmem>>) target(%dma_start3A_813 : memref<64x512xf32, #tpu.memory_space<hbm>>) target_semaphore(%arg14 : memref<!tpu.dma_semaphore, #tpu.memory_space<semaphore_mem>>)
    %dma_wait3A_814 = arith.constant 0 : i32
    %dma_wait3A_815 = tpu.memref_slice %arg5[%add3A_702, %dma_wait3A_814] : memref<16384x512xf32, #tpu.memory_space<hbm>> -> memref<64x512xf32, #tpu.memory_space<hbm>>
    %dma_wait3A_816 = arith.constant 0 : i32
    %dma_wait3A_817 = tpu.memref_slice %arg5[%add3A_702, %dma_wait3A_816] : memref<16384x512xf32, #tpu.memory_space<hbm>> -> memref<64x512xf32, #tpu.memory_space<hbm>>
    tpu.wait_dma2 semaphore(%arg15 : memref<!tpu.dma_semaphore, #tpu.memory_space<semaphore_mem>>) src(%arg11 : memref<64x512xf32, #tpu.memory_space<vmem>>) dst(%dma_wait3A_817 : memref<64x512xf32, #tpu.memory_space<hbm>>)
    %get3A_818 = arith.constant 0 : i32
    %get3A_819 = arith.index_cast %get3A_818 : i32 to index
    %get3A_820 = arith.constant 64 : index
    %get3A_821 = tpu.vector_load %arg9[%get3A_819, %get3A_820] {strides = array<i32>} : memref<4x128xi32, #tpu.memory_space<vmem>>, vector<16xi32>,
    %add3A_822 = arith.constant 0 : i32
    %add3A_823 = vector.broadcast %add3A_822 : i32 to vector<16xi32>
    %add3A_824 = arith.addi %iota3A, %add3A_823 : vector<16xi32>
    tpu.vector_store_idx %arg11[%add3A_824, %get3A_821], %broadcast_in_dim3A_583 : memref<64x512xf32, #tpu.memory_space<vmem>>[vector<16xi32>, vector<16xi32>], vector<16xf32>,
    %get3A_825 = arith.constant 0 : i32
    %get3A_826 = arith.index_cast %get3A_825 : i32 to index
    %get3A_827 = arith.constant 80 : index
    %get3A_828 = tpu.vector_load %arg9[%get3A_826, %get3A_827] {strides = array<i32>} : memref<4x128xi32, #tpu.memory_space<vmem>>, vector<16xi32>,
    %add3A_829 = arith.constant 16 : i32
    %add3A_830 = vector.broadcast %add3A_829 : i32 to vector<16xi32>
    %add3A_831 = arith.addi %iota3A, %add3A_830 : vector<16xi32>
    tpu.vector_store_idx %arg11[%add3A_831, %get3A_828], %broadcast_in_dim3A_583 : memref<64x512xf32, #tpu.memory_space<vmem>>[vector<16xi32>, vector<16xi32>], vector<16xf32>,
    %get3A_832 = arith.constant 0 : i32
    %get3A_833 = arith.index_cast %get3A_832 : i32 to index
    %get3A_834 = arith.constant 96 : index
    %get3A_835 = tpu.vector_load %arg9[%get3A_833, %get3A_834] {strides = array<i32>} : memref<4x128xi32, #tpu.memory_space<vmem>>, vector<16xi32>,
    %add3A_836 = arith.constant 32 : i32
    %add3A_837 = vector.broadcast %add3A_836 : i32 to vector<16xi32>
    %add3A_838 = arith.addi %iota3A, %add3A_837 : vector<16xi32>
    tpu.vector_store_idx %arg11[%add3A_838, %get3A_835], %broadcast_in_dim3A_583 : memref<64x512xf32, #tpu.memory_space<vmem>>[vector<16xi32>, vector<16xi32>], vector<16xf32>,
    %get3A_839 = arith.constant 0 : i32
    %get3A_840 = arith.index_cast %get3A_839 : i32 to index
    %get3A_841 = arith.constant 112 : index
    %get3A_842 = tpu.vector_load %arg9[%get3A_840, %get3A_841] {strides = array<i32>} : memref<4x128xi32, #tpu.memory_space<vmem>>, vector<16xi32>,
    %add3A_843 = arith.constant 48 : i32
    %add3A_844 = vector.broadcast %add3A_843 : i32 to vector<16xi32>
    %add3A_845 = arith.addi %iota3A, %add3A_844 : vector<16xi32>
    tpu.vector_store_idx %arg11[%add3A_845, %get3A_842], %broadcast_in_dim3A_583 : memref<64x512xf32, #tpu.memory_space<vmem>>[vector<16xi32>, vector<16xi32>], vector<16xf32>,
    %get3A_846 = arith.constant 2 : i32
    %get3A_847 = arith.index_cast %get3A_846 : i32 to index
    %get3A_848 = arith.constant 0 : index
    %get3A_849 = tpu.vector_load %arg9[%get3A_847, %get3A_848] {strides = array<i32>} : memref<4x128xi32, #tpu.memory_space<vmem>>, vector<16xi32>,
    %add3A_850 = arith.constant 0 : i32
    %add3A_851 = vector.broadcast %add3A_850 : i32 to vector<16xi32>
    %add3A_852 = arith.addi %iota3A, %add3A_851 : vector<16xi32>
    tpu.vector_store_idx %arg11[%add3A_852, %get3A_849], %broadcast_in_dim3A_585 : memref<64x512xf32, #tpu.memory_space<vmem>>[vector<16xi32>, vector<16xi32>], vector<16xf32>,
    %get3A_853 = arith.constant 2 : i32
    %get3A_854 = arith.index_cast %get3A_853 : i32 to index
    %get3A_855 = arith.constant 16 : index
    %get3A_856 = tpu.vector_load %arg9[%get3A_854, %get3A_855] {strides = array<i32>} : memref<4x128xi32, #tpu.memory_space<vmem>>, vector<16xi32>,
    %add3A_857 = arith.constant 16 : i32
    %add3A_858 = vector.broadcast %add3A_857 : i32 to vector<16xi32>
    %add3A_859 = arith.addi %iota3A, %add3A_858 : vector<16xi32>
    tpu.vector_store_idx %arg11[%add3A_859, %get3A_856], %broadcast_in_dim3A_585 : memref<64x512xf32, #tpu.memory_space<vmem>>[vector<16xi32>, vector<16xi32>], vector<16xf32>,
    %get3A_860 = arith.constant 2 : i32
    %get3A_861 = arith.index_cast %get3A_860 : i32 to index
    %get3A_862 = arith.constant 32 : index
    %get3A_863 = tpu.vector_load %arg9[%get3A_861, %get3A_862] {strides = array<i32>} : memref<4x128xi32, #tpu.memory_space<vmem>>, vector<16xi32>,
    %add3A_864 = arith.constant 32 : i32
    %add3A_865 = vector.broadcast %add3A_864 : i32 to vector<16xi32>
    %add3A_866 = arith.addi %iota3A, %add3A_865 : vector<16xi32>
    tpu.vector_store_idx %arg11[%add3A_866, %get3A_863], %broadcast_in_dim3A_585 : memref<64x512xf32, #tpu.memory_space<vmem>>[vector<16xi32>, vector<16xi32>], vector<16xf32>,
    %get3A_867 = arith.constant 2 : i32
    %get3A_868 = arith.index_cast %get3A_867 : i32 to index
    %get3A_869 = arith.constant 48 : index
    %get3A_870 = tpu.vector_load %arg9[%get3A_868, %get3A_869] {strides = array<i32>} : memref<4x128xi32, #tpu.memory_space<vmem>>, vector<16xi32>,
    %add3A_871 = arith.constant 48 : i32
    %add3A_872 = vector.broadcast %add3A_871 : i32 to vector<16xi32>
    %add3A_873 = arith.addi %iota3A, %add3A_872 : vector<16xi32>
    tpu.vector_store_idx %arg11[%add3A_873, %get3A_870], %broadcast_in_dim3A_585 : memref<64x512xf32, #tpu.memory_space<vmem>>[vector<16xi32>, vector<16xi32>], vector<16xf32>,
    %add3A_874 = arith.constant 256 : i32
    %add3A_875 = arith.addi %mul3A_2, %add3A_874 : i32
    %dma_start3A_876 = arith.constant 0 : i32
    %dma_start3A_877 = tpu.memref_slice %arg5[%add3A_875, %dma_start3A_876] : memref<16384x512xf32, #tpu.memory_space<hbm>> -> memref<64x512xf32, #tpu.memory_space<hbm>>
    %dma_start3A_878 = arith.constant 0 : i32
    %dma_start3A_879 = tpu.memref_slice %arg5[%add3A_875, %dma_start3A_878] : memref<16384x512xf32, #tpu.memory_space<hbm>> -> memref<64x512xf32, #tpu.memory_space<hbm>>
    tpu.enqueue_dma source(%arg11 : memref<64x512xf32, #tpu.memory_space<vmem>>) target(%dma_start3A_879 : memref<64x512xf32, #tpu.memory_space<hbm>>) target_semaphore(%arg15 : memref<!tpu.dma_semaphore, #tpu.memory_space<semaphore_mem>>)
    %dma_wait3A_880 = arith.constant 0 : i32
    %dma_wait3A_881 = tpu.memref_slice %arg5[%add3A_743, %dma_wait3A_880] : memref<16384x512xf32, #tpu.memory_space<hbm>> -> memref<64x512xf32, #tpu.memory_space<hbm>>
    %dma_wait3A_882 = arith.constant 0 : i32
    %dma_wait3A_883 = tpu.memref_slice %arg5[%add3A_743, %dma_wait3A_882] : memref<16384x512xf32, #tpu.memory_space<hbm>> -> memref<64x512xf32, #tpu.memory_space<hbm>>
    tpu.wait_dma2 semaphore(%arg16 : memref<!tpu.dma_semaphore, #tpu.memory_space<semaphore_mem>>) src(%arg12 : memref<64x512xf32, #tpu.memory_space<vmem>>) dst(%dma_wait3A_883 : memref<64x512xf32, #tpu.memory_space<hbm>>)
    %get3A_884 = arith.constant 1 : i32
    %get3A_885 = arith.index_cast %get3A_884 : i32 to index
    %get3A_886 = arith.constant 0 : index
    %get3A_887 = tpu.vector_load %arg9[%get3A_885, %get3A_886] {strides = array<i32>} : memref<4x128xi32, #tpu.memory_space<vmem>>, vector<16xi32>,
    %add3A_888 = arith.constant 0 : i32
    %add3A_889 = vector.broadcast %add3A_888 : i32 to vector<16xi32>
    %add3A_890 = arith.addi %iota3A, %add3A_889 : vector<16xi32>
    tpu.vector_store_idx %arg12[%add3A_890, %get3A_887], %broadcast_in_dim3A_583 : memref<64x512xf32, #tpu.memory_space<vmem>>[vector<16xi32>, vector<16xi32>], vector<16xf32>,
    %get3A_891 = arith.constant 1 : i32
    %get3A_892 = arith.index_cast %get3A_891 : i32 to index
    %get3A_893 = arith.constant 16 : index
    %get3A_894 = tpu.vector_load %arg9[%get3A_892, %get3A_893] {strides = array<i32>} : memref<4x128xi32, #tpu.memory_space<vmem>>, vector<16xi32>,
    %add3A_895 = arith.constant 16 : i32
    %add3A_896 = vector.broadcast %add3A_895 : i32 to vector<16xi32>
    %add3A_897 = arith.addi %iota3A, %add3A_896 : vector<16xi32>
    tpu.vector_store_idx %arg12[%add3A_897, %get3A_894], %broadcast_in_dim3A_583 : memref<64x512xf32, #tpu.memory_space<vmem>>[vector<16xi32>, vector<16xi32>], vector<16xf32>,
    %get3A_898 = arith.constant 1 : i32
    %get3A_899 = arith.index_cast %get3A_898 : i32 to index
    %get3A_900 = arith.constant 32 : index
    %get3A_901 = tpu.vector_load %arg9[%get3A_899, %get3A_900] {strides = array<i32>} : memref<4x128xi32, #tpu.memory_space<vmem>>, vector<16xi32>,
    %add3A_902 = arith.constant 32 : i32
    %add3A_903 = vector.broadcast %add3A_902 : i32 to vector<16xi32>
    %add3A_904 = arith.addi %iota3A, %add3A_903 : vector<16xi32>
    tpu.vector_store_idx %arg12[%add3A_904, %get3A_901], %broadcast_in_dim3A_583 : memref<64x512xf32, #tpu.memory_space<vmem>>[vector<16xi32>, vector<16xi32>], vector<16xf32>,
    %get3A_905 = arith.constant 1 : i32
    %get3A_906 = arith.index_cast %get3A_905 : i32 to index
    %get3A_907 = arith.constant 48 : index
    %get3A_908 = tpu.vector_load %arg9[%get3A_906, %get3A_907] {strides = array<i32>} : memref<4x128xi32, #tpu.memory_space<vmem>>, vector<16xi32>,
    %add3A_909 = arith.constant 48 : i32
    %add3A_910 = vector.broadcast %add3A_909 : i32 to vector<16xi32>
    %add3A_911 = arith.addi %iota3A, %add3A_910 : vector<16xi32>
    tpu.vector_store_idx %arg12[%add3A_911, %get3A_908], %broadcast_in_dim3A_583 : memref<64x512xf32, #tpu.memory_space<vmem>>[vector<16xi32>, vector<16xi32>], vector<16xf32>,
    %get3A_912 = arith.constant 2 : i32
    %get3A_913 = arith.index_cast %get3A_912 : i32 to index
    %get3A_914 = arith.constant 64 : index
    %get3A_915 = tpu.vector_load %arg9[%get3A_913, %get3A_914] {strides = array<i32>} : memref<4x128xi32, #tpu.memory_space<vmem>>, vector<16xi32>,
    %add3A_916 = arith.constant 0 : i32
    %add3A_917 = vector.broadcast %add3A_916 : i32 to vector<16xi32>
    %add3A_918 = arith.addi %iota3A, %add3A_917 : vector<16xi32>
    tpu.vector_store_idx %arg12[%add3A_918, %get3A_915], %broadcast_in_dim3A_585 : memref<64x512xf32, #tpu.memory_space<vmem>>[vector<16xi32>, vector<16xi32>], vector<16xf32>,
    %get3A_919 = arith.constant 2 : i32
    %get3A_920 = arith.index_cast %get3A_919 : i32 to index
    %get3A_921 = arith.constant 80 : index
    %get3A_922 = tpu.vector_load %arg9[%get3A_920, %get3A_921] {strides = array<i32>} : memref<4x128xi32, #tpu.memory_space<vmem>>, vector<16xi32>,
    %add3A_923 = arith.constant 16 : i32
    %add3A_924 = vector.broadcast %add3A_923 : i32 to vector<16xi32>
    %add3A_925 = arith.addi %iota3A, %add3A_924 : vector<16xi32>
    tpu.vector_store_idx %arg12[%add3A_925, %get3A_922], %broadcast_in_dim3A_585 : memref<64x512xf32, #tpu.memory_space<vmem>>[vector<16xi32>, vector<16xi32>], vector<16xf32>,
    %get3A_926 = arith.constant 2 : i32
    %get3A_927 = arith.index_cast %get3A_926 : i32 to index
    %get3A_928 = arith.constant 96 : index
    %get3A_929 = tpu.vector_load %arg9[%get3A_927, %get3A_928] {strides = array<i32>} : memref<4x128xi32, #tpu.memory_space<vmem>>, vector<16xi32>,
    %add3A_930 = arith.constant 32 : i32
    %add3A_931 = vector.broadcast %add3A_930 : i32 to vector<16xi32>
    %add3A_932 = arith.addi %iota3A, %add3A_931 : vector<16xi32>
    tpu.vector_store_idx %arg12[%add3A_932, %get3A_929], %broadcast_in_dim3A_585 : memref<64x512xf32, #tpu.memory_space<vmem>>[vector<16xi32>, vector<16xi32>], vector<16xf32>,
    %get3A_933 = arith.constant 2 : i32
    %get3A_934 = arith.index_cast %get3A_933 : i32 to index
    %get3A_935 = arith.constant 112 : index
    %get3A_936 = tpu.vector_load %arg9[%get3A_934, %get3A_935] {strides = array<i32>} : memref<4x128xi32, #tpu.memory_space<vmem>>, vector<16xi32>,
    %add3A_937 = arith.constant 48 : i32
    %add3A_938 = vector.broadcast %add3A_937 : i32 to vector<16xi32>
    %add3A_939 = arith.addi %iota3A, %add3A_938 : vector<16xi32>
    tpu.vector_store_idx %arg12[%add3A_939, %get3A_936], %broadcast_in_dim3A_585 : memref<64x512xf32, #tpu.memory_space<vmem>>[vector<16xi32>, vector<16xi32>], vector<16xf32>,
    %add3A_940 = arith.constant 320 : i32
    %add3A_941 = arith.addi %mul3A_2, %add3A_940 : i32
    %dma_start3A_942 = arith.constant 0 : i32
    %dma_start3A_943 = tpu.memref_slice %arg5[%add3A_941, %dma_start3A_942] : memref<16384x512xf32, #tpu.memory_space<hbm>> -> memref<64x512xf32, #tpu.memory_space<hbm>>
    %dma_start3A_944 = arith.constant 0 : i32
    %dma_start3A_945 = tpu.memref_slice %arg5[%add3A_941, %dma_start3A_944] : memref<16384x512xf32, #tpu.memory_space<hbm>> -> memref<64x512xf32, #tpu.memory_space<hbm>>
    tpu.enqueue_dma source(%arg12 : memref<64x512xf32, #tpu.memory_space<vmem>>) target(%dma_start3A_945 : memref<64x512xf32, #tpu.memory_space<hbm>>) target_semaphore(%arg16 : memref<!tpu.dma_semaphore, #tpu.memory_space<semaphore_mem>>)
    %dma_wait3A_946 = arith.constant 0 : i32
    %dma_wait3A_947 = tpu.memref_slice %arg5[%add3A_809, %dma_wait3A_946] : memref<16384x512xf32, #tpu.memory_space<hbm>> -> memref<64x512xf32, #tpu.memory_space<hbm>>
    %dma_wait3A_948 = arith.constant 0 : i32
    %dma_wait3A_949 = tpu.memref_slice %arg5[%add3A_809, %dma_wait3A_948] : memref<16384x512xf32, #tpu.memory_space<hbm>> -> memref<64x512xf32, #tpu.memory_space<hbm>>
    tpu.wait_dma2 semaphore(%arg14 : memref<!tpu.dma_semaphore, #tpu.memory_space<semaphore_mem>>) src(%arg10 : memref<64x512xf32, #tpu.memory_space<vmem>>) dst(%dma_wait3A_949 : memref<64x512xf32, #tpu.memory_space<hbm>>)
    %get3A_950 = arith.constant 1 : i32
    %get3A_951 = arith.index_cast %get3A_950 : i32 to index
    %get3A_952 = arith.constant 64 : index
    %get3A_953 = tpu.vector_load %arg9[%get3A_951, %get3A_952] {strides = array<i32>} : memref<4x128xi32, #tpu.memory_space<vmem>>, vector<16xi32>,
    %add3A_954 = arith.constant 0 : i32
    %add3A_955 = vector.broadcast %add3A_954 : i32 to vector<16xi32>
    %add3A_956 = arith.addi %iota3A, %add3A_955 : vector<16xi32>
    tpu.vector_store_idx %arg10[%add3A_956, %get3A_953], %broadcast_in_dim3A_583 : memref<64x512xf32, #tpu.memory_space<vmem>>[vector<16xi32>, vector<16xi32>], vector<16xf32>,
    %get3A_957 = arith.constant 1 : i32
    %get3A_958 = arith.index_cast %get3A_957 : i32 to index
    %get3A_959 = arith.constant 80 : index
    %get3A_960 = tpu.vector_load %arg9[%get3A_958, %get3A_959] {strides = array<i32>} : memref<4x128xi32, #tpu.memory_space<vmem>>, vector<16xi32>,
    %add3A_961 = arith.constant 16 : i32
    %add3A_962 = vector.broadcast %add3A_961 : i32 to vector<16xi32>
    %add3A_963 = arith.addi %iota3A, %add3A_962 : vector<16xi32>
    tpu.vector_store_idx %arg10[%add3A_963, %get3A_960], %broadcast_in_dim3A_583 : memref<64x512xf32, #tpu.memory_space<vmem>>[vector<16xi32>, vector<16xi32>], vector<16xf32>,
    %get3A_964 = arith.constant 1 : i32
    %get3A_965 = arith.index_cast %get3A_964 : i32 to index
    %get3A_966 = arith.constant 96 : index
    %get3A_967 = tpu.vector_load %arg9[%get3A_965, %get3A_966] {strides = array<i32>} : memref<4x128xi32, #tpu.memory_space<vmem>>, vector<16xi32>,
    %add3A_968 = arith.constant 32 : i32
    %add3A_969 = vector.broadcast %add3A_968 : i32 to vector<16xi32>
    %add3A_970 = arith.addi %iota3A, %add3A_969 : vector<16xi32>
    tpu.vector_store_idx %arg10[%add3A_970, %get3A_967], %broadcast_in_dim3A_583 : memref<64x512xf32, #tpu.memory_space<vmem>>[vector<16xi32>, vector<16xi32>], vector<16xf32>,
    %get3A_971 = arith.constant 1 : i32
    %get3A_972 = arith.index_cast %get3A_971 : i32 to index
    %get3A_973 = arith.constant 112 : index
    %get3A_974 = tpu.vector_load %arg9[%get3A_972, %get3A_973] {strides = array<i32>} : memref<4x128xi32, #tpu.memory_space<vmem>>, vector<16xi32>,
    %add3A_975 = arith.constant 48 : i32
    %add3A_976 = vector.broadcast %add3A_975 : i32 to vector<16xi32>
    %add3A_977 = arith.addi %iota3A, %add3A_976 : vector<16xi32>
    tpu.vector_store_idx %arg10[%add3A_977, %get3A_974], %broadcast_in_dim3A_583 : memref<64x512xf32, #tpu.memory_space<vmem>>[vector<16xi32>, vector<16xi32>], vector<16xf32>,
    %get3A_978 = arith.constant 3 : i32
    %get3A_979 = arith.index_cast %get3A_978 : i32 to index
    %get3A_980 = arith.constant 0 : index
    %get3A_981 = tpu.vector_load %arg9[%get3A_979, %get3A_980] {strides = array<i32>} : memref<4x128xi32, #tpu.memory_space<vmem>>, vector<16xi32>,
    %add3A_982 = arith.constant 0 : i32
    %add3A_983 = vector.broadcast %add3A_982 : i32 to vector<16xi32>
    %add3A_984 = arith.addi %iota3A, %add3A_983 : vector<16xi32>
    tpu.vector_store_idx %arg10[%add3A_984, %get3A_981], %broadcast_in_dim3A_585 : memref<64x512xf32, #tpu.memory_space<vmem>>[vector<16xi32>, vector<16xi32>], vector<16xf32>,
    %get3A_985 = arith.constant 3 : i32
    %get3A_986 = arith.index_cast %get3A_985 : i32 to index
    %get3A_987 = arith.constant 16 : index
    %get3A_988 = tpu.vector_load %arg9[%get3A_986, %get3A_987] {strides = array<i32>} : memref<4x128xi32, #tpu.memory_space<vmem>>, vector<16xi32>,
    %add3A_989 = arith.constant 16 : i32
    %add3A_990 = vector.broadcast %add3A_989 : i32 to vector<16xi32>
    %add3A_991 = arith.addi %iota3A, %add3A_990 : vector<16xi32>
    tpu.vector_store_idx %arg10[%add3A_991, %get3A_988], %broadcast_in_dim3A_585 : memref<64x512xf32, #tpu.memory_space<vmem>>[vector<16xi32>, vector<16xi32>], vector<16xf32>,
    %get3A_992 = arith.constant 3 : i32
    %get3A_993 = arith.index_cast %get3A_992 : i32 to index
    %get3A_994 = arith.constant 32 : index
    %get3A_995 = tpu.vector_load %arg9[%get3A_993, %get3A_994] {strides = array<i32>} : memref<4x128xi32, #tpu.memory_space<vmem>>, vector<16xi32>,
    %add3A_996 = arith.constant 32 : i32
    %add3A_997 = vector.broadcast %add3A_996 : i32 to vector<16xi32>
    %add3A_998 = arith.addi %iota3A, %add3A_997 : vector<16xi32>
    tpu.vector_store_idx %arg10[%add3A_998, %get3A_995], %broadcast_in_dim3A_585 : memref<64x512xf32, #tpu.memory_space<vmem>>[vector<16xi32>, vector<16xi32>], vector<16xf32>,
    %get3A_999 = arith.constant 3 : i32
    %get3A_1000 = arith.index_cast %get3A_999 : i32 to index
    %get3A_1001 = arith.constant 48 : index
    %get3A_1002 = tpu.vector_load %arg9[%get3A_1000, %get3A_1001] {strides = array<i32>} : memref<4x128xi32, #tpu.memory_space<vmem>>, vector<16xi32>,
    %add3A_1003 = arith.constant 48 : i32
    %add3A_1004 = vector.broadcast %add3A_1003 : i32 to vector<16xi32>
    %add3A_1005 = arith.addi %iota3A, %add3A_1004 : vector<16xi32>
    tpu.vector_store_idx %arg10[%add3A_1005, %get3A_1002], %broadcast_in_dim3A_585 : memref<64x512xf32, #tpu.memory_space<vmem>>[vector<16xi32>, vector<16xi32>], vector<16xf32>,
    %add3A_1006 = arith.constant 384 : i32
    %add3A_1007 = arith.addi %mul3A_2, %add3A_1006 : i32
    %dma_start3A_1008 = arith.constant 0 : i32
    %dma_start3A_1009 = tpu.memref_slice %arg5[%add3A_1007, %dma_start3A_1008] : memref<16384x512xf32, #tpu.memory_space<hbm>> -> memref<64x512xf32, #tpu.memory_space<hbm>>
    %dma_start3A_1010 = arith.constant 0 : i32
    %dma_start3A_1011 = tpu.memref_slice %arg5[%add3A_1007, %dma_start3A_1010] : memref<16384x512xf32, #tpu.memory_space<hbm>> -> memref<64x512xf32, #tpu.memory_space<hbm>>
    tpu.enqueue_dma source(%arg10 : memref<64x512xf32, #tpu.memory_space<vmem>>) target(%dma_start3A_1011 : memref<64x512xf32, #tpu.memory_space<hbm>>) target_semaphore(%arg14 : memref<!tpu.dma_semaphore, #tpu.memory_space<semaphore_mem>>)
    %dma_wait3A_1012 = arith.constant 0 : i32
    %dma_wait3A_1013 = tpu.memref_slice %arg5[%add3A_875, %dma_wait3A_1012] : memref<16384x512xf32, #tpu.memory_space<hbm>> -> memref<64x512xf32, #tpu.memory_space<hbm>>
    %dma_wait3A_1014 = arith.constant 0 : i32
    %dma_wait3A_1015 = tpu.memref_slice %arg5[%add3A_875, %dma_wait3A_1014] : memref<16384x512xf32, #tpu.memory_space<hbm>> -> memref<64x512xf32, #tpu.memory_space<hbm>>
    tpu.wait_dma2 semaphore(%arg15 : memref<!tpu.dma_semaphore, #tpu.memory_space<semaphore_mem>>) src(%arg11 : memref<64x512xf32, #tpu.memory_space<vmem>>) dst(%dma_wait3A_1015 : memref<64x512xf32, #tpu.memory_space<hbm>>)
    %get3A_1016 = arith.constant 2 : i32
    %get3A_1017 = arith.index_cast %get3A_1016 : i32 to index
    %get3A_1018 = arith.constant 0 : index
    %get3A_1019 = tpu.vector_load %arg9[%get3A_1017, %get3A_1018] {strides = array<i32>} : memref<4x128xi32, #tpu.memory_space<vmem>>, vector<16xi32>,
    %add3A_1020 = arith.constant 0 : i32
    %add3A_1021 = vector.broadcast %add3A_1020 : i32 to vector<16xi32>
    %add3A_1022 = arith.addi %iota3A, %add3A_1021 : vector<16xi32>
    tpu.vector_store_idx %arg11[%add3A_1022, %get3A_1019], %broadcast_in_dim3A_583 : memref<64x512xf32, #tpu.memory_space<vmem>>[vector<16xi32>, vector<16xi32>], vector<16xf32>,
    %get3A_1023 = arith.constant 2 : i32
    %get3A_1024 = arith.index_cast %get3A_1023 : i32 to index
    %get3A_1025 = arith.constant 16 : index
    %get3A_1026 = tpu.vector_load %arg9[%get3A_1024, %get3A_1025] {strides = array<i32>} : memref<4x128xi32, #tpu.memory_space<vmem>>, vector<16xi32>,
    %add3A_1027 = arith.constant 16 : i32
    %add3A_1028 = vector.broadcast %add3A_1027 : i32 to vector<16xi32>
    %add3A_1029 = arith.addi %iota3A, %add3A_1028 : vector<16xi32>
    tpu.vector_store_idx %arg11[%add3A_1029, %get3A_1026], %broadcast_in_dim3A_583 : memref<64x512xf32, #tpu.memory_space<vmem>>[vector<16xi32>, vector<16xi32>], vector<16xf32>,
    %get3A_1030 = arith.constant 2 : i32
    %get3A_1031 = arith.index_cast %get3A_1030 : i32 to index
    %get3A_1032 = arith.constant 32 : index
    %get3A_1033 = tpu.vector_load %arg9[%get3A_1031, %get3A_1032] {strides = array<i32>} : memref<4x128xi32, #tpu.memory_space<vmem>>, vector<16xi32>,
    %add3A_1034 = arith.constant 32 : i32
    %add3A_1035 = vector.broadcast %add3A_1034 : i32 to vector<16xi32>
    %add3A_1036 = arith.addi %iota3A, %add3A_1035 : vector<16xi32>
    tpu.vector_store_idx %arg11[%add3A_1036, %get3A_1033], %broadcast_in_dim3A_583 : memref<64x512xf32, #tpu.memory_space<vmem>>[vector<16xi32>, vector<16xi32>], vector<16xf32>,
    %get3A_1037 = arith.constant 2 : i32
    %get3A_1038 = arith.index_cast %get3A_1037 : i32 to index
    %get3A_1039 = arith.constant 48 : index
    %get3A_1040 = tpu.vector_load %arg9[%get3A_1038, %get3A_1039] {strides = array<i32>} : memref<4x128xi32, #tpu.memory_space<vmem>>, vector<16xi32>,
    %add3A_1041 = arith.constant 48 : i32
    %add3A_1042 = vector.broadcast %add3A_1041 : i32 to vector<16xi32>
    %add3A_1043 = arith.addi %iota3A, %add3A_1042 : vector<16xi32>
    tpu.vector_store_idx %arg11[%add3A_1043, %get3A_1040], %broadcast_in_dim3A_583 : memref<64x512xf32, #tpu.memory_space<vmem>>[vector<16xi32>, vector<16xi32>], vector<16xf32>,
    %get3A_1044 = arith.constant 3 : i32
    %get3A_1045 = arith.index_cast %get3A_1044 : i32 to index
    %get3A_1046 = arith.constant 64 : index
    %get3A_1047 = tpu.vector_load %arg9[%get3A_1045, %get3A_1046] {strides = array<i32>} : memref<4x128xi32, #tpu.memory_space<vmem>>, vector<16xi32>,
    %add3A_1048 = arith.constant 0 : i32
    %add3A_1049 = vector.broadcast %add3A_1048 : i32 to vector<16xi32>
    %add3A_1050 = arith.addi %iota3A, %add3A_1049 : vector<16xi32>
    tpu.vector_store_idx %arg11[%add3A_1050, %get3A_1047], %broadcast_in_dim3A_585 : memref<64x512xf32, #tpu.memory_space<vmem>>[vector<16xi32>, vector<16xi32>], vector<16xf32>,
    %get3A_1051 = arith.constant 3 : i32
    %get3A_1052 = arith.index_cast %get3A_1051 : i32 to index
    %get3A_1053 = arith.constant 80 : index
    %get3A_1054 = tpu.vector_load %arg9[%get3A_1052, %get3A_1053] {strides = array<i32>} : memref<4x128xi32, #tpu.memory_space<vmem>>, vector<16xi32>,
    %add3A_1055 = arith.constant 16 : i32
    %add3A_1056 = vector.broadcast %add3A_1055 : i32 to vector<16xi32>
    %add3A_1057 = arith.addi %iota3A, %add3A_1056 : vector<16xi32>
    tpu.vector_store_idx %arg11[%add3A_1057, %get3A_1054], %broadcast_in_dim3A_585 : memref<64x512xf32, #tpu.memory_space<vmem>>[vector<16xi32>, vector<16xi32>], vector<16xf32>,
    %get3A_1058 = arith.constant 3 : i32
    %get3A_1059 = arith.index_cast %get3A_1058 : i32 to index
    %get3A_1060 = arith.constant 96 : index
    %get3A_1061 = tpu.vector_load %arg9[%get3A_1059, %get3A_1060] {strides = array<i32>} : memref<4x128xi32, #tpu.memory_space<vmem>>, vector<16xi32>,
    %add3A_1062 = arith.constant 32 : i32
    %add3A_1063 = vector.broadcast %add3A_1062 : i32 to vector<16xi32>
    %add3A_1064 = arith.addi %iota3A, %add3A_1063 : vector<16xi32>
    tpu.vector_store_idx %arg11[%add3A_1064, %get3A_1061], %broadcast_in_dim3A_585 : memref<64x512xf32, #tpu.memory_space<vmem>>[vector<16xi32>, vector<16xi32>], vector<16xf32>,
    %get3A_1065 = arith.constant 3 : i32
    %get3A_1066 = arith.index_cast %get3A_1065 : i32 to index
    %get3A_1067 = arith.constant 112 : index
    %get3A_1068 = tpu.vector_load %arg9[%get3A_1066, %get3A_1067] {strides = array<i32>} : memref<4x128xi32, #tpu.memory_space<vmem>>, vector<16xi32>,
    %add3A_1069 = arith.constant 48 : i32
    %add3A_1070 = vector.broadcast %add3A_1069 : i32 to vector<16xi32>
    %add3A_1071 = arith.addi %iota3A, %add3A_1070 : vector<16xi32>
    tpu.vector_store_idx %arg11[%add3A_1071, %get3A_1068], %broadcast_in_dim3A_585 : memref<64x512xf32, #tpu.memory_space<vmem>>[vector<16xi32>, vector<16xi32>], vector<16xf32>,
    %add3A_1072 = arith.constant 448 : i32
    %add3A_1073 = arith.addi %mul3A_2, %add3A_1072 : i32
    %dma_start3A_1074 = arith.constant 0 : i32
    %dma_start3A_1075 = tpu.memref_slice %arg5[%add3A_1073, %dma_start3A_1074] : memref<16384x512xf32, #tpu.memory_space<hbm>> -> memref<64x512xf32, #tpu.memory_space<hbm>>
    %dma_start3A_1076 = arith.constant 0 : i32
    %dma_start3A_1077 = tpu.memref_slice %arg5[%add3A_1073, %dma_start3A_1076] : memref<16384x512xf32, #tpu.memory_space<hbm>> -> memref<64x512xf32, #tpu.memory_space<hbm>>
    tpu.enqueue_dma source(%arg11 : memref<64x512xf32, #tpu.memory_space<vmem>>) target(%dma_start3A_1077 : memref<64x512xf32, #tpu.memory_space<hbm>>) target_semaphore(%arg15 : memref<!tpu.dma_semaphore, #tpu.memory_space<semaphore_mem>>)
    %dma_wait3A_1078 = arith.constant 0 : i32
    %dma_wait3A_1079 = tpu.memref_slice %arg5[%add3A_941, %dma_wait3A_1078] : memref<16384x512xf32, #tpu.memory_space<hbm>> -> memref<64x512xf32, #tpu.memory_space<hbm>>
    %dma_wait3A_1080 = arith.constant 0 : i32
    %dma_wait3A_1081 = tpu.memref_slice %arg5[%add3A_941, %dma_wait3A_1080] : memref<16384x512xf32, #tpu.memory_space<hbm>> -> memref<64x512xf32, #tpu.memory_space<hbm>>
    tpu.wait_dma2 semaphore(%arg16 : memref<!tpu.dma_semaphore, #tpu.memory_space<semaphore_mem>>) src(%arg12 : memref<64x512xf32, #tpu.memory_space<vmem>>) dst(%dma_wait3A_1081 : memref<64x512xf32, #tpu.memory_space<hbm>>)
    %dma_wait3A_1082 = arith.constant 0 : i32
    %dma_wait3A_1083 = tpu.memref_slice %arg5[%add3A_1007, %dma_wait3A_1082] : memref<16384x512xf32, #tpu.memory_space<hbm>> -> memref<64x512xf32, #tpu.memory_space<hbm>>
    %dma_wait3A_1084 = arith.constant 0 : i32
    %dma_wait3A_1085 = tpu.memref_slice %arg5[%add3A_1007, %dma_wait3A_1084] : memref<16384x512xf32, #tpu.memory_space<hbm>> -> memref<64x512xf32, #tpu.memory_space<hbm>>
    tpu.wait_dma2 semaphore(%arg14 : memref<!tpu.dma_semaphore, #tpu.memory_space<semaphore_mem>>) src(%arg10 : memref<64x512xf32, #tpu.memory_space<vmem>>) dst(%dma_wait3A_1085 : memref<64x512xf32, #tpu.memory_space<hbm>>)
    %dma_wait3A_1086 = arith.constant 0 : i32
    %dma_wait3A_1087 = tpu.memref_slice %arg5[%add3A_1073, %dma_wait3A_1086] : memref<16384x512xf32, #tpu.memory_space<hbm>> -> memref<64x512xf32, #tpu.memory_space<hbm>>
    %dma_wait3A_1088 = arith.constant 0 : i32
    %dma_wait3A_1089 = tpu.memref_slice %arg5[%add3A_1073, %dma_wait3A_1088] : memref<16384x512xf32, #tpu.memory_space<hbm>> -> memref<64x512xf32, #tpu.memory_space<hbm>>
    tpu.wait_dma2 semaphore(%arg15 : memref<!tpu.dma_semaphore, #tpu.memory_space<semaphore_mem>>) src(%arg11 : memref<64x512xf32, #tpu.memory_space<vmem>>) dst(%dma_wait3A_1089 : memref<64x512xf32, #tpu.memory_space<hbm>>)
    return
  }
}

</mosaic_0001>

<sc_bundles>
// kernel: kernel.3.cloned.1.call-start
scs
__scs_entry_jumppad:
0x0: {  	(pc) =	sbr.rel $0x88, $3  }
0x1: {  	(tag) =	ssettag $0x0;
	lr =	simm.s32 $0x1  }
0x2: {  	[smem:$0x3F9E] =	sst lr;
	_ =	strace $0xD0000000  }
0x3: {  	_ = 	snop  }
0x4: {  	_ = 	snop  }
0x5: {  	_ = 	snop  }
0x6: {  	_ = 	snop  }
0x7: {  	_ = 	snop  }
__scs_overlays_trampoline_lowered:
0x8: {  	[smem:$0x3FAD] =	sst s0  }
0x9: {  	[smem:$0x3FAE] =	sst s1  }
0xa: {  	[smem:$0x3FAF] =	sst s2  }
0xb: {  	[smem:$0x3FB0] =	sst s3  }
0xc: {  	[smem:$0x3FB1] =	sst s4  }
0xd: {  	[smem:$0x3FB2] =	sst s5  }
0xe: {  	[smem:$0x3FB3] =	sst s6  }
0xf: {  	[smem:$0x3FB4] =	sst s7  }
0x10: {  	[smem:$0x3FB5] =	sst s8  }
0x11: {  	[smem:$0x3FB6] =	sst s9;
	s0 =	simm.s32 @!p0 $0x0  }
0x12: {  	s1 =	sld [smem:$0x3F9C];
	s0 =	simm.s32 @p0 $0x1  }
0x13: {  	[smem:$0x3FB7] =	sst s0;
	s0 =	simm.s32 @!p1 $0x0  }
0x14: {  	s2 =	sld [smem:$0x3F9B];
	s0 =	simm.s32 @p1 $0x1  }
0x15: {  	[smem:$0x3FB8] =	sst s0;
	s0 =	simm.s32 @!p2 $0x0  }
0x16: {  	s3 =	sld [smem:$0x3FDB];
	s0 =	simm.s32 @p2 $0x1  }
0x17: {  	s4 =	simm.s32 $0x1BF5;
	[smem:$0x3FBA] =	sst s0  }
0x18: {  	s0 =	sld [smem:$0x3F9D];
	_ =	swait.ge [sflag:s4], $0x0  }
0x19: {  	s7 =	sld [smem:$0x3F9E]  }
0x1a: {  	s8 =	sadd.s32 $0xFFFFE003, lr  }
0x1b: {  	s9 =	sadd.s32 $0xFFFFFEF7, lr;
	s5 =	simm.s32 $0xFFFFFFFF;
	p2 =	slt.u32 s8, $0xFFFFF086  }
0x1c: {  	p1 =	slt.u32 s9, $0xF7A;
	s5 =	simm.s32 @!p2 $0x0  }
0x1d: {  	s5 =	simm.s32 @p1 $0x1;
	p0 =	seq.s32 s7, s2  }
0x1e: {  	s7 =	smul.u32 @!p0 $0xF7A, s2;
	p2 =	seq.s32 @!p0 s5, $0x0  }
0x1f: {  	s9 =	smul.u32 $0xF7A, s1;
	s8 =	simm.s32 @!p0 $0x1BF5;
	p2 =	por !p2, p0  }
0x20: {  	[sflag:s8] =	ssyncset.s32 @!p0 $0xFFFFF086;
	s6 =	sadd.s32 @!p0 s3, s7;
	s7 =	simm.s32 @!p0 $0x108  }
0x21: {  	s3 =	sadd.s32 s3, s9;
	s6 =	sadd.s32 @!p0 $0x88, s6;
	s7 =	simm.s32 @p2 $0x1082  }
0x22: {  	[simem:s7], [sflag:s8] =	dma.local @!p0 [hbm:s6], $0xF7A  }
0x23: {  	s9 =	sor.u32 $0xD0000000, s2;
	s6 =	simm.s32 $0x108;
	_ =	swait.ge @!p0 [sflag:s8], $0x0  }
0x24: {  	s3 =	sadd.s32 $0x88, s3;
	s6 =	simm.s32 @!p1 $0x1082;
	[sflag:s4] =	ssyncset.s32 $0xFFFFF086  }
0x25: {  	[simem:s6], [sflag:s4] =	dma.local [hbm:s3], $0xF7A  }
0x26: {  	[smem:$0x3F9E] =	sst s1;
	(tag) =	ssettag s2;
	_ =	strace s9  }
0x27: {  	s1 =	sld [smem:$0x3FAE]  }
0x28: {  	s2 =	sld [smem:$0x3FAF]  }
0x29: {  	s4 =	sld [smem:$0x3FB1]  }
0x2a: {  	p0 =	seq.s32 s5, $0x0;
	s5 =	sld [smem:$0x3FB2]  }
0x2b: {  	s6 =	sld [smem:$0x3FB3]  }
0x2c: {  	s7 =	sld [smem:$0x3FB4]  }
0x2d: {  	s3 =	simm.s32 $0x108;
	s8 =	sld [smem:$0x3FB5]  }
0x2e: {  	s3 =	simm.s32 @!p0 $0x1082;
	s9 =	sld [smem:$0x3FB6]  }
0x2f: {  	lr =	sadd.s32 s0, s3;
	s0 =	sld [smem:$0x3FAD]  }
0x30: {  	s3 =	sld [smem:$0x3FB0]  }
0x31: {  	[smem:$0x3FB9] =	sst s10  }
0x32: {  	s10 =	sld [smem:$0x3FB7];
	_ =	sdelay $0x3  }
0x33: {  	p0 =	seq.s32 s10, $0x1;
	s10 =	sld [smem:$0x3FB9];
	_ =	sdelay $0x3  }
0x34: {  	[smem:$0x3FB9] =	sst s10  }
0x35: {  	s10 =	sld [smem:$0x3FB8];
	_ =	sdelay $0x3  }
0x36: {  	p1 =	seq.s32 s10, $0x1;
	s10 =	sld [smem:$0x3FB9];
	_ =	sdelay $0x3  }
0x37: {  	[smem:$0x3FB9] =	sst s10  }
0x38: {  	s10 =	sld [smem:$0x3FBA]  }
0x39: {  	_ = 	snop;
	(pc) =	sbr.ind lr, $3  }
0x3a: {  	_ = 	snop  }
0x3b: {  	_ = 	snop  }
0x3c: {  	p2 =	seq.s32 s10, $0x1;
	s10 =	sld [smem:$0x3FB9]  }
0x3d: {  	_ =	shalt  }
0x3e: {  	_ =	shalt  }
0x3f: {  	_ =	shalt  }
0x40: {  	_ =	shalt  }
0x41: {  	_ =	shalt  }
0x42: {  	_ =	shalt  }
0x43: {  	_ =	shalt  }
0x44: {  	_ =	shalt  }
0x45: {  	_ =	shalt  }
0x46: {  	_ =	shalt  }
0x47: {  	_ =	shalt  }
0x48: {  	_ =	shalt  }
0x49: {  	_ =	shalt  }
0x4a: {  	_ =	shalt  }
0x4b: {  	_ =	shalt  }
0x4c: {  	_ =	shalt  }
0x4d: {  	_ =	shalt  }
0x4e: {  	_ =	shalt  }
0x4f: {  	_ =	shalt  }
0x50: {  	_ =	shalt  }
0x51: {  	_ =	shalt  }
0x52: {  	_ =	shalt  }
0x53: {  	_ =	shalt  }
0x54: {  	_ =	shalt  }
0x55: {  	_ =	shalt  }
0x56: {  	_ =	shalt  }
0x57: {  	_ =	shalt  }
0x58: {  	_ =	shalt  }
0x59: {  	_ =	shalt  }
0x5a: {  	_ =	shalt  }
0x5b: {  	_ =	shalt  }
0x5c: {  	_ =	shalt  }
0x5d: {  	_ =	shalt  }
0x5e: {  	_ =	shalt  }
0x5f: {  	_ =	shalt  }
0x60: {  	_ =	shalt  }
0x61: {  	_ =	shalt  }
0x62: {  	_ =	shalt  }
0x63: {  	_ =	shalt  }
0x64: {  	_ =	shalt  }
0x65: {  	_ =	shalt  }
0x66: {  	_ =	shalt  }
0x67: {  	_ =	shalt  }
0x68: {  	_ =	shalt  }
0x69: {  	_ =	shalt  }
0x6a: {  	_ =	shalt  }
0x6b: {  	_ =	shalt  }
0x6c: {  	_ =	shalt  }
0x6d: {  	_ =	shalt  }
0x6e: {  	_ =	shalt  }
0x6f: {  	_ =	shalt  }
0x70: {  	_ =	shalt  }
0x71: {  	_ =	shalt  }
0x72: {  	_ =	shalt  }
0x73: {  	_ =	shalt  }
0x74: {  	_ =	shalt  }
0x75: {  	_ =	shalt  }
0x76: {  	_ =	shalt  }
0x77: {  	_ =	shalt  }
0x78: {  	_ =	shalt  }
0x79: {  	_ =	shalt  }
0x7a: {  	_ =	shalt  }
0x7b: {  	_ =	shalt  }
0x7c: {  	_ =	shalt  }
0x7d: {  	_ =	shalt  }
0x7e: {  	_ =	shalt  }
0x7f: {  	_ =	shalt  }
0x80: {  	_ =	shalt  }
0x81: {  	_ =	shalt  }
0x82: {  	_ =	shalt  }
0x83: {  	_ =	shalt  }
0x84: {  	_ =	shalt  }
0x85: {  	_ =	shalt  }
0x86: {  	_ =	shalt  }
0x87: {  	_ =	shalt  }
.Lfunc_end0:
.L_simem_size_0:
called_computation_lowered:
.L_overlay_start_0:
0x88: {  	s2 =	sld [smem:$0x3FD9]  }
0x89: {  	s3 =	sld [smem:$0x3FFE];
	_ =	sdelay $0x1  }
0x8a: {  	s1 =	srdreg.scid  }
0x8b: {  	s0 =	sand.u32 $0x1, s1  }
0x8c: {  	s17 =	sshll.u32 s0, $0xA;
	s2 =	sadd.s32 s3, s2  }
0x8d: {  	s2 =	sadd.s32 s2, s17  }
0x8e: {  	[smem:$0x3FC5] =	sst s2  }
0x8f: {  	_ = 	snop  }
0x90: {  	s2 =	sld [smem:$0x3FC9]  }
0x91: {  	s18 =	sld [smem:$0x3FC8]  }
0x92: {  	s4 =	sld [smem:$0x3FD0];
	(tm) =	ssettm $0x1  }
0x93: {  	s5 =	sld [smem:$0x3FFB];
	_ =	sdelay $0x3  }
0x94: {  	_ =	strace s5  }
0x95: {  	s5 =	sld [smem:$0x3FFC];
	_ =	sdelay $0x3  }
0x96: {  	_ =	strace s5  }
0x97: {  	s5 =	sld [smem:$0x3FFD];
	_ =	sdelay $0x3  }
0x98: {  	_ =	strace s5  }
0x99: {  	_ =	strace $0x8FFFFFFF  }
0x9a: {  	s19 =	sld [smem:$0x3FDB];
	_ =	sdelay $0x1  }
0x9b: {  	s6 =	simm.s32 $_scs_section_size  }
0x9c: {  	s7 =	simm.s32 $_size__tile_overlayer_lowered;
	s8 =	simm.s32 $_tile_overlayer_lowered  }
0x9d: {  	s22 =	simm.s32 $0x1BFF;
	s21 =	sshll.u32 s8, $0x1;
	s5 =	sadd.s32 s6, s19  }
0x9e: {  	s9 =	simm.s32 $0x0;
	s20 =	sshll.u32 s7, $0x1;
	s7 =	sadd.s32 s21, s5  }
0x9f: {  	[timem:s9], [sflag:s22] =	dma.local [hbm:s7], s20  }
0xa0: {  	_ =	swait.ge [sflag:s22], s20  }
0xa1: {  	s6 =	ssub.s32 $0x0, s20;
	[sflag:s22] =	ssyncset.done $0x0  }
0xa2: {  	[sflag:s22] =	ssyncadd.s32 s6;
	_ =	sdelay $0x1  }
0xa3: {  	s23 =	simm.s32 $0x1B8B  }
0xa4: {  	_ =	swait.ge [sflag:s23], $0x1  }
0xa5: {  	[sflag:s23] =	ssyncset.done $0x0  }
0xa6: {  	s25 =	simm.s32 $0x1B8E;
	s24 =	sld [smem:$0x3FFE];
	[sflag:s23] =	ssyncadd.s32 $0xFFFFFFFF  }
0xa7: {  	s26 =	simm.s32 $execute0_lowered;
	[smem:$0x3FD2] =	sst s25  }
0xa8: {  	s7 =	sshll.u32 s26, $0x1;
	_ =	strace $0x80000046;
	[dreg:$0x1] =	wrdreg $0xFFFFFFFF  }
0xa9: {  	s28 =	simm.s32 $_size_execute0_lowered;
	s5 =	sadd.s32 s5, s7;
	[dreg:$0x0] =	wrdreg $0x0  }
0xaa: {  	s7 =	sshll.u32 s28, $0x1;
	[dreg:$0x2] =	wrdreg s5  }
0xab: {  	[dreg:$0x3] =	wrdreg s7  }
0xac: {  	[dreg:$0x4] =	wrdreg $0xC0  }
0xad: {  	_ =	task [dreg:s9], $0x5FFFF  }
0xae: {  	[dreg:$0x1] =	wrdreg $0xFFFFFFFF  }
0xaf: {  	[dreg:$0x0] =	wrdreg $0x60  }
0xb0: {  	[dreg:$0x2] =	wrdreg s24  }
0xb1: {  	[dreg:$0x3] =	wrdreg s2  }
0xb2: {  	[dreg:$0x4] =	wrdreg s18  }
0xb3: {  	[dreg:$0x5] =	wrdreg s4  }
0xb4: {  	[dreg:$0x6] =	wrdreg $0x9  }
0xb5: {  	_ =	task.clear_ibuf [dreg:s9], $0x7FFFF;
	_ =	strace $0x90000046  }
0xb6: {  	s29 =	simm.s32 $0x9;
	_ =	strace $0x80000048  }
0xb7: {  	_ =	swait.ge [sflag:s29], $0x1  }
0xb8: {  	[sflag:s29] =	ssyncadd.s32 $0xFFFFFFFF  }
0xb9: {  	_ =	strace $0x90000048  }
0xba: {  	_ =	sfence  }
0xbb: {  	s30 =	sld [smem:$0x0];
	_ =	sdelay $0x2  }
0xbc: {  	s31 =	sshll.u32 s1, $0xD;
	s1 =	sshrl.u32 s1, $0x2  }
0xbd: {  	s3 =	sand.u32 $0x4000, s31;
	s1 =	sadd.s32 s1, s30  }
0xbe: {  	s0 =	sor.u32 s3, s0;
	s1 =	sshll.u32 s1, $0x11  }
0xbf: {  	s0 =	sor.u32 s1, s0  }
0xc0: {  	s0 =	sadd.s32 $0x8F2B, s0  }
0xc1: {  	[sflag:s0] =	ssyncadd.remote.s32 $0x1  }
0xc2: {  	_ =	sfence.sel $0xFFFF  }
0xc3: {  	[dreg:$0x0] =	wrdreg $0xFFFFFFFF;
	(pc) =	sbr.abs _section_cstart, $3  }
0xc4: {  	[dreg:$0x1] =	wrdreg $0xFFFFFFFF  }
0xc5: {  	_ =	task.clear_ibuf [dreg:s9], $0x2FFFF;
	_ =	strace $0x9FFFFFFF  }
0xc6: {  	(tm) =	ssettm $0x7FFFFFFF  }
0xc7: {  	_ =	shalt  }
tec
execute0_lowered:
.L_overlay_start_1:
0x0: {  	(tag) =	ssettag $0x1  }
0x1: {  	v0 =	vimm.s32 $0x1380;
	vm14 =	vcmask $0x300;
	vm13 =	vcmask $0x704  }
0x2: {  	vm12 =	vcmask $0xB08;
	vm11 =	vcmask $0xF0C;
	vm10 =	vcmask $0x1310  }
0x3: {  	vm9 =	vcmask $0x1714;
	vm8 =	vcmask $0x1B18;
	vm7 =	vcmask $0x1F1C  }
0x4: {  	vm6 =	vcmask $0x2320;
	vm5 =	vcmask $0x2724;
	vm4 =	vcmask $0x2B28  }
0x5: {  	vm3 =	vcmask $0x2F2C;
	vm2 =	vcmask $0x3330;
	vm1 =	vcmask $0x3734  }
0x6: {  	vm0 =	vcmask $0x3B38;
	v2 =	vimm.f32 $1.000000000e+00;
	v3 =	vimm.s32 $0x3380  }
0x7: {  	v4 =	vimm.s32 $0x5380;
	v5 =	vimm.s32 $0x7380;
	v0 =	vsel vm14, $0x0, v0  }
0x8: {  	v3 =	vsel vm14, $0x2000, v3;
	v4 =	vsel vm14, $0x4000, v4;
	v5 =	vsel vm14, $0x6000, v5  }
0x9: {  	v0 =	vsel vm13, $0x80, v0;
	v3 =	vsel vm13, $0x2080, v3;
	v4 =	vsel vm13, $0x4080, v4  }
0xa: {  	v5 =	vsel vm13, $0x6080, v5;
	v0 =	vsel vm12, $0x100, v0;
	v3 =	vsel vm12, $0x2100, v3  }
0xb: {  	s0 =	rddreg [dreg:$0x0];
	v4 =	vsel vm12, $0x4100, v4;
	v5 =	vsel vm12, $0x6100, v5;
	v0 =	vsel vm11, $0x180, v0  }
0xc: {  	s2 =	rddreg [dreg:$0x1];
	v3 =	vsel vm11, $0x2180, v3;
	v4 =	vsel vm11, $0x4180, v4;
	v5 =	vsel vm11, $0x6180, v5  }
0xd: {  	s6 =	rddreg [dreg:$0x2];
	v0 =	vsel vm10, $0x200, v0;
	v3 =	vsel vm10, $0x2200, v3;
	v4 =	vsel vm10, $0x4200, v4  }
0xe: {  	s5 =	rddreg [dreg:$0x3];
	v5 =	vsel vm10, $0x6200, v5;
	v0 =	vsel vm9, $0x280, v0;
	v3 =	vsel vm9, $0x2280, v3  }
0xf: {  	s1 =	simm.s32 $0x0;
	s3 =	srdreg.scid;
	s8 =	stileid.u32;
	v4 =	vsel vm9, $0x4280, v4;
	v5 =	vsel vm9, $0x6280, v5;
	v0 =	vsel vm8, $0x300, v0  }
0x10: {  	s16 =	simm.s32 $0x1;
	s17 =	simm.s32 $0x80;
	s22 =	simm.s32 $0x500;
	v3 =	vsel vm8, $0x2300, v3;
	v4 =	vsel vm8, $0x4300, v4;
	v5 =	vsel vm8, $0x6300, v5  }
0x11: {  	s23 =	simm.s32 $0x700;
	s28 =	simm.s32 $0x8800;
	s29 =	simm.s32 $0x10800;
	v0 =	vsel vm7, $0x380, v0;
	v3 =	vsel vm7, $0x2380, v3;
	v4 =	vsel vm7, $0x4380, v4  }
0x12: {  	s30 =	simm.s32 $0x2;
	s31 =	simm.s32 $0x3;
	s4 =	sand.u32 $0x1, s3;
	v5 =	vsel vm7, $0x6380, v5;
	v0 =	vsel vm6, $0x1000, v0;
	v3 =	vsel vm6, $0x3000, v3  }
0x13: {  	[smem:$0x7FF] =	sst s1;
	s8 =	sshll.u32 s8, $0x9;
	s7 =	sshll.u32 s4, $0xD;
	v4 =	vsel vm6, $0x5000, v4;
	v5 =	vsel vm6, $0x7000, v5;
	v0 =	vsel vm5, $0x1080, v0  }
0x14: {  	s3 =	sadd.s32 $0x400, s0;
	s24 =	ssub.s32 $0x2, s4;
	s25 =	sor.u32 s8, s7;
	v3 =	vsel vm5, $0x3080, v3;
	v4 =	vsel vm5, $0x5080, v4;
	v5 =	vsel vm5, $0x7080, v5  }
0x15: {  	_ =	strace $0x80000047;
	s26 =	sshrl.u32 s24, $0x1;
	s8 =	sshrl.u32 s25, $0x3;
	v0 =	vsel vm4, $0x1100, v0;
	v3 =	vsel vm4, $0x3100, v3;
	v4 =	vsel vm4, $0x5100, v4  }
0x16: {  	s9 =	sshll.u32 s25, $0x6;
	s0 =	ssub.s32 s24, s26;
	s24 =	simm.s32 $0x580;
	v5 =	vsel vm4, $0x7100, v5;
	v0 =	vsel vm3, $0x1180, v0;
	v3 =	vsel vm3, $0x3180, v3  }
0x17: {  	s25 =	simm.s32 $0x780;
	s26 =	simm.s32 $0x800;
	s4 =	sadd.s32 s2, s8;
	v4 =	vsel vm3, $0x5180, v4;
	v5 =	vsel vm3, $0x7180, v5;
	v0 =	vsel vm2, $0x1200, v0  }
0x18: {  	s5 =	sadd.s32 s5, s9;
	s6 =	sadd.s32 s6, s8;
	s14 =	smax.u32 s0, $0x1;
	v3 =	vsel vm2, $0x3200, v3;
	v4 =	vsel vm2, $0x5200, v4;
	v5 =	vsel vm2, $0x7200, v5  }
0x19: {  	s0 =	simm.s32 $0x4;
	s2 =	simm.s32 $0x0;
	s7 =	sadd.s32 $0x1000, s5;
	v1 =	vsel vm1, $0x1280, v0;
	v0 =	vimm.f32 $0.0e+00;
	v3 =	vsel vm1, $0x3280, v3  }
0x1a: {  	s8 =	sadd.s32 $0x2000, s5;
	s9 =	sadd.s32 $0x3000, s5;
	s10 =	sadd.s32 $0x4000, s5;
	v4 =	vsel vm1, $0x5280, v4;
	v5 =	vsel vm1, $0x7280, v5;
	v1 =	vsel vm0, $0x1300, v1  }
0x1b: {  	s11 =	sadd.s32 $0x5000, s5;
	s12 =	sadd.s32 $0x6000, s5;
	s13 =	sadd.s32 $0x7000, s5;
	v3 =	vsel vm0, $0x3300, v3;
	v4 =	vsel vm0, $0x5300, v4;
	v5 =	vsel vm0, $0x7300, v5  }
.LBB2_1:
0x1c: {  	[tilespmem:s1], [sflag:$0x1] =	stream.linear.gather [hbm4b:s4+s1], $0x200, $0x38;
	[tilespmem:$0x18800] =	vst v63  }
0x1d: {  	s15 =	simm.s32 $0x200  }
0x1e: {  	[tilespmem:s15], [sflag:$0x1] =	stream.linear.gather [hbm4b:s6+s1], $0x200, $0x38;
	[tilespmem:$0x18800] =	vst v63  }
0x1f: {  	_ =	swait.ge [sflag:s16], $0x200  }
0x20: {  	[sflag:s16] =	ssyncset.done $0x0  }
0x21: {  	[sflag:s16] =	ssyncadd.s32 $0xFFFFFE00  }
0x22: {  	_ =	swait.ge [sflag:s16], $0x200  }
0x23: {  	[sflag:s16] =	ssyncset.done $0x0  }
0x24: {  	[sflag:s16] =	ssyncadd.s32 $0xFFFFFE00  }
0x25: {  	v6 =	vld [tilespmem:$0x0]  }
0x26: {  	v7 =	vld [tilespmem:$0x200]  }
0x27: {  	v8 =	vld [tilespmem:$0x10]  }
0x28: {  	v9 =	vld [tilespmem:$0x210]  }
0x29: {  	v10 =	vld [tilespmem:$0x20]  }
0x2a: {  	v11 =	vld [tilespmem:$0x220]  }
0x2b: {  	v12 =	vld [tilespmem:$0x30]  }
0x2c: {  	v13 =	vld [tilespmem:$0x230]  }
0x2d: {  	v14 =	vld [tilespmem:$0x40]  }
0x2e: {  	v15 =	vld [tilespmem:$0x240]  }
0x2f: {  	v16 =	vld [tilespmem:$0x50]  }
0x30: {  	v17 =	vld [tilespmem:$0x250]  }
0x31: {  	v18 =	vld [tilespmem:$0x60]  }
0x32: {  	v19 =	vld [tilespmem:$0x260]  }
0x33: {  	v20 =	vld [tilespmem:$0x70]  }
0x34: {  	v21 =	vld [tilespmem:$0x270]  }
0x35: {  	v22 =	vld [tilespmem:$0x80]  }
0x36: {  	v23 =	vld [tilespmem:$0x280]  }
0x37: {  	v24 =	vld [tilespmem:$0x90]  }
0x38: {  	v25 =	vld [tilespmem:$0x290]  }
0x39: {  	v26 =	vld [tilespmem:$0xA0]  }
0x3a: {  	v27 =	vld [tilespmem:$0x2A0]  }
0x3b: {  	v28 =	vld [tilespmem:$0xB0]  }
0x3c: {  	v29 =	vld [tilespmem:$0x2B0]  }
0x3d: {  	v30 =	vld [tilespmem:$0xC0]  }
0x3e: {  	v31 =	vld [tilespmem:$0x2C0]  }
0x3f: {  	v32 =	vld [tilespmem:$0xD0]  }
0x40: {  	v33 =	vld [tilespmem:$0x2D0]  }
0x41: {  	v34 =	vld [tilespmem:$0xE0]  }
0x42: {  	v35 =	vld [tilespmem:$0x2E0]  }
0x43: {  	v36 =	vld [tilespmem:$0xF0]  }
0x44: {  	v37 =	vld [tilespmem:$0x2F0]  }
0x45: {  	v38 =	vld [tilespmem:$0x100]  }
0x46: {  	v39 =	vld [tilespmem:$0x300]  }
0x47: {  	v40 =	vld [tilespmem:$0x110]  }
0x48: {  	v41 =	vld [tilespmem:$0x310]  }
0x49: {  	v42 =	vld [tilespmem:$0x120];
	v6 =	vshll.u32 v6, $0xA  }
0x4a: {  	v58 =	vld [tilespmem:$0x320];
	v6 =	vadd.s32 v7, v6;
	v7 =	vshll.u32 v8, $0xA  }
0x4b: {  	v59 =	vld [tilespmem:$0x130];
	[tilespmem:$0x400] =	vst v6;
	v6 =	vadd.s32 v9, v7;
	v7 =	vshll.u32 v10, $0xA  }
0x4c: {  	v60 =	vld [tilespmem:$0x330];
	[tilespmem:$0x410] =	vst v6;
	v6 =	vadd.s32 v11, v7;
	v7 =	vshll.u32 v12, $0xA  }
0x4d: {  	v61 =	vld [tilespmem:$0x140];
	[tilespmem:$0x420] =	vst v6;
	v6 =	vadd.s32 v13, v7;
	v7 =	vshll.u32 v14, $0xA  }
0x4e: {  	v62 =	vld [tilespmem:$0x340];
	[tilespmem:$0x430] =	vst v6;
	v6 =	vadd.s32 v15, v7;
	v7 =	vshll.u32 v16, $0xA  }
0x4f: {  	v63 =	vld [tilespmem:$0x150];
	[tilespmem:$0x440] =	vst v6;
	v6 =	vadd.s32 v17, v7;
	v7 =	vshll.u32 v18, $0xA  }
0x50: {  	v43 =	vld [tilespmem:$0x350];
	[tilespmem:$0x450] =	vst v6;
	v6 =	vadd.s32 v19, v7;
	v7 =	vshll.u32 v20, $0xA  }
0x51: {  	v44 =	vld [tilespmem:$0x160];
	[tilespmem:$0x460] =	vst v6;
	v6 =	vadd.s32 v21, v7;
	v7 =	vshll.u32 v22, $0xA  }
0x52: {  	v45 =	vld [tilespmem:$0x360];
	[tilespmem:$0x470] =	vst v6;
	v6 =	vadd.s32 v23, v7;
	v7 =	vshll.u32 v24, $0xA  }
0x53: {  	v46 =	vld [tilespmem:$0x170];
	[tilespmem:$0x480] =	vst v6;
	v6 =	vadd.s32 v25, v7;
	v7 =	vshll.u32 v26, $0xA  }
0x54: {  	v47 =	vld [tilespmem:$0x370];
	[tilespmem:$0x490] =	vst v6;
	v6 =	vadd.s32 v27, v7;
	v7 =	vshll.u32 v28, $0xA  }
0x55: {  	v48 =	vld [tilespmem:$0x180];
	[tilespmem:$0x4A0] =	vst v6;
	v6 =	vadd.s32 v29, v7;
	v7 =	vshll.u32 v30, $0xA  }
0x56: {  	v49 =	vld [tilespmem:$0x380];
	[tilespmem:$0x4B0] =	vst v6;
	v6 =	vadd.s32 v31, v7;
	v7 =	vshll.u32 v32, $0xA  }
0x57: {  	v50 =	vld [tilespmem:$0x190];
	[tilespmem:$0x4C0] =	vst v6;
	v6 =	vadd.s32 v33, v7;
	v7 =	vshll.u32 v34, $0xA  }
0x58: {  	v51 =	vld [tilespmem:$0x390];
	[tilespmem:$0x4D0] =	vst v6;
	v6 =	vadd.s32 v35, v7;
	v7 =	vshll.u32 v36, $0xA  }
0x59: {  	v52 =	vld [tilespmem:$0x1A0];
	[tilespmem:$0x4E0] =	vst v6;
	v6 =	vadd.s32 v37, v7;
	v7 =	vshll.u32 v38, $0xA  }
0x5a: {  	v53 =	vld [tilespmem:$0x3A0];
	[tilespmem:$0x4F0] =	vst v6;
	v6 =	vadd.s32 v39, v7;
	v7 =	vshll.u32 v40, $0xA  }
0x5b: {  	v54 =	vld [tilespmem:$0x1B0];
	[tilespmem:$0x500] =	vst v6;
	v6 =	vadd.s32 v41, v7;
	v7 =	vshll.u32 v42, $0xA  }
0x5c: {  	v55 =	vld [tilespmem:$0x3B0];
	[tilespmem:$0x510] =	vst v6;
	v6 =	vadd.s32 v58, v7;
	v7 =	vshll.u32 v59, $0xA  }
0x5d: {  	v56 =	vld [tilespmem:$0x1C0];
	[tilespmem:$0x520] =	vst v6;
	v6 =	vadd.s32 v60, v7;
	v7 =	vshll.u32 v61, $0xA  }
0x5e: {  	v57 =	vld [tilespmem:$0x3C0];
	[tilespmem:$0x530] =	vst v6;
	v6 =	vadd.s32 v62, v7;
	v7 =	vshll.u32 v63, $0xA  }
0x5f: {  	v58 =	vld [tilespmem:$0x1D0];
	[tilespmem:$0x540] =	vst v6;
	v6 =	vadd.s32 v43, v7;
	v7 =	vshll.u32 v44, $0xA  }
0x60: {  	v59 =	vld [tilespmem:$0x3D0];
	[tilespmem:$0x550] =	vst v6;
	v6 =	vadd.s32 v45, v7;
	v7 =	vshll.u32 v46, $0xA  }
0x61: {  	v60 =	vld [tilespmem:$0x1E0];
	[tilespmem:$0x560] =	vst v6;
	v6 =	vadd.s32 v47, v7;
	v7 =	vshll.u32 v48, $0xA  }
0x62: {  	v61 =	vld [tilespmem:$0x3E0];
	[tilespmem:$0x570] =	vst v6;
	v6 =	vadd.s32 v49, v7;
	v7 =	vshll.u32 v50, $0xA  }
0x63: {  	v62 =	vld [tilespmem:$0x1F0];
	[tilespmem:$0x580] =	vst v6;
	v6 =	vadd.s32 v51, v7;
	v7 =	vshll.u32 v52, $0xA  }
0x64: {  	v63 =	vld [tilespmem:$0x3F0];
	[tilespmem:$0x590] =	vst v6;
	v6 =	vadd.s32 v53, v7;
	v7 =	vshll.u32 v54, $0xA  }
0x65: {  	[tilespmem:$0x5A0] =	vst v6;
	v6 =	vadd.s32 v55, v7;
	v7 =	vshll.u32 v56, $0xA  }
0x66: {  	[tilespmem:$0x5B0] =	vst v6;
	v6 =	vadd.s32 v57, v7;
	v7 =	vshll.u32 v58, $0xA  }
0x67: {  	[tilespmem:$0x5C0] =	vst v6;
	v6 =	vadd.s32 v59, v7;
	v7 =	vshll.u32 v60, $0xA  }
0x68: {  	[tilespmem:$0x5D0] =	vst v6;
	v6 =	vadd.s32 v61, v7;
	v7 =	vshll.u32 v62, $0xA  }
0x69: {  	[tilespmem:$0x5E0] =	vst v6;
	v6 =	vadd.s32 v63, v7  }
0x6a: {  	s21 =	simm.s32 $0x400;
	s18 =	simm.s32 $0x600;
	[tilespmem:$0x5F0] =	vst v6  }
0x6b: {  	[tilespmem:s18], [sflag:$0x1] =	stream.indirect.gather [hbm4b:s3+s17], $0x1, s21, s17, $0xb8;
	[tilespmem:$0x18800] =	vst v63  }
0x6c: {  	s19 =	simm.s32 $0x680;
	s18 =	simm.s32 $0x480  }
0x6d: {  	[tilespmem:s19], [sflag:$0x1] =	stream.indirect.gather [hbm4b:s3+s17], $0x1, s18, s17, $0xb8;
	[tilespmem:$0x18800] =	vst v63  }
0x6e: {  	s20 =	sand.u32 $0x7000, s1;
	s21 =	sand.u32 $0x380, s1  }
0x6f: {  	[tilespmem:s23], [sflag:$0x1] =	stream.indirect.gather [hbm4b:s3+s17], $0x1, s22, s17, $0xb8;
	[tilespmem:$0x18800] =	vst v63  }
0x70: {  	s15 =	sor.u32 s21, s20  }
0x71: {  	[tilespmem:s25], [sflag:$0x1] =	stream.indirect.gather [hbm4b:s3+s17], $0x1, s24, s17, $0xb8;
	[tilespmem:$0x18800] =	vst v63  }
0x72: {  	[tilespmem:s15+$0x1470] =	vst v0  }
0x73: {  	[tilespmem:s15+$0x800] =	vst v0  }
0x74: {  	[tilespmem:s15+$0x810] =	vst v0  }
0x75: {  	[tilespmem:s15+$0x820] =	vst v0  }
0x76: {  	[tilespmem:s15+$0x830] =	vst v0  }
0x77: {  	[tilespmem:s15+$0x840] =	vst v0  }
0x78: {  	[tilespmem:s15+$0x850] =	vst v0  }
0x79: {  	[tilespmem:s15+$0x860] =	vst v0  }
0x7a: {  	[tilespmem:s15+$0x870] =	vst v0  }
0x7b: {  	[tilespmem:s15+$0xC00] =	vst v0  }
0x7c: {  	[tilespmem:s15+$0xC10] =	vst v0  }
0x7d: {  	[tilespmem:s15+$0xC20] =	vst v0  }
0x7e: {  	[tilespmem:s15+$0xC30] =	vst v0  }
0x7f: {  	[tilespmem:s15+$0xC40] =	vst v0  }
0x80: {  	[tilespmem:s15+$0xC50] =	vst v0  }
0x81: {  	[tilespmem:s15+$0xC60] =	vst v0  }
0x82: {  	[tilespmem:s15+$0xC70] =	vst v0  }
0x83: {  	[tilespmem:s15+$0x1000] =	vst v0  }
0x84: {  	[tilespmem:s15+$0x1010] =	vst v0  }
0x85: {  	[tilespmem:s15+$0x1020] =	vst v0  }
0x86: {  	[tilespmem:s15+$0x1030] =	vst v0  }
0x87: {  	[tilespmem:s15+$0x1040] =	vst v0  }
0x88: {  	[tilespmem:s15+$0x1050] =	vst v0  }
0x89: {  	[tilespmem:s15+$0x1060] =	vst v0  }
0x8a: {  	[tilespmem:s15+$0x1070] =	vst v0  }
0x8b: {  	[tilespmem:s15+$0x1400] =	vst v0  }
0x8c: {  	[tilespmem:s15+$0x1410] =	vst v0  }
0x8d: {  	[tilespmem:s15+$0x1420] =	vst v0  }
0x8e: {  	[tilespmem:s15+$0x1430] =	vst v0  }
0x8f: {  	s19 =	simm.s32 $0x200;
	s18 =	simm.s32 $0x80;
	[tilespmem:s15+$0x1440] =	vst v0  }
0x90: {  	s20 =	sand.u32 $0x7000, s19;
	s21 =	sand.u32 $0x380, s18;
	s19 =	simm.s32 $0x400;
	[tilespmem:s15+$0x1450] =	vst v0  }
.LBB2_2:
0x91: {  	p0 =	sne.s32 s19, $0x7E00;
	[tilespmem:s15+$0x1460] =	vst v0;
	s15 =	sor.u32 s21, s20  }
0x92: {  	[tilespmem:s15+$0x1470] =	vst v0  }
0x93: {  	[tilespmem:s15+$0x800] =	vst v0  }
0x94: {  	[tilespmem:s15+$0x810] =	vst v0  }
0x95: {  	[tilespmem:s15+$0x820] =	vst v0  }
0x96: {  	[tilespmem:s15+$0x830] =	vst v0  }
0x97: {  	[tilespmem:s15+$0x840] =	vst v0  }
0x98: {  	[tilespmem:s15+$0x850] =	vst v0  }
0x99: {  	[tilespmem:s15+$0x860] =	vst v0  }
0x9a: {  	[tilespmem:s15+$0x870] =	vst v0  }
0x9b: {  	[tilespmem:s15+$0xC00] =	vst v0  }
0x9c: {  	[tilespmem:s15+$0xC10] =	vst v0  }
0x9d: {  	[tilespmem:s15+$0xC20] =	vst v0  }
0x9e: {  	[tilespmem:s15+$0xC30] =	vst v0  }
0x9f: {  	[tilespmem:s15+$0xC40] =	vst v0  }
0xa0: {  	[tilespmem:s15+$0xC50] =	vst v0  }
0xa1: {  	[tilespmem:s15+$0xC60] =	vst v0  }
0xa2: {  	[tilespmem:s15+$0xC70] =	vst v0  }
0xa3: {  	[tilespmem:s15+$0x1000] =	vst v0  }
0xa4: {  	[tilespmem:s15+$0x1010] =	vst v0  }
0xa5: {  	[tilespmem:s15+$0x1020] =	vst v0  }
0xa6: {  	[tilespmem:s15+$0x1030] =	vst v0  }
0xa7: {  	[tilespmem:s15+$0x1040] =	vst v0  }
0xa8: {  	[tilespmem:s15+$0x1050] =	vst v0  }
0xa9: {  	[tilespmem:s15+$0x1060] =	vst v0  }
0xaa: {  	[tilespmem:s15+$0x1070] =	vst v0  }
0xab: {  	[tilespmem:s15+$0x1400] =	vst v0  }
.Ltmp0:
0xac: {  	[tilespmem:s15+$0x1410] =	vst v0;
	(pc) =	sbr.rel @p0 .LBB2_2-.Ltmp0, $4  }
0xad: {  	[tilespmem:s15+$0x1420] =	vst v0  }
0xae: {  	[tilespmem:s15+$0x1430] =	vst v0  }
0xaf: {  	s18 =	sadd.s32 $0x80, s18;
	[tilespmem:s15+$0x1440] =	vst v0  }
0xb0: {  	s20 =	sand.u32 $0x7000, s19;
	s19 =	sadd.s32 $0x200, s19;
	s21 =	sand.u32 $0x380, s18;
	[tilespmem:s15+$0x1450] =	vst v0  }
0xb1: {  	s18 =	sor.u32 s21, s20;
	[tilespmem:s15+$0x1460] =	vst v0  }
0xb2: {  	[tilespmem:s18+$0x1470] =	vst v0  }
0xb3: {  	[tilespmem:s18+$0x800] =	vst v0  }
0xb4: {  	[tilespmem:s18+$0x810] =	vst v0  }
0xb5: {  	[tilespmem:s18+$0x820] =	vst v0  }
0xb6: {  	[tilespmem:s18+$0x830] =	vst v0  }
0xb7: {  	[tilespmem:s18+$0x840] =	vst v0  }
0xb8: {  	[tilespmem:s18+$0x850] =	vst v0  }
0xb9: {  	[tilespmem:s18+$0x860] =	vst v0  }
0xba: {  	[tilespmem:s18+$0x870] =	vst v0  }
0xbb: {  	[tilespmem:s18+$0xC00] =	vst v0  }
0xbc: {  	[tilespmem:s18+$0xC10] =	vst v0  }
0xbd: {  	[tilespmem:s18+$0xC20] =	vst v0  }
0xbe: {  	[tilespmem:s18+$0xC30] =	vst v0  }
0xbf: {  	[tilespmem:s18+$0xC40] =	vst v0  }
0xc0: {  	[tilespmem:s18+$0xC50] =	vst v0  }
0xc1: {  	[tilespmem:s18+$0xC60] =	vst v0  }
0xc2: {  	[tilespmem:s18+$0xC70] =	vst v0  }
0xc3: {  	[tilespmem:s18+$0x1000] =	vst v0  }
0xc4: {  	[tilespmem:s18+$0x1010] =	vst v0  }
0xc5: {  	[tilespmem:s18+$0x1020] =	vst v0  }
0xc6: {  	[tilespmem:s18+$0x1030] =	vst v0  }
0xc7: {  	[tilespmem:s18+$0x1040] =	vst v0  }
0xc8: {  	[tilespmem:s18+$0x1050] =	vst v0  }
0xc9: {  	[tilespmem:s18+$0x1060] =	vst v0  }
0xca: {  	[tilespmem:s18+$0x1070] =	vst v0  }
0xcb: {  	[tilespmem:s18+$0x1400] =	vst v0  }
0xcc: {  	[tilespmem:s18+$0x1410] =	vst v0  }
0xcd: {  	[tilespmem:s18+$0x1420] =	vst v0  }
0xce: {  	[tilespmem:s18+$0x1430] =	vst v0  }
0xcf: {  	[tilespmem:s18+$0x1440] =	vst v0  }
0xd0: {  	[tilespmem:s18+$0x1450] =	vst v0  }
0xd1: {  	[tilespmem:s18+$0x1460] =	vst v0  }
0xd2: {  	_ =	swait.ge [sflag:s16], $0x80  }
0xd3: {  	[sflag:s16] =	ssyncset.done $0x0  }
0xd4: {  	[sflag:s16] =	ssyncadd.s32 $0xFFFFFF80  }
0xd5: {  	_ =	swait.ge [sflag:s16], $0x80  }
0xd6: {  	[sflag:s16] =	ssyncset.done $0x0  }
0xd7: {  	[sflag:s16] =	ssyncadd.s32 $0xFFFFFF80  }
0xd8: {  	_ =	swait.ge [sflag:s16], $0x80  }
0xd9: {  	[sflag:s16] =	ssyncset.done $0x0  }
0xda: {  	[sflag:s16] =	ssyncadd.s32 $0xFFFFFF80  }
0xdb: {  	_ =	swait.ge [sflag:s16], $0x80  }
0xdc: {  	[sflag:s16] =	ssyncset.done $0x0  }
0xdd: {  	[sflag:s16] =	ssyncadd.s32 $0xFFFFFF80  }
0xde: {  	v6 =	vld [tilespmem:$0x600];
	_ =	sdelay $0x4  }
0xdf: {  	v7 =	vshll.u32 v6, $0x3  }
0xe0: {  	v6 =	vand.u32 $0x7F, v6;
	v7 =	vand.u32 $0xFFFFFC00, v7  }
0xe1: {  	v6 =	vor.u32 v6, v7  }
0xe2: {  	v6 =	vadd.s32 v1, v6;
	_ =	sdelay $0x4  }
0xe3: {  	[tilespmem:v6+s26+$0x0] =	vst.idx.msk $0xffff, v2  }
0xe4: {  	v6 =	vld [tilespmem:$0x610];
	_ =	sdelay $0x4  }
0xe5: {  	v7 =	vshll.u32 v6, $0x3  }
0xe6: {  	v6 =	vand.u32 $0x7F, v6;
	v7 =	vand.u32 $0xFFFFFC00, v7  }
0xe7: {  	v6 =	vor.u32 v6, v7  }
0xe8: {  	v6 =	vadd.s32 v3, v6;
	_ =	sdelay $0x4  }
0xe9: {  	[tilespmem:v6+s26+$0x0] =	vst.idx.msk $0xffff, v2  }
0xea: {  	v6 =	vld [tilespmem:$0x620];
	_ =	sdelay $0x4  }
0xeb: {  	v7 =	vshll.u32 v6, $0x3  }
0xec: {  	v6 =	vand.u32 $0x7F, v6;
	v7 =	vand.u32 $0xFFFFFC00, v7  }
0xed: {  	v6 =	vor.u32 v6, v7  }
0xee: {  	v6 =	vadd.s32 v4, v6;
	_ =	sdelay $0x4  }
0xef: {  	[tilespmem:v6+s26+$0x0] =	vst.idx.msk $0xffff, v2  }
0xf0: {  	v6 =	vld [tilespmem:$0x630];
	_ =	sdelay $0x4  }
0xf1: {  	v7 =	vshll.u32 v6, $0x3  }
0xf2: {  	v6 =	vand.u32 $0x7F, v6;
	v7 =	vand.u32 $0xFFFFFC00, v7  }
0xf3: {  	v6 =	vor.u32 v6, v7  }
0xf4: {  	v6 =	vadd.s32 v5, v6;
	_ =	sdelay $0x2  }
0xf5: {  	s20 =	simm.s32 $0x0  }
0xf6: {  	s21 =	sand.u32 $0x7000, s20;
	s15 =	sand.u32 $0x380, s20  }
0xf7: {  	s15 =	sor.u32 s15, s21;
	[tilespmem:v6+s26+$0x0] =	vst.idx.msk $0xffff, v2  }
0xf8: {  	[hbm4b:s5+s20] =	stream.linear.scatter [tilespmem:s26], [sflag:$0x2], $0x8000, $0x38;
	[tilespmem:$0x18800] =	vst v63  }
0xf9: {  	[tilespmem:s15+$0x9470] =	vst v0  }
0xfa: {  	[tilespmem:s15+$0x8800] =	vst v0  }
0xfb: {  	[tilespmem:s15+$0x8810] =	vst v0  }
0xfc: {  	[tilespmem:s15+$0x8820] =	vst v0  }
0xfd: {  	[tilespmem:s15+$0x8830] =	vst v0  }
0xfe: {  	[tilespmem:s15+$0x8840] =	vst v0  }
0xff: {  	[tilespmem:s15+$0x8850] =	vst v0  }
0x100: {  	[tilespmem:s15+$0x8860] =	vst v0  }
0x101: {  	[tilespmem:s15+$0x8870] =	vst v0  }
0x102: {  	[tilespmem:s15+$0x8C00] =	vst v0  }
0x103: {  	[tilespmem:s15+$0x8C10] =	vst v0  }
0x104: {  	[tilespmem:s15+$0x8C20] =	vst v0  }
0x105: {  	[tilespmem:s15+$0x8C30] =	vst v0  }
0x106: {  	[tilespmem:s15+$0x8C40] =	vst v0  }
0x107: {  	[tilespmem:s15+$0x8C50] =	vst v0  }
0x108: {  	[tilespmem:s15+$0x8C60] =	vst v0  }
0x109: {  	[tilespmem:s15+$0x8C70] =	vst v0  }
0x10a: {  	[tilespmem:s15+$0x9000] =	vst v0  }
0x10b: {  	[tilespmem:s15+$0x9010] =	vst v0  }
0x10c: {  	[tilespmem:s15+$0x9020] =	vst v0  }
0x10d: {  	[tilespmem:s15+$0x9030] =	vst v0  }
0x10e: {  	[tilespmem:s15+$0x9040] =	vst v0  }
0x10f: {  	[tilespmem:s15+$0x9050] =	vst v0  }
0x110: {  	[tilespmem:s15+$0x9060] =	vst v0  }
0x111: {  	[tilespmem:s15+$0x9070] =	vst v0  }
0x112: {  	[tilespmem:s15+$0x9400] =	vst v0  }
0x113: {  	[tilespmem:s15+$0x9410] =	vst v0  }
0x114: {  	[tilespmem:s15+$0x9420] =	vst v0  }
0x115: {  	[tilespmem:s15+$0x9430] =	vst v0  }
0x116: {  	s19 =	simm.s32 $0x200;
	s18 =	simm.s32 $0x80;
	[tilespmem:s15+$0x9440] =	vst v0  }
0x117: {  	s21 =	sand.u32 $0x380, s18;
	s20 =	sand.u32 $0x7000, s19;
	s19 =	simm.s32 $0x400;
	[tilespmem:s15+$0x9450] =	vst v0  }
.LBB2_4:
0x118: {  	p0 =	sne.s32 s19, $0x7E00;
	[tilespmem:s15+$0x9460] =	vst v0;
	s15 =	sor.u32 s21, s20  }
0x119: {  	[tilespmem:s15+$0x9470] =	vst v0  }
0x11a: {  	[tilespmem:s15+$0x8800] =	vst v0  }
0x11b: {  	[tilespmem:s15+$0x8810] =	vst v0  }
0x11c: {  	[tilespmem:s15+$0x8820] =	vst v0  }
0x11d: {  	[tilespmem:s15+$0x8830] =	vst v0  }
0x11e: {  	[tilespmem:s15+$0x8840] =	vst v0  }
0x11f: {  	[tilespmem:s15+$0x8850] =	vst v0  }
0x120: {  	[tilespmem:s15+$0x8860] =	vst v0  }
0x121: {  	[tilespmem:s15+$0x8870] =	vst v0  }
0x122: {  	[tilespmem:s15+$0x8C00] =	vst v0  }
0x123: {  	[tilespmem:s15+$0x8C10] =	vst v0  }
0x124: {  	[tilespmem:s15+$0x8C20] =	vst v0  }
0x125: {  	[tilespmem:s15+$0x8C30] =	vst v0  }
0x126: {  	[tilespmem:s15+$0x8C40] =	vst v0  }
0x127: {  	[tilespmem:s15+$0x8C50] =	vst v0  }
0x128: {  	[tilespmem:s15+$0x8C60] =	vst v0  }
0x129: {  	[tilespmem:s15+$0x8C70] =	vst v0  }
0x12a: {  	[tilespmem:s15+$0x9000] =	vst v0  }
0x12b: {  	[tilespmem:s15+$0x9010] =	vst v0  }
0x12c: {  	[tilespmem:s15+$0x9020] =	vst v0  }
0x12d: {  	[tilespmem:s15+$0x9030] =	vst v0  }
0x12e: {  	[tilespmem:s15+$0x9040] =	vst v0  }
0x12f: {  	[tilespmem:s15+$0x9050] =	vst v0  }
0x130: {  	[tilespmem:s15+$0x9060] =	vst v0  }
0x131: {  	[tilespmem:s15+$0x9070] =	vst v0  }
0x132: {  	[tilespmem:s15+$0x9400] =	vst v0  }
.Ltmp1:
0x133: {  	[tilespmem:s15+$0x9410] =	vst v0;
	(pc) =	sbr.rel @p0 .LBB2_4-.Ltmp1, $4  }
0x134: {  	[tilespmem:s15+$0x9420] =	vst v0  }
0x135: {  	[tilespmem:s15+$0x9430] =	vst v0  }
0x136: {  	s18 =	sadd.s32 $0x80, s18;
	[tilespmem:s15+$0x9440] =	vst v0  }
0x137: {  	s20 =	sand.u32 $0x7000, s19;
	s19 =	sadd.s32 $0x200, s19;
	s21 =	sand.u32 $0x380, s18;
	[tilespmem:s15+$0x9450] =	vst v0  }
0x138: {  	s18 =	sor.u32 s21, s20;
	[tilespmem:s15+$0x9460] =	vst v0  }
0x139: {  	[tilespmem:s18+$0x9470] =	vst v0  }
0x13a: {  	[tilespmem:s18+$0x8800] =	vst v0  }
0x13b: {  	[tilespmem:s18+$0x8810] =	vst v0  }
0x13c: {  	[tilespmem:s18+$0x8820] =	vst v0  }
0x13d: {  	[tilespmem:s18+$0x8830] =	vst v0  }
0x13e: {  	[tilespmem:s18+$0x8840] =	vst v0  }
0x13f: {  	[tilespmem:s18+$0x8850] =	vst v0  }
0x140: {  	[tilespmem:s18+$0x8860] =	vst v0  }
0x141: {  	[tilespmem:s18+$0x8870] =	vst v0  }
0x142: {  	[tilespmem:s18+$0x8C00] =	vst v0  }
0x143: {  	[tilespmem:s18+$0x8C10] =	vst v0  }
0x144: {  	[tilespmem:s18+$0x8C20] =	vst v0  }
0x145: {  	[tilespmem:s18+$0x8C30] =	vst v0  }
0x146: {  	[tilespmem:s18+$0x8C40] =	vst v0  }
0x147: {  	[tilespmem:s18+$0x8C50] =	vst v0  }
0x148: {  	[tilespmem:s18+$0x8C60] =	vst v0  }
0x149: {  	[tilespmem:s18+$0x8C70] =	vst v0  }
0x14a: {  	[tilespmem:s18+$0x9000] =	vst v0  }
0x14b: {  	[tilespmem:s18+$0x9010] =	vst v0  }
0x14c: {  	[tilespmem:s18+$0x9020] =	vst v0  }
0x14d: {  	[tilespmem:s18+$0x9030] =	vst v0  }
0x14e: {  	[tilespmem:s18+$0x9040] =	vst v0  }
0x14f: {  	[tilespmem:s18+$0x9050] =	vst v0  }
0x150: {  	[tilespmem:s18+$0x9060] =	vst v0  }
0x151: {  	[tilespmem:s18+$0x9070] =	vst v0  }
0x152: {  	[tilespmem:s18+$0x9400] =	vst v0  }
0x153: {  	[tilespmem:s18+$0x9410] =	vst v0  }
0x154: {  	[tilespmem:s18+$0x9420] =	vst v0  }
0x155: {  	[tilespmem:s18+$0x9430] =	vst v0  }
0x156: {  	[tilespmem:s18+$0x9440] =	vst v0  }
0x157: {  	[tilespmem:s18+$0x9450] =	vst v0  }
0x158: {  	[tilespmem:s18+$0x9460] =	vst v0  }
0x159: {  	v6 =	vld [tilespmem:$0x640];
	_ =	sdelay $0x4  }
0x15a: {  	v7 =	vshll.u32 v6, $0x3  }
0x15b: {  	v6 =	vand.u32 $0x7F, v6;
	v7 =	vand.u32 $0xFFFFFC00, v7  }
0x15c: {  	v6 =	vor.u32 v6, v7  }
0x15d: {  	v6 =	vadd.s32 v1, v6;
	_ =	sdelay $0x4  }
0x15e: {  	[tilespmem:v6+s28+$0x0] =	vst.idx.msk $0xffff, v2  }
0x15f: {  	v6 =	vld [tilespmem:$0x650];
	_ =	sdelay $0x4  }
0x160: {  	v7 =	vshll.u32 v6, $0x3  }
0x161: {  	v6 =	vand.u32 $0x7F, v6;
	v7 =	vand.u32 $0xFFFFFC00, v7  }
0x162: {  	v6 =	vor.u32 v6, v7  }
0x163: {  	v6 =	vadd.s32 v3, v6;
	_ =	sdelay $0x4  }
0x164: {  	[tilespmem:v6+s28+$0x0] =	vst.idx.msk $0xffff, v2  }
0x165: {  	v6 =	vld [tilespmem:$0x660];
	_ =	sdelay $0x4  }
0x166: {  	v7 =	vshll.u32 v6, $0x3  }
0x167: {  	v6 =	vand.u32 $0x7F, v6;
	v7 =	vand.u32 $0xFFFFFC00, v7  }
0x168: {  	v6 =	vor.u32 v6, v7  }
0x169: {  	v6 =	vadd.s32 v4, v6;
	_ =	sdelay $0x4  }
0x16a: {  	[tilespmem:v6+s28+$0x0] =	vst.idx.msk $0xffff, v2  }
0x16b: {  	v6 =	vld [tilespmem:$0x670];
	_ =	sdelay $0x4  }
0x16c: {  	v7 =	vshll.u32 v6, $0x3  }
0x16d: {  	v6 =	vand.u32 $0x7F, v6;
	v7 =	vand.u32 $0xFFFFFC00, v7  }
0x16e: {  	v6 =	vor.u32 v6, v7  }
0x16f: {  	v6 =	vadd.s32 v5, v6;
	_ =	sdelay $0x2  }
0x170: {  	s20 =	simm.s32 $0x0  }
0x171: {  	s21 =	sand.u32 $0x7000, s20;
	s15 =	sand.u32 $0x380, s20  }
0x172: {  	s15 =	sor.u32 s15, s21;
	[tilespmem:v6+s28+$0x0] =	vst.idx.msk $0xffff, v2  }
0x173: {  	[hbm4b:s7+s20] =	stream.linear.scatter [tilespmem:s28], [sflag:$0x3], $0x8000, $0x38;
	[tilespmem:$0x18800] =	vst v63  }
0x174: {  	[tilespmem:s15+$0x11470] =	vst v0  }
0x175: {  	[tilespmem:s15+$0x10800] =	vst v0  }
0x176: {  	[tilespmem:s15+$0x10810] =	vst v0  }
0x177: {  	[tilespmem:s15+$0x10820] =	vst v0  }
0x178: {  	[tilespmem:s15+$0x10830] =	vst v0  }
0x179: {  	[tilespmem:s15+$0x10840] =	vst v0  }
0x17a: {  	[tilespmem:s15+$0x10850] =	vst v0  }
0x17b: {  	[tilespmem:s15+$0x10860] =	vst v0  }
0x17c: {  	[tilespmem:s15+$0x10870] =	vst v0  }
0x17d: {  	[tilespmem:s15+$0x10C00] =	vst v0  }
0x17e: {  	[tilespmem:s15+$0x10C10] =	vst v0  }
0x17f: {  	[tilespmem:s15+$0x10C20] =	vst v0  }
0x180: {  	[tilespmem:s15+$0x10C30] =	vst v0  }
0x181: {  	[tilespmem:s15+$0x10C40] =	vst v0  }
0x182: {  	[tilespmem:s15+$0x10C50] =	vst v0  }
0x183: {  	[tilespmem:s15+$0x10C60] =	vst v0  }
0x184: {  	[tilespmem:s15+$0x10C70] =	vst v0  }
0x185: {  	[tilespmem:s15+$0x11000] =	vst v0  }
0x186: {  	[tilespmem:s15+$0x11010] =	vst v0  }
0x187: {  	[tilespmem:s15+$0x11020] =	vst v0  }
0x188: {  	[tilespmem:s15+$0x11030] =	vst v0  }
0x189: {  	[tilespmem:s15+$0x11040] =	vst v0  }
0x18a: {  	[tilespmem:s15+$0x11050] =	vst v0  }
0x18b: {  	[tilespmem:s15+$0x11060] =	vst v0  }
0x18c: {  	[tilespmem:s15+$0x11070] =	vst v0  }
0x18d: {  	[tilespmem:s15+$0x11400] =	vst v0  }
0x18e: {  	[tilespmem:s15+$0x11410] =	vst v0  }
0x18f: {  	[tilespmem:s15+$0x11420] =	vst v0  }
0x190: {  	[tilespmem:s15+$0x11430] =	vst v0  }
0x191: {  	s19 =	simm.s32 $0x200;
	s18 =	simm.s32 $0x80;
	[tilespmem:s15+$0x11440] =	vst v0  }
0x192: {  	s21 =	sand.u32 $0x380, s18;
	s20 =	sand.u32 $0x7000, s19;
	s19 =	simm.s32 $0x400;
	[tilespmem:s15+$0x11450] =	vst v0  }
.LBB2_6:
0x193: {  	p0 =	sne.s32 s19, $0x7E00;
	[tilespmem:s15+$0x11460] =	vst v0;
	s15 =	sor.u32 s21, s20  }
0x194: {  	[tilespmem:s15+$0x11470] =	vst v0  }
0x195: {  	[tilespmem:s15+$0x10800] =	vst v0  }
0x196: {  	[tilespmem:s15+$0x10810] =	vst v0  }
0x197: {  	[tilespmem:s15+$0x10820] =	vst v0  }
0x198: {  	[tilespmem:s15+$0x10830] =	vst v0  }
0x199: {  	[tilespmem:s15+$0x10840] =	vst v0  }
0x19a: {  	[tilespmem:s15+$0x10850] =	vst v0  }
0x19b: {  	[tilespmem:s15+$0x10860] =	vst v0  }
0x19c: {  	[tilespmem:s15+$0x10870] =	vst v0  }
0x19d: {  	[tilespmem:s15+$0x10C00] =	vst v0  }
0x19e: {  	[tilespmem:s15+$0x10C10] =	vst v0  }
0x19f: {  	[tilespmem:s15+$0x10C20] =	vst v0  }
0x1a0: {  	[tilespmem:s15+$0x10C30] =	vst v0  }
0x1a1: {  	[tilespmem:s15+$0x10C40] =	vst v0  }
0x1a2: {  	[tilespmem:s15+$0x10C50] =	vst v0  }
0x1a3: {  	[tilespmem:s15+$0x10C60] =	vst v0  }
0x1a4: {  	[tilespmem:s15+$0x10C70] =	vst v0  }
0x1a5: {  	[tilespmem:s15+$0x11000] =	vst v0  }
0x1a6: {  	[tilespmem:s15+$0x11010] =	vst v0  }
0x1a7: {  	[tilespmem:s15+$0x11020] =	vst v0  }
0x1a8: {  	[tilespmem:s15+$0x11030] =	vst v0  }
0x1a9: {  	[tilespmem:s15+$0x11040] =	vst v0  }
0x1aa: {  	[tilespmem:s15+$0x11050] =	vst v0  }
0x1ab: {  	[tilespmem:s15+$0x11060] =	vst v0  }
0x1ac: {  	[tilespmem:s15+$0x11070] =	vst v0  }
0x1ad: {  	[tilespmem:s15+$0x11400] =	vst v0  }
.Ltmp2:
0x1ae: {  	[tilespmem:s15+$0x11410] =	vst v0;
	(pc) =	sbr.rel @p0 .LBB2_6-.Ltmp2, $4  }
0x1af: {  	[tilespmem:s15+$0x11420] =	vst v0  }
0x1b0: {  	[tilespmem:s15+$0x11430] =	vst v0  }
0x1b1: {  	s18 =	sadd.s32 $0x80, s18;
	[tilespmem:s15+$0x11440] =	vst v0  }
0x1b2: {  	s20 =	sand.u32 $0x7000, s19;
	s19 =	sadd.s32 $0x200, s19;
	s21 =	sand.u32 $0x380, s18;
	[tilespmem:s15+$0x11450] =	vst v0  }
0x1b3: {  	s18 =	sor.u32 s21, s20;
	[tilespmem:s15+$0x11460] =	vst v0  }
0x1b4: {  	[tilespmem:s18+$0x11470] =	vst v0  }
0x1b5: {  	[tilespmem:s18+$0x10800] =	vst v0  }
0x1b6: {  	[tilespmem:s18+$0x10810] =	vst v0  }
0x1b7: {  	[tilespmem:s18+$0x10820] =	vst v0  }
0x1b8: {  	[tilespmem:s18+$0x10830] =	vst v0  }
0x1b9: {  	[tilespmem:s18+$0x10840] =	vst v0  }
0x1ba: {  	[tilespmem:s18+$0x10850] =	vst v0  }
0x1bb: {  	[tilespmem:s18+$0x10860] =	vst v0  }
0x1bc: {  	[tilespmem:s18+$0x10870] =	vst v0  }
0x1bd: {  	[tilespmem:s18+$0x10C00] =	vst v0  }
0x1be: {  	[tilespmem:s18+$0x10C10] =	vst v0  }
0x1bf: {  	[tilespmem:s18+$0x10C20] =	vst v0  }
0x1c0: {  	[tilespmem:s18+$0x10C30] =	vst v0  }
0x1c1: {  	[tilespmem:s18+$0x10C40] =	vst v0  }
0x1c2: {  	[tilespmem:s18+$0x10C50] =	vst v0  }
0x1c3: {  	[tilespmem:s18+$0x10C60] =	vst v0  }
0x1c4: {  	[tilespmem:s18+$0x10C70] =	vst v0  }
0x1c5: {  	[tilespmem:s18+$0x11000] =	vst v0  }
0x1c6: {  	[tilespmem:s18+$0x11010] =	vst v0  }
0x1c7: {  	[tilespmem:s18+$0x11020] =	vst v0  }
0x1c8: {  	[tilespmem:s18+$0x11030] =	vst v0  }
0x1c9: {  	[tilespmem:s18+$0x11040] =	vst v0  }
0x1ca: {  	[tilespmem:s18+$0x11050] =	vst v0  }
0x1cb: {  	[tilespmem:s18+$0x11060] =	vst v0  }
0x1cc: {  	[tilespmem:s18+$0x11070] =	vst v0  }
0x1cd: {  	[tilespmem:s18+$0x11400] =	vst v0  }
0x1ce: {  	[tilespmem:s18+$0x11410] =	vst v0  }
0x1cf: {  	[tilespmem:s18+$0x11420] =	vst v0  }
0x1d0: {  	[tilespmem:s18+$0x11430] =	vst v0  }
0x1d1: {  	[tilespmem:s18+$0x11440] =	vst v0  }
0x1d2: {  	[tilespmem:s18+$0x11450] =	vst v0  }
0x1d3: {  	[tilespmem:s18+$0x11460] =	vst v0  }
0x1d4: {  	v6 =	vld [tilespmem:$0x680];
	_ =	sdelay $0x4  }
0x1d5: {  	v7 =	vshll.u32 v6, $0x3  }
0x1d6: {  	v6 =	vand.u32 $0x7F, v6;
	v7 =	vand.u32 $0xFFFFFC00, v7  }
0x1d7: {  	v6 =	vor.u32 v6, v7  }
0x1d8: {  	v6 =	vadd.s32 v1, v6;
	_ =	sdelay $0x4  }
0x1d9: {  	[tilespmem:v6+s29+$0x0] =	vst.idx.msk $0xffff, v2  }
0x1da: {  	v6 =	vld [tilespmem:$0x690];
	_ =	sdelay $0x4  }
0x1db: {  	v7 =	vshll.u32 v6, $0x3  }
0x1dc: {  	v6 =	vand.u32 $0x7F, v6;
	v7 =	vand.u32 $0xFFFFFC00, v7  }
0x1dd: {  	v6 =	vor.u32 v6, v7  }
0x1de: {  	v6 =	vadd.s32 v3, v6;
	_ =	sdelay $0x4  }
0x1df: {  	[tilespmem:v6+s29+$0x0] =	vst.idx.msk $0xffff, v2  }
0x1e0: {  	v6 =	vld [tilespmem:$0x6A0];
	_ =	sdelay $0x4  }
0x1e1: {  	v7 =	vshll.u32 v6, $0x3  }
0x1e2: {  	v6 =	vand.u32 $0x7F, v6;
	v7 =	vand.u32 $0xFFFFFC00, v7  }
0x1e3: {  	v6 =	vor.u32 v6, v7  }
0x1e4: {  	v6 =	vadd.s32 v4, v6;
	_ =	sdelay $0x4  }
0x1e5: {  	[tilespmem:v6+s29+$0x0] =	vst.idx.msk $0xffff, v2  }
0x1e6: {  	v6 =	vld [tilespmem:$0x6B0];
	_ =	sdelay $0x4  }
0x1e7: {  	v7 =	vshll.u32 v6, $0x3  }
0x1e8: {  	v6 =	vand.u32 $0x7F, v6;
	v7 =	vand.u32 $0xFFFFFC00, v7  }
0x1e9: {  	v6 =	vor.u32 v6, v7  }
0x1ea: {  	v6 =	vadd.s32 v5, v6;
	_ =	sdelay $0x4  }
0x1eb: {  	[tilespmem:v6+s29+$0x0] =	vst.idx.msk $0xffff, v2  }
0x1ec: {  	[hbm4b:s8+s1] =	stream.linear.scatter [tilespmem:s29], [sflag:$0x4], $0x8000, $0x38;
	[tilespmem:$0x18800] =	vst v63  }
0x1ed: {  	_ =	swait.ge [sflag:s30], $0x8000  }
0x1ee: {  	[sflag:s30] =	ssyncset.done $0x0  }
0x1ef: {  	[sflag:s30] =	ssyncadd.s32 $0xFFFF8000  }
0x1f0: {  	v6 =	vld [tilespmem:$0x600];
	_ =	sdelay $0x4  }
0x1f1: {  	v7 =	vshll.u32 v6, $0x3  }
0x1f2: {  	v6 =	vand.u32 $0x7F, v6;
	v7 =	vand.u32 $0xFFFFFC00, v7  }
0x1f3: {  	v6 =	vor.u32 v6, v7  }
0x1f4: {  	v6 =	vadd.s32 v1, v6;
	_ =	sdelay $0x4  }
0x1f5: {  	[tilespmem:v6+s26+$0x0] =	vst.idx.msk $0xffff, v0  }
0x1f6: {  	v6 =	vld [tilespmem:$0x610];
	_ =	sdelay $0x4  }
0x1f7: {  	v7 =	vshll.u32 v6, $0x3  }
0x1f8: {  	v6 =	vand.u32 $0x7F, v6;
	v7 =	vand.u32 $0xFFFFFC00, v7  }
0x1f9: {  	v6 =	vor.u32 v6, v7  }
0x1fa: {  	v6 =	vadd.s32 v3, v6;
	_ =	sdelay $0x4  }
0x1fb: {  	[tilespmem:v6+s26+$0x0] =	vst.idx.msk $0xffff, v0  }
0x1fc: {  	v6 =	vld [tilespmem:$0x620];
	_ =	sdelay $0x4  }
0x1fd: {  	v7 =	vshll.u32 v6, $0x3  }
0x1fe: {  	v6 =	vand.u32 $0x7F, v6;
	v7 =	vand.u32 $0xFFFFFC00, v7  }
0x1ff: {  	v6 =	vor.u32 v6, v7  }
0x200: {  	v6 =	vadd.s32 v4, v6;
	_ =	sdelay $0x4  }
0x201: {  	[tilespmem:v6+s26+$0x0] =	vst.idx.msk $0xffff, v0  }
0x202: {  	v6 =	vld [tilespmem:$0x630];
	_ =	sdelay $0x4  }
0x203: {  	v7 =	vshll.u32 v6, $0x3  }
0x204: {  	v6 =	vand.u32 $0x7F, v6;
	v7 =	vand.u32 $0xFFFFFC00, v7  }
0x205: {  	v6 =	vor.u32 v6, v7  }
0x206: {  	v6 =	vadd.s32 v5, v6;
	_ =	sdelay $0x4  }
0x207: {  	[tilespmem:v6+s26+$0x0] =	vst.idx.msk $0xffff, v0  }
0x208: {  	v6 =	vld [tilespmem:$0x6C0];
	_ =	sdelay $0x4  }
0x209: {  	v7 =	vshll.u32 v6, $0x3  }
0x20a: {  	v6 =	vand.u32 $0x7F, v6;
	v7 =	vand.u32 $0xFFFFFC00, v7  }
0x20b: {  	v6 =	vor.u32 v6, v7  }
0x20c: {  	v6 =	vadd.s32 v1, v6;
	_ =	sdelay $0x4  }
0x20d: {  	[tilespmem:v6+s26+$0x0] =	vst.idx.msk $0xffff, v2  }
0x20e: {  	v6 =	vld [tilespmem:$0x6D0];
	_ =	sdelay $0x4  }
0x20f: {  	v7 =	vshll.u32 v6, $0x3  }
0x210: {  	v6 =	vand.u32 $0x7F, v6;
	v7 =	vand.u32 $0xFFFFFC00, v7  }
0x211: {  	v6 =	vor.u32 v6, v7  }
0x212: {  	v6 =	vadd.s32 v3, v6;
	_ =	sdelay $0x4  }
0x213: {  	[tilespmem:v6+s26+$0x0] =	vst.idx.msk $0xffff, v2  }
0x214: {  	v6 =	vld [tilespmem:$0x6E0];
	_ =	sdelay $0x4  }
0x215: {  	v7 =	vshll.u32 v6, $0x3  }
0x216: {  	v6 =	vand.u32 $0x7F, v6;
	v7 =	vand.u32 $0xFFFFFC00, v7  }
0x217: {  	v6 =	vor.u32 v6, v7  }
0x218: {  	v6 =	vadd.s32 v4, v6;
	_ =	sdelay $0x4  }
0x219: {  	[tilespmem:v6+s26+$0x0] =	vst.idx.msk $0xffff, v2  }
0x21a: {  	v6 =	vld [tilespmem:$0x6F0];
	_ =	sdelay $0x4  }
0x21b: {  	v7 =	vshll.u32 v6, $0x3  }
0x21c: {  	v6 =	vand.u32 $0x7F, v6;
	v7 =	vand.u32 $0xFFFFFC00, v7  }
0x21d: {  	v6 =	vor.u32 v6, v7  }
0x21e: {  	v6 =	vadd.s32 v5, v6;
	_ =	sdelay $0x4  }
0x21f: {  	[tilespmem:v6+s26+$0x0] =	vst.idx.msk $0xffff, v2  }
0x220: {  	[hbm4b:s9+s1] =	stream.linear.scatter [tilespmem:s26], [sflag:$0x2], $0x8000, $0x38;
	[tilespmem:$0x18800] =	vst v63  }
0x221: {  	_ =	swait.ge [sflag:s31], $0x8000  }
0x222: {  	[sflag:s31] =	ssyncset.done $0x0  }
0x223: {  	[sflag:s31] =	ssyncadd.s32 $0xFFFF8000  }
0x224: {  	v6 =	vld [tilespmem:$0x640];
	_ =	sdelay $0x4  }
0x225: {  	v7 =	vshll.u32 v6, $0x3  }
0x226: {  	v6 =	vand.u32 $0x7F, v6;
	v7 =	vand.u32 $0xFFFFFC00, v7  }
0x227: {  	v6 =	vor.u32 v6, v7  }
0x228: {  	v6 =	vadd.s32 v1, v6;
	_ =	sdelay $0x4  }
0x229: {  	[tilespmem:v6+s28+$0x0] =	vst.idx.msk $0xffff, v0  }
0x22a: {  	v6 =	vld [tilespmem:$0x650];
	_ =	sdelay $0x4  }
0x22b: {  	v7 =	vshll.u32 v6, $0x3  }
0x22c: {  	v6 =	vand.u32 $0x7F, v6;
	v7 =	vand.u32 $0xFFFFFC00, v7  }
0x22d: {  	v6 =	vor.u32 v6, v7  }
0x22e: {  	v6 =	vadd.s32 v3, v6;
	_ =	sdelay $0x4  }
0x22f: {  	[tilespmem:v6+s28+$0x0] =	vst.idx.msk $0xffff, v0  }
0x230: {  	v6 =	vld [tilespmem:$0x660];
	_ =	sdelay $0x4  }
0x231: {  	v7 =	vshll.u32 v6, $0x3  }
0x232: {  	v6 =	vand.u32 $0x7F, v6;
	v7 =	vand.u32 $0xFFFFFC00, v7  }
0x233: {  	v6 =	vor.u32 v6, v7  }
0x234: {  	v6 =	vadd.s32 v4, v6;
	_ =	sdelay $0x4  }
0x235: {  	[tilespmem:v6+s28+$0x0] =	vst.idx.msk $0xffff, v0  }
0x236: {  	v6 =	vld [tilespmem:$0x670];
	_ =	sdelay $0x4  }
0x237: {  	v7 =	vshll.u32 v6, $0x3  }
0x238: {  	v6 =	vand.u32 $0x7F, v6;
	v7 =	vand.u32 $0xFFFFFC00, v7  }
0x239: {  	v6 =	vor.u32 v6, v7  }
0x23a: {  	v6 =	vadd.s32 v5, v6;
	_ =	sdelay $0x4  }
0x23b: {  	[tilespmem:v6+s28+$0x0] =	vst.idx.msk $0xffff, v0  }
0x23c: {  	v6 =	vld [tilespmem:$0x700];
	_ =	sdelay $0x4  }
0x23d: {  	v7 =	vshll.u32 v6, $0x3  }
0x23e: {  	v6 =	vand.u32 $0x7F, v6;
	v7 =	vand.u32 $0xFFFFFC00, v7  }
0x23f: {  	v6 =	vor.u32 v6, v7  }
0x240: {  	v6 =	vadd.s32 v1, v6;
	_ =	sdelay $0x4  }
0x241: {  	[tilespmem:v6+s28+$0x0] =	vst.idx.msk $0xffff, v2  }
0x242: {  	v6 =	vld [tilespmem:$0x710];
	_ =	sdelay $0x4  }
0x243: {  	v7 =	vshll.u32 v6, $0x3  }
0x244: {  	v6 =	vand.u32 $0x7F, v6;
	v7 =	vand.u32 $0xFFFFFC00, v7  }
0x245: {  	v6 =	vor.u32 v6, v7  }
0x246: {  	v6 =	vadd.s32 v3, v6;
	_ =	sdelay $0x4  }
0x247: {  	[tilespmem:v6+s28+$0x0] =	vst.idx.msk $0xffff, v2  }
0x248: {  	v6 =	vld [tilespmem:$0x720];
	_ =	sdelay $0x4  }
0x249: {  	v7 =	vshll.u32 v6, $0x3  }
0x24a: {  	v6 =	vand.u32 $0x7F, v6;
	v7 =	vand.u32 $0xFFFFFC00, v7  }
0x24b: {  	v6 =	vor.u32 v6, v7  }
0x24c: {  	v6 =	vadd.s32 v4, v6;
	_ =	sdelay $0x4  }
0x24d: {  	[tilespmem:v6+s28+$0x0] =	vst.idx.msk $0xffff, v2  }
0x24e: {  	v6 =	vld [tilespmem:$0x730];
	_ =	sdelay $0x4  }
0x24f: {  	v7 =	vshll.u32 v6, $0x3  }
0x250: {  	v6 =	vand.u32 $0x7F, v6;
	v7 =	vand.u32 $0xFFFFFC00, v7  }
0x251: {  	v6 =	vor.u32 v6, v7  }
0x252: {  	v6 =	vadd.s32 v5, v6;
	_ =	sdelay $0x4  }
0x253: {  	[tilespmem:v6+s28+$0x0] =	vst.idx.msk $0xffff, v2  }
0x254: {  	[hbm4b:s10+s1] =	stream.linear.scatter [tilespmem:s28], [sflag:$0x3], $0x8000, $0x38;
	[tilespmem:$0x18800] =	vst v63  }
0x255: {  	_ =	swait.ge [sflag:s0], $0x8000  }
0x256: {  	[sflag:s0] =	ssyncset.done $0x0  }
0x257: {  	[sflag:s0] =	ssyncadd.s32 $0xFFFF8000  }
0x258: {  	v6 =	vld [tilespmem:$0x680];
	_ =	sdelay $0x4  }
0x259: {  	v7 =	vshll.u32 v6, $0x3  }
0x25a: {  	v6 =	vand.u32 $0x7F, v6;
	v7 =	vand.u32 $0xFFFFFC00, v7  }
0x25b: {  	v6 =	vor.u32 v6, v7  }
0x25c: {  	v6 =	vadd.s32 v1, v6;
	_ =	sdelay $0x4  }
0x25d: {  	[tilespmem:v6+s29+$0x0] =	vst.idx.msk $0xffff, v0  }
0x25e: {  	v6 =	vld [tilespmem:$0x690];
	_ =	sdelay $0x4  }
0x25f: {  	v7 =	vshll.u32 v6, $0x3  }
0x260: {  	v6 =	vand.u32 $0x7F, v6;
	v7 =	vand.u32 $0xFFFFFC00, v7  }
0x261: {  	v6 =	vor.u32 v6, v7  }
0x262: {  	v6 =	vadd.s32 v3, v6;
	_ =	sdelay $0x4  }
0x263: {  	[tilespmem:v6+s29+$0x0] =	vst.idx.msk $0xffff, v0  }
0x264: {  	v6 =	vld [tilespmem:$0x6A0];
	_ =	sdelay $0x4  }
0x265: {  	v7 =	vshll.u32 v6, $0x3  }
0x266: {  	v6 =	vand.u32 $0x7F, v6;
	v7 =	vand.u32 $0xFFFFFC00, v7  }
0x267: {  	v6 =	vor.u32 v6, v7  }
0x268: {  	v6 =	vadd.s32 v4, v6;
	_ =	sdelay $0x4  }
0x269: {  	[tilespmem:v6+s29+$0x0] =	vst.idx.msk $0xffff, v0  }
0x26a: {  	v6 =	vld [tilespmem:$0x6B0];
	_ =	sdelay $0x4  }
0x26b: {  	v7 =	vshll.u32 v6, $0x3  }
0x26c: {  	v6 =	vand.u32 $0x7F, v6;
	v7 =	vand.u32 $0xFFFFFC00, v7  }
0x26d: {  	v6 =	vor.u32 v6, v7  }
0x26e: {  	v6 =	vadd.s32 v5, v6;
	_ =	sdelay $0x4  }
0x26f: {  	[tilespmem:v6+s29+$0x0] =	vst.idx.msk $0xffff, v0  }
0x270: {  	v6 =	vld [tilespmem:$0x740];
	_ =	sdelay $0x4  }
0x271: {  	v7 =	vshll.u32 v6, $0x3  }
0x272: {  	v6 =	vand.u32 $0x7F, v6;
	v7 =	vand.u32 $0xFFFFFC00, v7  }
0x273: {  	v6 =	vor.u32 v6, v7  }
0x274: {  	v6 =	vadd.s32 v1, v6;
	_ =	sdelay $0x4  }
0x275: {  	[tilespmem:v6+s29+$0x0] =	vst.idx.msk $0xffff, v2  }
0x276: {  	v6 =	vld [tilespmem:$0x750];
	_ =	sdelay $0x4  }
0x277: {  	v7 =	vshll.u32 v6, $0x3  }
0x278: {  	v6 =	vand.u32 $0x7F, v6;
	v7 =	vand.u32 $0xFFFFFC00, v7  }
0x279: {  	v6 =	vor.u32 v6, v7  }
0x27a: {  	v6 =	vadd.s32 v3, v6;
	_ =	sdelay $0x4  }
0x27b: {  	[tilespmem:v6+s29+$0x0] =	vst.idx.msk $0xffff, v2  }
0x27c: {  	v6 =	vld [tilespmem:$0x760];
	_ =	sdelay $0x4  }
0x27d: {  	v7 =	vshll.u32 v6, $0x3  }
0x27e: {  	v6 =	vand.u32 $0x7F, v6;
	v7 =	vand.u32 $0xFFFFFC00, v7  }
0x27f: {  	v6 =	vor.u32 v6, v7  }
0x280: {  	v6 =	vadd.s32 v4, v6;
	_ =	sdelay $0x4  }
0x281: {  	[tilespmem:v6+s29+$0x0] =	vst.idx.msk $0xffff, v2  }
0x282: {  	v6 =	vld [tilespmem:$0x770];
	_ =	sdelay $0x4  }
0x283: {  	v7 =	vshll.u32 v6, $0x3  }
0x284: {  	v6 =	vand.u32 $0x7F, v6;
	v7 =	vand.u32 $0xFFFFFC00, v7  }
0x285: {  	v6 =	vor.u32 v6, v7  }
0x286: {  	v6 =	vadd.s32 v5, v6;
	_ =	sdelay $0x4  }
0x287: {  	[tilespmem:v6+s29+$0x0] =	vst.idx.msk $0xffff, v2  }
0x288: {  	[hbm4b:s11+s1] =	stream.linear.scatter [tilespmem:s29], [sflag:$0x4], $0x8000, $0x38;
	[tilespmem:$0x18800] =	vst v63  }
0x289: {  	_ =	swait.ge [sflag:s30], $0x8000  }
0x28a: {  	[sflag:s30] =	ssyncset.done $0x0  }
0x28b: {  	[sflag:s30] =	ssyncadd.s32 $0xFFFF8000  }
0x28c: {  	v6 =	vld [tilespmem:$0x6C0];
	_ =	sdelay $0x4  }
0x28d: {  	v7 =	vshll.u32 v6, $0x3  }
0x28e: {  	v6 =	vand.u32 $0x7F, v6;
	v7 =	vand.u32 $0xFFFFFC00, v7  }
0x28f: {  	v6 =	vor.u32 v6, v7  }
0x290: {  	v6 =	vadd.s32 v1, v6;
	_ =	sdelay $0x4  }
0x291: {  	[tilespmem:v6+s26+$0x0] =	vst.idx.msk $0xffff, v0  }
0x292: {  	v6 =	vld [tilespmem:$0x6D0];
	_ =	sdelay $0x4  }
0x293: {  	v7 =	vshll.u32 v6, $0x3  }
0x294: {  	v6 =	vand.u32 $0x7F, v6;
	v7 =	vand.u32 $0xFFFFFC00, v7  }
0x295: {  	v6 =	vor.u32 v6, v7  }
0x296: {  	v6 =	vadd.s32 v3, v6;
	_ =	sdelay $0x4  }
0x297: {  	[tilespmem:v6+s26+$0x0] =	vst.idx.msk $0xffff, v0  }
0x298: {  	v6 =	vld [tilespmem:$0x6E0];
	_ =	sdelay $0x4  }
0x299: {  	v7 =	vshll.u32 v6, $0x3  }
0x29a: {  	v6 =	vand.u32 $0x7F, v6;
	v7 =	vand.u32 $0xFFFFFC00, v7  }
0x29b: {  	v6 =	vor.u32 v6, v7  }
0x29c: {  	v6 =	vadd.s32 v4, v6;
	_ =	sdelay $0x4  }
0x29d: {  	[tilespmem:v6+s26+$0x0] =	vst.idx.msk $0xffff, v0  }
0x29e: {  	v6 =	vld [tilespmem:$0x6F0];
	_ =	sdelay $0x4  }
0x29f: {  	v7 =	vshll.u32 v6, $0x3  }
0x2a0: {  	v6 =	vand.u32 $0x7F, v6;
	v7 =	vand.u32 $0xFFFFFC00, v7  }
0x2a1: {  	v6 =	vor.u32 v6, v7  }
0x2a2: {  	v6 =	vadd.s32 v5, v6;
	_ =	sdelay $0x4  }
0x2a3: {  	[tilespmem:v6+s26+$0x0] =	vst.idx.msk $0xffff, v0  }
0x2a4: {  	v6 =	vld [tilespmem:$0x780];
	_ =	sdelay $0x4  }
0x2a5: {  	v7 =	vshll.u32 v6, $0x3  }
0x2a6: {  	v6 =	vand.u32 $0x7F, v6;
	v7 =	vand.u32 $0xFFFFFC00, v7  }
0x2a7: {  	v6 =	vor.u32 v6, v7  }
0x2a8: {  	v6 =	vadd.s32 v1, v6;
	_ =	sdelay $0x4  }
0x2a9: {  	[tilespmem:v6+s26+$0x0] =	vst.idx.msk $0xffff, v2  }
0x2aa: {  	v6 =	vld [tilespmem:$0x790];
	_ =	sdelay $0x4  }
0x2ab: {  	v7 =	vshll.u32 v6, $0x3  }
0x2ac: {  	v6 =	vand.u32 $0x7F, v6;
	v7 =	vand.u32 $0xFFFFFC00, v7  }
0x2ad: {  	v6 =	vor.u32 v6, v7  }
0x2ae: {  	v6 =	vadd.s32 v3, v6;
	_ =	sdelay $0x4  }
0x2af: {  	[tilespmem:v6+s26+$0x0] =	vst.idx.msk $0xffff, v2  }
0x2b0: {  	v6 =	vld [tilespmem:$0x7A0];
	_ =	sdelay $0x4  }
0x2b1: {  	v7 =	vshll.u32 v6, $0x3  }
0x2b2: {  	v6 =	vand.u32 $0x7F, v6;
	v7 =	vand.u32 $0xFFFFFC00, v7  }
0x2b3: {  	v6 =	vor.u32 v6, v7  }
0x2b4: {  	v6 =	vadd.s32 v4, v6;
	_ =	sdelay $0x4  }
0x2b5: {  	[tilespmem:v6+s26+$0x0] =	vst.idx.msk $0xffff, v2  }
0x2b6: {  	v6 =	vld [tilespmem:$0x7B0];
	_ =	sdelay $0x4  }
0x2b7: {  	v7 =	vshll.u32 v6, $0x3  }
0x2b8: {  	v6 =	vand.u32 $0x7F, v6;
	v7 =	vand.u32 $0xFFFFFC00, v7  }
0x2b9: {  	v6 =	vor.u32 v6, v7  }
0x2ba: {  	v6 =	vadd.s32 v5, v6;
	_ =	sdelay $0x4  }
0x2bb: {  	[tilespmem:v6+s26+$0x0] =	vst.idx.msk $0xffff, v2  }
0x2bc: {  	[hbm4b:s12+s1] =	stream.linear.scatter [tilespmem:s26], [sflag:$0x2], $0x8000, $0x38;
	[tilespmem:$0x18800] =	vst v63  }
0x2bd: {  	_ =	swait.ge [sflag:s31], $0x8000  }
0x2be: {  	[sflag:s31] =	ssyncset.done $0x0  }
0x2bf: {  	[sflag:s31] =	ssyncadd.s32 $0xFFFF8000  }
0x2c0: {  	v6 =	vld [tilespmem:$0x700];
	_ =	sdelay $0x4  }
0x2c1: {  	v7 =	vshll.u32 v6, $0x3  }
0x2c2: {  	v6 =	vand.u32 $0x7F, v6;
	v7 =	vand.u32 $0xFFFFFC00, v7  }
0x2c3: {  	v6 =	vor.u32 v6, v7  }
0x2c4: {  	v6 =	vadd.s32 v1, v6;
	_ =	sdelay $0x4  }
0x2c5: {  	[tilespmem:v6+s28+$0x0] =	vst.idx.msk $0xffff, v0  }
0x2c6: {  	v6 =	vld [tilespmem:$0x710];
	_ =	sdelay $0x4  }
0x2c7: {  	v7 =	vshll.u32 v6, $0x3  }
0x2c8: {  	v6 =	vand.u32 $0x7F, v6;
	v7 =	vand.u32 $0xFFFFFC00, v7  }
0x2c9: {  	v6 =	vor.u32 v6, v7  }
0x2ca: {  	v6 =	vadd.s32 v3, v6;
	_ =	sdelay $0x4  }
0x2cb: {  	[tilespmem:v6+s28+$0x0] =	vst.idx.msk $0xffff, v0  }
0x2cc: {  	v6 =	vld [tilespmem:$0x720];
	_ =	sdelay $0x4  }
0x2cd: {  	v7 =	vshll.u32 v6, $0x3  }
0x2ce: {  	v6 =	vand.u32 $0x7F, v6;
	v7 =	vand.u32 $0xFFFFFC00, v7  }
0x2cf: {  	v6 =	vor.u32 v6, v7  }
0x2d0: {  	v6 =	vadd.s32 v4, v6;
	_ =	sdelay $0x4  }
0x2d1: {  	[tilespmem:v6+s28+$0x0] =	vst.idx.msk $0xffff, v0  }
0x2d2: {  	v6 =	vld [tilespmem:$0x730];
	_ =	sdelay $0x4  }
0x2d3: {  	v7 =	vshll.u32 v6, $0x3  }
0x2d4: {  	v6 =	vand.u32 $0x7F, v6;
	v7 =	vand.u32 $0xFFFFFC00, v7  }
0x2d5: {  	v6 =	vor.u32 v6, v7  }
0x2d6: {  	v6 =	vadd.s32 v5, v6;
	_ =	sdelay $0x4  }
0x2d7: {  	[tilespmem:v6+s28+$0x0] =	vst.idx.msk $0xffff, v0  }
0x2d8: {  	v6 =	vld [tilespmem:$0x7C0];
	_ =	sdelay $0x4  }
0x2d9: {  	v7 =	vshll.u32 v6, $0x3  }
0x2da: {  	v6 =	vand.u32 $0x7F, v6;
	v7 =	vand.u32 $0xFFFFFC00, v7  }
0x2db: {  	v6 =	vor.u32 v6, v7  }
0x2dc: {  	v6 =	vadd.s32 v1, v6;
	_ =	sdelay $0x4  }
0x2dd: {  	[tilespmem:v6+s28+$0x0] =	vst.idx.msk $0xffff, v2  }
0x2de: {  	v6 =	vld [tilespmem:$0x7D0];
	_ =	sdelay $0x4  }
0x2df: {  	v7 =	vshll.u32 v6, $0x3  }
0x2e0: {  	v6 =	vand.u32 $0x7F, v6;
	v7 =	vand.u32 $0xFFFFFC00, v7  }
0x2e1: {  	v6 =	vor.u32 v6, v7  }
0x2e2: {  	v6 =	vadd.s32 v3, v6;
	_ =	sdelay $0x4  }
0x2e3: {  	[tilespmem:v6+s28+$0x0] =	vst.idx.msk $0xffff, v2  }
0x2e4: {  	v6 =	vld [tilespmem:$0x7E0];
	_ =	sdelay $0x4  }
0x2e5: {  	v7 =	vshll.u32 v6, $0x3  }
0x2e6: {  	v6 =	vand.u32 $0x7F, v6;
	v7 =	vand.u32 $0xFFFFFC00, v7  }
0x2e7: {  	v6 =	vor.u32 v6, v7  }
0x2e8: {  	v6 =	vadd.s32 v4, v6;
	_ =	sdelay $0x4  }
0x2e9: {  	[tilespmem:v6+s28+$0x0] =	vst.idx.msk $0xffff, v2  }
0x2ea: {  	v6 =	vld [tilespmem:$0x7F0];
	_ =	sdelay $0x4  }
0x2eb: {  	v7 =	vshll.u32 v6, $0x3  }
0x2ec: {  	v6 =	vand.u32 $0x7F, v6;
	v7 =	vand.u32 $0xFFFFFC00, v7  }
0x2ed: {  	v6 =	vor.u32 v6, v7  }
0x2ee: {  	v6 =	vadd.s32 v5, v6;
	_ =	sdelay $0x4  }
0x2ef: {  	[tilespmem:v6+s28+$0x0] =	vst.idx.msk $0xffff, v2  }
0x2f0: {  	[hbm4b:s13+s1] =	stream.linear.scatter [tilespmem:s28], [sflag:$0x3], $0x8000, $0x38;
	[tilespmem:$0x18800] =	vst v63  }
0x2f1: {  	_ =	swait.ge [sflag:s0], $0x8000  }
0x2f2: {  	[sflag:s0] =	ssyncset.done $0x0  }
0x2f3: {  	s2 =	sadd.s32 $0x1, s2;
	[sflag:s0] =	ssyncadd.s32 $0xFFFF8000  }
0x2f4: {  	p0 =	sne.s32 s2, s14;
	_ =	swait.ge [sflag:s30], $0x8000  }
.Ltmp3:
0x2f5: {  	[sflag:s30] =	ssyncset.done $0x0;
	(pc) =	sbr.rel @p0 .LBB2_1-.Ltmp3, $4  }
0x2f6: {  	[sflag:s30] =	ssyncadd.s32 $0xFFFF8000  }
0x2f7: {  	_ =	swait.ge [sflag:s31], $0x8000  }
0x2f8: {  	[sflag:s31] =	ssyncset.done $0x0  }
0x2f9: {  	[sflag:s31] =	ssyncadd.s32 $0xFFFF8000  }
0x2fa: {  	_ =	sfence.sel $0x180000  }
0x2fb: {  	[bflag:$0x0] =	sbarrier.arrive $0xFFFF  }
0x2fc: {  	_ =	strace $0x90000047  }
0x2fd: {  	s0 =	stileid.u32;
	[bflag:$0x2] =	sbarrier.arrive $0xFFFF  }
0x2fe: {  	p0 =	sne.s32 s0, $0x0;
	s0 =	rddreg [dreg:$0x4]  }
0x2ff: {  	s0 =	sadd.s32 @!p0 $0x100000, s0  }
0x300: {  	[sflag:s0] =	ssyncadd.tile.s32 @!p0 $0x1;
	_ =	shalt  }
.Lfunc_end2:
_tile_overlayer_lowered:
.L_overlay_start_2:
0x301: {  	(tag) =	ssettag $0x2  }
0x302: {  	s0 =	rddreg [dreg:$0x0];
	s2 =	stileid.u32  }
0x303: {  	s1 =	rddreg [dreg:$0x1];
	p0 =	sne.s32 s2, $0x0  }
0x304: {  	s3 =	rddreg [dreg:$0x2];
	[bflag:$0x3] =	sbarrier.arrive $0xFFFF;
	s2 =	simm.s32 @!p0 $0x1C05  }
0x305: {  	[timem:s3], [sflag:s2] =	dma.local @!p0 [hbm:s0], s1  }
0x306: {  	s0 =	simm.s32 @!p0 $0x5  }
0x307: {  	_ =	swait.ge @!p0 [sflag:s0], s1  }
0x308: {  	s1 =	ssub.s32 @!p0 $0x0, s1;
	[sflag:s0] =	ssyncset.done @!p0 $0x0  }
0x309: {  	[sflag:s0] =	ssyncadd.s32 @!p0 s1  }
0x30a: {  	[bflag:$0x3] =	sbarrier.arrive $0xFFFF  }
0x30b: {  	_ =	shalt  }

</sc_bundles>
